<compile_context>
chip_gen: v7x
topology: tpu7x:2x2x1
jax: 0.10.2.dev20260603
libtpu: 0.0.44.dev20260713+nightly
codegen_flags: <defaults>
</compile_context>

<pallas_src>
import functools
import math

import jax
import jax.numpy as jnp
from jax import lax
from jax.experimental import pallas as pl
from jax.experimental.pallas import tpu as pltpu
from jax.experimental.pallas import tpu_sc as plsc

CLASS_DIM = 32
API_DIM = 64
CAT_DIM = CLASS_DIM + API_DIM
S32 = math.sqrt(float(CLASS_DIM))
S96 = math.sqrt(float(CAT_DIM))

NC = 2
NS = 16
NW = NC * NS
LANES = 16

B = 1024
L = 200
NGROUP = 8
NQ = 4
L_PER = L // NGROUP
B_CH = B // NQ
JT = B_CH // 128


@functools.lru_cache(maxsize=None)
def _make_sc_kernel():
    mesh = plsc.VectorSubcoreMesh(core_axis_name="c", subcore_axis_name="s")

    @functools.partial(
        pl.kernel,
        mesh=mesh,
        compiler_params=pltpu.CompilerParams(
            use_tc_tiling_on_sc=False, needs_layout_passes=False),
        out_type=(
            jax.ShapeDtypeStruct((L, CLASS_DIM // 8, B // 128, 8, 128),
                                 jnp.float32),
            jax.ShapeDtypeStruct((L, CAT_DIM // 8, B // 128, 8, 128),
                                 jnp.float32),
        ),
        scratch_types=[
            pltpu.VMEM((B_CH,), jnp.int32),
            pltpu.VMEM((B_CH,), jnp.int32),
            pltpu.VMEM((B_CH,), jnp.int32),
            pltpu.VMEM((B_CH,), jnp.int32),
            pltpu.VMEM((B_CH,), jnp.int32),
            pltpu.VMEM((B_CH,), jnp.int32),
            pltpu.VMEM((B_CH, CLASS_DIM), jnp.float32),
            pltpu.VMEM((B_CH, CLASS_DIM), jnp.float32),
            pltpu.VMEM((B_CH, 32), jnp.float32),
            pltpu.VMEM((B_CH, 32), jnp.float32),
            pltpu.VMEM((B_CH, 32), jnp.float32),
            pltpu.VMEM((B_CH, 32), jnp.float32),
            pltpu.VMEM((CLASS_DIM // 8, JT, 8, 144), jnp.float32),
            pltpu.VMEM((CAT_DIM // 8, JT, 8, 144), jnp.float32),
            pltpu.SemaphoreType.DMA,
            pltpu.SemaphoreType.DMA,
        ],
    )
    def k(cls_idx, api_idx, cls_tab, api_tab4, ot1, ot2,
          cidx0, cidx1, glo0, glo1, ghi0, ghi1,
          clsv0, clsv1, alov0, alov1, ahiv0, ahiv1, cls_pl, cat_pl,
          sem1, sem2):
        cidx = (cidx0, cidx1)
        glo = (glo0, glo1)
        ghi = (ghi0, ghi1)
        clsv = (clsv0, clsv1)
        alov = (alov0, alov1)
        ahiv = (ahiv0, ahiv1)

        wid = lax.axis_index("s") * NC + lax.axis_index("c")
        g = wid % NGROUP
        q = wid // NGROUP
        l0 = g * L_PER
        b0 = q * B_CH

        iota = lax.iota(jnp.int32, LANES)
        pl_i, pl_s = [], []
        for h in range(CAT_DIM // LANES):
            d = iota + h * LANES
            pl_i.append(lax.shift_right_logical(d, 3))
            pl_s.append(lax.bitwise_and(d, 7))

        def stage(j, s):
            pltpu.sync_copy(cls_idx.at[l0 + j, pl.ds(b0, B_CH)], cidx[s])
            pltpu.sync_copy(api_idx.at[l0 + j, pl.ds(b0, B_CH)], glo[s])

            def prep(t, carry):
                a = glo[s][pl.ds(t * LANES, LANES)]
                glo[s][pl.ds(t * LANES, LANES)] = a + a
                ghi[s][pl.ds(t * LANES, LANES)] = a + a + 1
                return carry
            lax.fori_loop(0, B_CH // LANES, prep, 0)

            pltpu.async_copy(cls_tab.at[cidx[s]], clsv[s], sem1)
            pltpu.async_copy(api_tab4.at[glo[s]], alov[s], sem2)
            pltpu.async_copy(api_tab4.at[ghi[s]], ahiv[s], sem2)

        def wait_gathers(s):
            pltpu.make_async_copy(cls_tab.at[cidx[s]], clsv[s], sem1).wait()
            pltpu.make_async_copy(api_tab4.at[glo[s]], alov[s], sem2).wait()
            pltpu.make_async_copy(api_tab4.at[ghi[s]], ahiv[s], sem2).wait()

        def compute_and_emit(j, s):
            def row_body(r, carry):
                jj = lax.shift_right_logical(r, 7)
                c = lax.bitwise_and(r, 127)
                jj_v = jnp.broadcast_to(jj, (LANES,))
                c_v = jnp.broadcast_to(c, (LANES,))
                for h in range(CLASS_DIM // LANES):
                    v = clsv[s][r, pl.ds(h * LANES, LANES)]
                    plsc.store_scatter(cat_pl, [pl_i[h], jj_v, pl_s[h], c_v],
                                       v * S96)
                    plsc.store_scatter(cls_pl, [pl_i[h], jj_v, pl_s[h], c_v],
                                       v * S32)
                for h in range(2):
                    v = alov[s][r, pl.ds(h * LANES, LANES)]
                    plsc.store_scatter(cat_pl,
                                       [pl_i[2 + h], jj_v, pl_s[2 + h], c_v],
                                       v * S96)
                for h in range(2):
                    v = ahiv[s][r, pl.ds(h * LANES, LANES)]
                    plsc.store_scatter(cat_pl,
                                       [pl_i[4 + h], jj_v, pl_s[4 + h], c_v],
                                       v * S96)
                return carry

            lax.fori_loop(0, B_CH, row_body, 0)

            pltpu.sync_copy(cls_pl.at[:, :, :, pl.ds(0, 128)],
                            ot1.at[l0 + j, :, pl.ds(q * JT, JT), :, :])
            pltpu.sync_copy(cat_pl.at[:, :, :, pl.ds(0, 128)],
                            ot2.at[l0 + j, :, pl.ds(q * JT, JT), :, :])

        stage(0, 0)

        def two_chunks(t, carry):
            jb = 2 * t
            wait_gathers(0)
            stage(jb + 1, 1)
            compute_and_emit(jb, 0)
            wait_gathers(1)
            stage(jb + 2, 0)
            compute_and_emit(jb + 1, 1)
            return carry

        lax.fori_loop(0, (L_PER - 1) // 2, two_chunks, 0)
        if L_PER % 2:
            wait_gathers(0)
            compute_and_emit(L_PER - 1, 0)
        else:
            wait_gathers(0)
            stage(L_PER - 1, 1)
            compute_and_emit(L_PER - 2, 0)
            wait_gathers(1)
            compute_and_emit(L_PER - 1, 1)

    return k


def kernel(class_seq, api_seq, class_table, api_table):
    cls_idx = class_seq.T.astype(jnp.int32)
    api_idx = api_seq.T.astype(jnp.int32)
    api_pairs = api_table.reshape(-1, 32)
    ot1, ot2 = _make_sc_kernel()(cls_idx, api_idx, class_table, api_pairs)
    out1 = ot1.transpose(2, 4, 0, 1, 3).reshape(B, L, CLASS_DIM)
    out2 = ot2.transpose(2, 4, 0, 1, 3).reshape(B, L, CAT_DIM)
    return (out1, out2)

# --- scband reference (transcript-rebuilt; emitter-appended) ---
"""Pipeline reference for scband-apiemb-layer-12300786336249 (READ-ONLY COPY).

The authoritative reference and input builder live on the scoring server;
editing this copy changes nothing except your own understanding.
"""

import jax, jax.numpy as jnp
import numpy as np
import math

API_VOCAB = 1000000
API_DIM = 64
CLASS_VOCAB = 100000
CLASS_DIM = 32
B = 1024
L = 200


def setup_inputs(seed: int = 0) -> dict:
    key = jax.random.key(seed)
    k1, k2, k3, k4 = jax.random.split(key, 4)
    class_seq = jax.random.randint(k1, (B, L), 0, CLASS_VOCAB)
    api_seq = jax.random.randint(k2, (B, L), 0, API_VOCAB)
    # Embedding tables (nn.Embedding default init ~ N(0,1)); padding_idx=0 row zeroed
    class_table = jax.random.normal(k3, (CLASS_VOCAB, CLASS_DIM), dtype=jnp.float32).at[0].set(0.0)
    api_table = jax.random.normal(k4, (API_VOCAB, API_DIM), dtype=jnp.float32).at[0].set(0.0)
    return {"class_seq": class_seq, "api_seq": api_seq, "class_table": class_table, "api_table": api_table}


def reference(class_seq, api_seq, class_table, api_table):
    # class_emb = self.class_emb_layer(class_seq)
    class_emb = jnp.take(class_table, class_seq, axis=0)
    # api_emb = self.api_emb_layer(api_seq)
    api_emb = jnp.take(api_table, api_seq, axis=0)
    # api_emb = torch.cat((class_emb, api_emb), dim=-1)
    api_cat = jnp.concatenate([class_emb, api_emb], axis=-1)
    d_model = CLASS_DIM + API_DIM
    return (class_emb * math.sqrt(CLASS_DIM), api_cat * math.sqrt(d_model))

if __name__ == "__main__":
    import jax
    _d = setup_inputs()
    print(jax.jit(kernel)(*tuple(_d.values())))

</pallas_src>

<mosaic_0001>
#map = affine_map<(d0, d1) -> (0, 0)>
#map1 = affine_map<(d0, d1) -> (0, 0, 0, 0, 0)>
module attributes {stable_mosaic.version = 14 : i64} {
  func.func @k(%arg0: i32, %arg1: i32, %arg2: memref<200x1024xi32, #tpu.memory_space<hbm>>, %arg3: memref<200x1024xi32, #tpu.memory_space<hbm>>, %arg4: memref<100000x32xf32, #tpu.memory_space<hbm>>, %arg5: memref<2000000x32xf32, #tpu.memory_space<hbm>>, %arg6: memref<200x4x8x8x128xf32, #tpu.memory_space<hbm>>, %arg7: memref<200x12x8x8x128xf32, #tpu.memory_space<hbm>>, %arg8: memref<256xi32, #tpu.memory_space<vmem>>, %arg9: memref<256xi32, #tpu.memory_space<vmem>>, %arg10: memref<256xi32, #tpu.memory_space<vmem>>, %arg11: memref<256xi32, #tpu.memory_space<vmem>>, %arg12: memref<256xi32, #tpu.memory_space<vmem>>, %arg13: memref<256xi32, #tpu.memory_space<vmem>>, %arg14: memref<256x32xf32, #tpu.memory_space<vmem>>, %arg15: memref<256x32xf32, #tpu.memory_space<vmem>>, %arg16: memref<256x32xf32, #tpu.memory_space<vmem>>, %arg17: memref<256x32xf32, #tpu.memory_space<vmem>>, %arg18: memref<256x32xf32, #tpu.memory_space<vmem>>, %arg19: memref<256x32xf32, #tpu.memory_space<vmem>>, %arg20: memref<4x2x8x144xf32, #tpu.memory_space<vmem>>, %arg21: memref<12x2x8x144xf32, #tpu.memory_space<vmem>>, %arg22: memref<!tpu.dma_semaphore, #tpu.memory_space<semaphore_mem>>, %arg23: memref<!tpu.dma_semaphore, #tpu.memory_space<semaphore_mem>>) attributes {dimension_semantics = [#tpu.dimension_semantics<core_parallel>, #tpu.dimension_semantics<subcore_parallel>], iteration_bounds = array<i64: 2, 16>, scalar_prefetch = 0 : i64, scratch_operands = 16 : i64, tpu.core_type = #tpu.core_type<sc_vector_subcore>, window_params = [{transform_indices = #map}, {transform_indices = #map}, {transform_indices = #map}, {transform_indices = #map}, {transform_indices = #map1}, {transform_indices = #map1}]} {
    %mul3A = arith.constant 2 : i32
    %mul3A_0 = arith.muli %arg1, %mul3A : i32
    %add3A = arith.addi %mul3A_0, %arg0 : i32
    %jit3A = arith.constant 8 : i32
    %eq3A = arith.constant 0 : i32
    %eq3A_1 = arith.cmpi eq, %jit3A, %eq3A : i32
    %jit3A_2 = arith.constant 1 : i32
    %select_n3A = arith.select %eq3A_1, %jit3A_2, %jit3A : i32
    %rem3A = arith.remsi %add3A, %select_n3A : i32
    %ne3A = arith.constant 0 : i32
    %ne3A_3 = arith.cmpi ne, %rem3A, %ne3A : i32
    %lt3A = arith.constant 0 : i32
    %lt3A_4 = arith.cmpi slt, %rem3A, %lt3A : i32
    %lt3A_5 = arith.constant 0 : i32
    %lt3A_6 = arith.cmpi slt, %select_n3A, %lt3A_5 : i32
    %ne3A_7 = arith.xori %lt3A_4, %lt3A_6 : i1
    %and3A = arith.andi %ne3A_7, %ne3A_3 : i1
    %add3A_8 = arith.addi %rem3A, %select_n3A : i32
    %select_n3A_9 = arith.select %and3A, %add3A_8, %rem3A : i32
    %jit3A_10 = arith.constant 8 : i32
    %div3A = arith.divsi %add3A, %jit3A_10 : i32
    %sign3A = arith.constant 0 : i32
    %sign3A_11 = arith.cmpi sgt, %add3A, %sign3A : i32
    %sign3A_12 = arith.extui %sign3A_11 : i1 to i32
    %sign3A_13 = arith.constant 0 : i32
    %sign3A_14 = arith.cmpi slt, %add3A, %sign3A_13 : i32
    %sign3A_15 = arith.extui %sign3A_14 : i1 to i32
    %sign3A_16 = arith.subi %sign3A_12, %sign3A_15 : i32
    %sign3A_17 = arith.constant 0 : i32
    %sign3A_18 = arith.cmpi sgt, %jit3A_10, %sign3A_17 : i32
    %sign3A_19 = arith.extui %sign3A_18 : i1 to i32
    %sign3A_20 = arith.constant 0 : i32
    %sign3A_21 = arith.cmpi slt, %jit3A_10, %sign3A_20 : i32
    %sign3A_22 = arith.extui %sign3A_21 : i1 to i32
    %sign3A_23 = arith.subi %sign3A_19, %sign3A_22 : i32
    %ne3A_24 = arith.cmpi ne, %sign3A_16, %sign3A_23 : i32
    %rem3A_25 = arith.remsi %add3A, %jit3A_10 : i32
    %ne3A_26 = arith.constant 0 : i32
    %ne3A_27 = arith.cmpi ne, %rem3A_25, %ne3A_26 : i32
    %and3A_28 = arith.andi %ne3A_24, %ne3A_27 : i1
    %sub3A = arith.constant 1 : i32
    %sub3A_29 = arith.subi %div3A, %sub3A : i32
    %select_n3A_30 = arith.select %and3A_28, %sub3A_29, %div3A : i32
    %mul3A_31 = arith.constant 25 : i32
    %mul3A_32 = arith.muli %select_n3A_9, %mul3A_31 : i32
    %mul3A_33 = arith.constant 256 : i32
    %mul3A_34 = arith.muli %select_n3A_30, %mul3A_33 : i32
    %iota3A = tpu.iota {dimensions = array<i32: 0>} : vector<16xi32>
    %add3A_35 = arith.constant 0 : i32
    %add3A_36 = vector.broadcast %add3A_35 : i32 to vector<16xi32>
    %add3A_37 = arith.addi %iota3A, %add3A_36 : vector<16xi32>
    %shift_right_logical3A = arith.constant 3 : i32
    %shift_right_logical3A_38 = vector.broadcast %shift_right_logical3A : i32 to vector<16xi32>
    %shift_right_logical3A_39 = arith.shrui %add3A_37, %shift_right_logical3A_38 : vector<16xi32>
    %and3A_40 = arith.constant 7 : i32
    %and3A_41 = vector.broadcast %and3A_40 : i32 to vector<16xi32>
    %and3A_42 = arith.andi %add3A_37, %and3A_41 : vector<16xi32>
    %add3A_43 = arith.constant 16 : i32
    %add3A_44 = vector.broadcast %add3A_43 : i32 to vector<16xi32>
    %add3A_45 = arith.addi %iota3A, %add3A_44 : vector<16xi32>
    %shift_right_logical3A_46 = arith.constant 3 : i32
    %shift_right_logical3A_47 = vector.broadcast %shift_right_logical3A_46 : i32 to vector<16xi32>
    %shift_right_logical3A_48 = arith.shrui %add3A_45, %shift_right_logical3A_47 : vector<16xi32>
    %and3A_49 = arith.constant 7 : i32
    %and3A_50 = vector.broadcast %and3A_49 : i32 to vector<16xi32>
    %and3A_51 = arith.andi %add3A_45, %and3A_50 : vector<16xi32>
    %add3A_52 = arith.constant 32 : i32
    %add3A_53 = vector.broadcast %add3A_52 : i32 to vector<16xi32>
    %add3A_54 = arith.addi %iota3A, %add3A_53 : vector<16xi32>
    %shift_right_logical3A_55 = arith.constant 3 : i32
    %shift_right_logical3A_56 = vector.broadcast %shift_right_logical3A_55 : i32 to vector<16xi32>
    %shift_right_logical3A_57 = arith.shrui %add3A_54, %shift_right_logical3A_56 : vector<16xi32>
    %and3A_58 = arith.constant 7 : i32
    %and3A_59 = vector.broadcast %and3A_58 : i32 to vector<16xi32>
    %and3A_60 = arith.andi %add3A_54, %and3A_59 : vector<16xi32>
    %add3A_61 = arith.constant 48 : i32
    %add3A_62 = vector.broadcast %add3A_61 : i32 to vector<16xi32>
    %add3A_63 = arith.addi %iota3A, %add3A_62 : vector<16xi32>
    %shift_right_logical3A_64 = arith.constant 3 : i32
    %shift_right_logical3A_65 = vector.broadcast %shift_right_logical3A_64 : i32 to vector<16xi32>
    %shift_right_logical3A_66 = arith.shrui %add3A_63, %shift_right_logical3A_65 : vector<16xi32>
    %and3A_67 = arith.constant 7 : i32
    %and3A_68 = vector.broadcast %and3A_67 : i32 to vector<16xi32>
    %and3A_69 = arith.andi %add3A_63, %and3A_68 : vector<16xi32>
    %add3A_70 = arith.constant 64 : i32
    %add3A_71 = vector.broadcast %add3A_70 : i32 to vector<16xi32>
    %add3A_72 = arith.addi %iota3A, %add3A_71 : vector<16xi32>
    %shift_right_logical3A_73 = arith.constant 3 : i32
    %shift_right_logical3A_74 = vector.broadcast %shift_right_logical3A_73 : i32 to vector<16xi32>
    %shift_right_logical3A_75 = arith.shrui %add3A_72, %shift_right_logical3A_74 : vector<16xi32>
    %and3A_76 = arith.constant 7 : i32
    %and3A_77 = vector.broadcast %and3A_76 : i32 to vector<16xi32>
    %and3A_78 = arith.andi %add3A_72, %and3A_77 : vector<16xi32>
    %add3A_79 = arith.constant 80 : i32
    %add3A_80 = vector.broadcast %add3A_79 : i32 to vector<16xi32>
    %add3A_81 = arith.addi %iota3A, %add3A_80 : vector<16xi32>
    %shift_right_logical3A_82 = arith.constant 3 : i32
    %shift_right_logical3A_83 = vector.broadcast %shift_right_logical3A_82 : i32 to vector<16xi32>
    %shift_right_logical3A_84 = arith.shrui %add3A_81, %shift_right_logical3A_83 : vector<16xi32>
    %and3A_85 = arith.constant 7 : i32
    %and3A_86 = vector.broadcast %and3A_85 : i32 to vector<16xi32>
    %and3A_87 = arith.andi %add3A_81, %and3A_86 : vector<16xi32>
    %add3A_88 = arith.constant 0 : i32
    %add3A_89 = arith.addi %mul3A_32, %add3A_88 : i32
    "tpu.region"() ({
      %run_scoped3A = tpu.sem_alloc : memref<!tpu.dma_semaphore, #tpu.memory_space<semaphore_mem>>
      %dma_start3A_133 = tpu.memref_slice %arg2[%add3A_89, %mul3A_34] : memref<200x1024xi32, #tpu.memory_space<hbm>> -> memref<1x256xi32, #tpu.memory_space<hbm>>
      %dma_start3A_134 = tpu.memref_squeeze %dma_start3A_133 : memref<1x256xi32, #tpu.memory_space<hbm>> -> memref<256xi32, #tpu.memory_space<hbm>>
      %dma_start3A_135 = tpu.memref_slice %arg2[%add3A_89, %mul3A_34] : memref<200x1024xi32, #tpu.memory_space<hbm>> -> memref<1x256xi32, #tpu.memory_space<hbm>>
      %dma_start3A_136 = tpu.memref_squeeze %dma_start3A_135 : memref<1x256xi32, #tpu.memory_space<hbm>> -> memref<256xi32, #tpu.memory_space<hbm>>
      tpu.enqueue_dma source(%dma_start3A_136 : memref<256xi32, #tpu.memory_space<hbm>>) target(%arg8 : memref<256xi32, #tpu.memory_space<vmem>>) target_semaphore(%run_scoped3A : memref<!tpu.dma_semaphore, #tpu.memory_space<semaphore_mem>>)
      %dma_wait3A_137 = tpu.memref_slice %arg2[%add3A_89, %mul3A_34] : memref<200x1024xi32, #tpu.memory_space<hbm>> -> memref<1x256xi32, #tpu.memory_space<hbm>>
      %dma_wait3A_138 = tpu.memref_squeeze %dma_wait3A_137 : memref<1x256xi32, #tpu.memory_space<hbm>> -> memref<256xi32, #tpu.memory_space<hbm>>
      %dma_wait3A_139 = tpu.memref_slice %arg2[%add3A_89, %mul3A_34] : memref<200x1024xi32, #tpu.memory_space<hbm>> -> memref<1x256xi32, #tpu.memory_space<hbm>>
      %dma_wait3A_140 = tpu.memref_squeeze %dma_wait3A_139 : memref<1x256xi32, #tpu.memory_space<hbm>> -> memref<256xi32, #tpu.memory_space<hbm>>
      tpu.wait_dma2 semaphore(%run_scoped3A : memref<!tpu.dma_semaphore, #tpu.memory_space<semaphore_mem>>) src(%dma_wait3A_140 : memref<256xi32, #tpu.memory_space<hbm>>) dst(%arg8 : memref<256xi32, #tpu.memory_space<vmem>>)
      tpu.yield
    }) : () -> ()
    %add3A_90 = arith.constant 0 : i32
    %add3A_91 = arith.addi %mul3A_32, %add3A_90 : i32
    "tpu.region"() ({
      %run_scoped3A = tpu.sem_alloc : memref<!tpu.dma_semaphore, #tpu.memory_space<semaphore_mem>>
      %dma_start3A_133 = tpu.memref_slice %arg3[%add3A_91, %mul3A_34] : memref<200x1024xi32, #tpu.memory_space<hbm>> -> memref<1x256xi32, #tpu.memory_space<hbm>>
      %dma_start3A_134 = tpu.memref_squeeze %dma_start3A_133 : memref<1x256xi32, #tpu.memory_space<hbm>> -> memref<256xi32, #tpu.memory_space<hbm>>
      %dma_start3A_135 = tpu.memref_slice %arg3[%add3A_91, %mul3A_34] : memref<200x1024xi32, #tpu.memory_space<hbm>> -> memref<1x256xi32, #tpu.memory_space<hbm>>
      %dma_start3A_136 = tpu.memref_squeeze %dma_start3A_135 : memref<1x256xi32, #tpu.memory_space<hbm>> -> memref<256xi32, #tpu.memory_space<hbm>>
      tpu.enqueue_dma source(%dma_start3A_136 : memref<256xi32, #tpu.memory_space<hbm>>) target(%arg10 : memref<256xi32, #tpu.memory_space<vmem>>) target_semaphore(%run_scoped3A : memref<!tpu.dma_semaphore, #tpu.memory_space<semaphore_mem>>)
      %dma_wait3A_137 = tpu.memref_slice %arg3[%add3A_91, %mul3A_34] : memref<200x1024xi32, #tpu.memory_space<hbm>> -> memref<1x256xi32, #tpu.memory_space<hbm>>
      %dma_wait3A_138 = tpu.memref_squeeze %dma_wait3A_137 : memref<1x256xi32, #tpu.memory_space<hbm>> -> memref<256xi32, #tpu.memory_space<hbm>>
      %dma_wait3A_139 = tpu.memref_slice %arg3[%add3A_91, %mul3A_34] : memref<200x1024xi32, #tpu.memory_space<hbm>> -> memref<1x256xi32, #tpu.memory_space<hbm>>
      %dma_wait3A_140 = tpu.memref_squeeze %dma_wait3A_139 : memref<1x256xi32, #tpu.memory_space<hbm>> -> memref<256xi32, #tpu.memory_space<hbm>>
      tpu.wait_dma2 semaphore(%run_scoped3A : memref<!tpu.dma_semaphore, #tpu.memory_space<semaphore_mem>>) src(%dma_wait3A_140 : memref<256xi32, #tpu.memory_space<hbm>>) dst(%arg10 : memref<256xi32, #tpu.memory_space<vmem>>)
      tpu.yield
    }) : () -> ()
    %scan3A = arith.constant 0 : i32
    %scan3A_92 = arith.constant 0 : i32
    %scan3A_93 = arith.constant 16 : i32
    %scan3A_94 = arith.addi %scan3A_92, %scan3A_93 : i32
    %scan3A_95 = arith.constant 1 : i32
    scf.for %scan3A_133 = %scan3A_92 to %scan3A_94 step %scan3A_95  : i32 {
      %mul3A_134 = arith.constant 16 : i32
      %mul3A_135 = arith.muli %scan3A_133, %mul3A_134 : i32
      %get3A = arith.index_cast %mul3A_135 : i32 to index
      %get3A_136 = tpu.vector_load %arg10[%get3A] {strides = array<i32>} : memref<256xi32, #tpu.memory_space<vmem>>, vector<16xi32>,
      %add3A_137 = arith.addi %get3A_136, %get3A_136 : vector<16xi32>
      %mul3A_138 = arith.constant 16 : i32
      %mul3A_139 = arith.muli %scan3A_133, %mul3A_138 : i32
      %swap3A = arith.index_cast %mul3A_139 : i32 to index
      %swap3A_140 = tpu.vector_load %arg10[%swap3A] {strides = array<i32>} : memref<256xi32, #tpu.memory_space<vmem>>, vector<16xi32>,
      tpu.vector_store %arg10[%swap3A], %add3A_137 {strides = array<i32>} : memref<256xi32, #tpu.memory_space<vmem>>, vector<16xi32>,
      %add3A_141 = arith.addi %get3A_136, %get3A_136 : vector<16xi32>
      %add3A_142 = arith.constant 1 : i32
      %add3A_143 = vector.broadcast %add3A_142 : i32 to vector<16xi32>
      %add3A_144 = arith.addi %add3A_141, %add3A_143 : vector<16xi32>
      %mul3A_145 = arith.constant 16 : i32
      %mul3A_146 = arith.muli %scan3A_133, %mul3A_145 : i32
      %swap3A_147 = arith.index_cast %mul3A_146 : i32 to index
      %swap3A_148 = tpu.vector_load %arg12[%swap3A_147] {strides = array<i32>} : memref<256xi32, #tpu.memory_space<vmem>>, vector<16xi32>,
      tpu.vector_store %arg12[%swap3A_147], %add3A_144 {strides = array<i32>} : memref<256xi32, #tpu.memory_space<vmem>>, vector<16xi32>,
    }
    %scan3A_96 = arith.constant 16 : i32
    %dma_start3A = arith.constant 0 : i32
    %dma_start3A_97 = arith.constant 0 : i32
    %dma_start3A_98 = tpu.memref_slice %arg4[%dma_start3A, %dma_start3A_97] : memref<100000x32xf32, #tpu.memory_space<hbm>> -> memref<100000x32xf32, #tpu.memory_space<hbm>>
    tpu.enqueue_indirect_dma source(%dma_start3A_98 : memref<100000x32xf32, #tpu.memory_space<hbm>>) target(%arg14 : memref<256x32xf32, #tpu.memory_space<vmem>>) offsets(%arg8 : memref<256xi32, #tpu.memory_space<vmem>>) semaphore(%arg22 : memref<!tpu.dma_semaphore, #tpu.memory_space<semaphore_mem>>)
    %dma_start3A_99 = arith.constant 0 : i32
    %dma_start3A_100 = arith.constant 0 : i32
    %dma_start3A_101 = tpu.memref_slice %arg5[%dma_start3A_99, %dma_start3A_100] : memref<2000000x32xf32, #tpu.memory_space<hbm>> -> memref<2000000x32xf32, #tpu.memory_space<hbm>>
    tpu.enqueue_indirect_dma source(%dma_start3A_101 : memref<2000000x32xf32, #tpu.memory_space<hbm>>) target(%arg16 : memref<256x32xf32, #tpu.memory_space<vmem>>) offsets(%arg10 : memref<256xi32, #tpu.memory_space<vmem>>) semaphore(%arg23 : memref<!tpu.dma_semaphore, #tpu.memory_space<semaphore_mem>>)
    %dma_start3A_102 = arith.constant 0 : i32
    %dma_start3A_103 = arith.constant 0 : i32
    %dma_start3A_104 = tpu.memref_slice %arg5[%dma_start3A_102, %dma_start3A_103] : memref<2000000x32xf32, #tpu.memory_space<hbm>> -> memref<2000000x32xf32, #tpu.memory_space<hbm>>
    tpu.enqueue_indirect_dma source(%dma_start3A_104 : memref<2000000x32xf32, #tpu.memory_space<hbm>>) target(%arg18 : memref<256x32xf32, #tpu.memory_space<vmem>>) offsets(%arg12 : memref<256xi32, #tpu.memory_space<vmem>>) semaphore(%arg23 : memref<!tpu.dma_semaphore, #tpu.memory_space<semaphore_mem>>)
    %scan3A_105 = arith.constant 0 : i32
    %scan3A_106 = arith.constant 0 : i32
    %scan3A_107 = arith.constant 12 : i32
    %scan3A_108 = arith.addi %scan3A_106, %scan3A_107 : i32
    %scan3A_109 = arith.constant 1 : i32
    scf.for %scan3A_133 = %scan3A_106 to %scan3A_108 step %scan3A_109  : i32 {
      %mul3A_134 = arith.constant 2 : i32
      %mul3A_135 = arith.muli %mul3A_134, %scan3A_133 : i32
      %dma_wait3A_136 = arith.constant 0 : i32
      %dma_wait3A_137 = arith.constant 0 : i32
      %dma_wait3A_138 = tpu.memref_slice %arg4[%dma_wait3A_136, %dma_wait3A_137] : memref<100000x32xf32, #tpu.memory_space<hbm>> -> memref<100000x32xf32, #tpu.memory_space<hbm>>
      tpu.wait_indirect_dma semaphore(%arg22 : memref<!tpu.dma_semaphore, #tpu.memory_space<semaphore_mem>>) src(%dma_wait3A_138 : memref<100000x32xf32, #tpu.memory_space<hbm>>) dst(%arg14 : memref<256x32xf32, #tpu.memory_space<vmem>>)
      %dma_wait3A_139 = arith.constant 0 : i32
      %dma_wait3A_140 = arith.constant 0 : i32
      %dma_wait3A_141 = tpu.memref_slice %arg5[%dma_wait3A_139, %dma_wait3A_140] : memref<2000000x32xf32, #tpu.memory_space<hbm>> -> memref<2000000x32xf32, #tpu.memory_space<hbm>>
      tpu.wait_indirect_dma semaphore(%arg23 : memref<!tpu.dma_semaphore, #tpu.memory_space<semaphore_mem>>) src(%dma_wait3A_141 : memref<2000000x32xf32, #tpu.memory_space<hbm>>) dst(%arg16 : memref<256x32xf32, #tpu.memory_space<vmem>>)
      %dma_wait3A_142 = arith.constant 0 : i32
      %dma_wait3A_143 = arith.constant 0 : i32
      %dma_wait3A_144 = tpu.memref_slice %arg5[%dma_wait3A_142, %dma_wait3A_143] : memref<2000000x32xf32, #tpu.memory_space<hbm>> -> memref<2000000x32xf32, #tpu.memory_space<hbm>>
      tpu.wait_indirect_dma semaphore(%arg23 : memref<!tpu.dma_semaphore, #tpu.memory_space<semaphore_mem>>) src(%dma_wait3A_144 : memref<2000000x32xf32, #tpu.memory_space<hbm>>) dst(%arg18 : memref<256x32xf32, #tpu.memory_space<vmem>>)
      %add3A_145 = arith.constant 1 : i32
      %add3A_146 = arith.addi %mul3A_135, %add3A_145 : i32
      %add3A_147 = arith.addi %mul3A_32, %add3A_146 : i32
      "tpu.region"() ({
        %run_scoped3A = tpu.sem_alloc : memref<!tpu.dma_semaphore, #tpu.memory_space<semaphore_mem>>
        %dma_start3A_218 = tpu.memref_slice %arg2[%add3A_147, %mul3A_34] : memref<200x1024xi32, #tpu.memory_space<hbm>> -> memref<1x256xi32, #tpu.memory_space<hbm>>
        %dma_start3A_219 = tpu.memref_squeeze %dma_start3A_218 : memref<1x256xi32, #tpu.memory_space<hbm>> -> memref<256xi32, #tpu.memory_space<hbm>>
        %dma_start3A_220 = tpu.memref_slice %arg2[%add3A_147, %mul3A_34] : memref<200x1024xi32, #tpu.memory_space<hbm>> -> memref<1x256xi32, #tpu.memory_space<hbm>>
        %dma_start3A_221 = tpu.memref_squeeze %dma_start3A_220 : memref<1x256xi32, #tpu.memory_space<hbm>> -> memref<256xi32, #tpu.memory_space<hbm>>
        tpu.enqueue_dma source(%dma_start3A_221 : memref<256xi32, #tpu.memory_space<hbm>>) target(%arg9 : memref<256xi32, #tpu.memory_space<vmem>>) target_semaphore(%run_scoped3A : memref<!tpu.dma_semaphore, #tpu.memory_space<semaphore_mem>>)
        %dma_wait3A_222 = tpu.memref_slice %arg2[%add3A_147, %mul3A_34] : memref<200x1024xi32, #tpu.memory_space<hbm>> -> memref<1x256xi32, #tpu.memory_space<hbm>>
        %dma_wait3A_223 = tpu.memref_squeeze %dma_wait3A_222 : memref<1x256xi32, #tpu.memory_space<hbm>> -> memref<256xi32, #tpu.memory_space<hbm>>
        %dma_wait3A_224 = tpu.memref_slice %arg2[%add3A_147, %mul3A_34] : memref<200x1024xi32, #tpu.memory_space<hbm>> -> memref<1x256xi32, #tpu.memory_space<hbm>>
        %dma_wait3A_225 = tpu.memref_squeeze %dma_wait3A_224 : memref<1x256xi32, #tpu.memory_space<hbm>> -> memref<256xi32, #tpu.memory_space<hbm>>
        tpu.wait_dma2 semaphore(%run_scoped3A : memref<!tpu.dma_semaphore, #tpu.memory_space<semaphore_mem>>) src(%dma_wait3A_225 : memref<256xi32, #tpu.memory_space<hbm>>) dst(%arg9 : memref<256xi32, #tpu.memory_space<vmem>>)
        tpu.yield
      }) : () -> ()
      %add3A_148 = arith.addi %mul3A_32, %add3A_146 : i32
      "tpu.region"() ({
        %run_scoped3A = tpu.sem_alloc : memref<!tpu.dma_semaphore, #tpu.memory_space<semaphore_mem>>
        %dma_start3A_218 = tpu.memref_slice %arg3[%add3A_148, %mul3A_34] : memref<200x1024xi32, #tpu.memory_space<hbm>> -> memref<1x256xi32, #tpu.memory_space<hbm>>
        %dma_start3A_219 = tpu.memref_squeeze %dma_start3A_218 : memref<1x256xi32, #tpu.memory_space<hbm>> -> memref<256xi32, #tpu.memory_space<hbm>>
        %dma_start3A_220 = tpu.memref_slice %arg3[%add3A_148, %mul3A_34] : memref<200x1024xi32, #tpu.memory_space<hbm>> -> memref<1x256xi32, #tpu.memory_space<hbm>>
        %dma_start3A_221 = tpu.memref_squeeze %dma_start3A_220 : memref<1x256xi32, #tpu.memory_space<hbm>> -> memref<256xi32, #tpu.memory_space<hbm>>
        tpu.enqueue_dma source(%dma_start3A_221 : memref<256xi32, #tpu.memory_space<hbm>>) target(%arg11 : memref<256xi32, #tpu.memory_space<vmem>>) target_semaphore(%run_scoped3A : memref<!tpu.dma_semaphore, #tpu.memory_space<semaphore_mem>>)
        %dma_wait3A_222 = tpu.memref_slice %arg3[%add3A_148, %mul3A_34] : memref<200x1024xi32, #tpu.memory_space<hbm>> -> memref<1x256xi32, #tpu.memory_space<hbm>>
        %dma_wait3A_223 = tpu.memref_squeeze %dma_wait3A_222 : memref<1x256xi32, #tpu.memory_space<hbm>> -> memref<256xi32, #tpu.memory_space<hbm>>
        %dma_wait3A_224 = tpu.memref_slice %arg3[%add3A_148, %mul3A_34] : memref<200x1024xi32, #tpu.memory_space<hbm>> -> memref<1x256xi32, #tpu.memory_space<hbm>>
        %dma_wait3A_225 = tpu.memref_squeeze %dma_wait3A_224 : memref<1x256xi32, #tpu.memory_space<hbm>> -> memref<256xi32, #tpu.memory_space<hbm>>
        tpu.wait_dma2 semaphore(%run_scoped3A : memref<!tpu.dma_semaphore, #tpu.memory_space<semaphore_mem>>) src(%dma_wait3A_225 : memref<256xi32, #tpu.memory_space<hbm>>) dst(%arg11 : memref<256xi32, #tpu.memory_space<vmem>>)
        tpu.yield
      }) : () -> ()
      %scan3A_149 = arith.constant 0 : i32
      %scan3A_150 = arith.constant 0 : i32
      %scan3A_151 = arith.constant 16 : i32
      %scan3A_152 = arith.addi %scan3A_150, %scan3A_151 : i32
      %scan3A_153 = arith.constant 1 : i32
      scf.for %scan3A_218 = %scan3A_150 to %scan3A_152 step %scan3A_153  : i32 {
        %mul3A_219 = arith.constant 16 : i32
        %mul3A_220 = arith.muli %scan3A_218, %mul3A_219 : i32
        %get3A = arith.index_cast %mul3A_220 : i32 to index
        %get3A_221 = tpu.vector_load %arg11[%get3A] {strides = array<i32>} : memref<256xi32, #tpu.memory_space<vmem>>, vector<16xi32>,
        %add3A_222 = arith.addi %get3A_221, %get3A_221 : vector<16xi32>
        %mul3A_223 = arith.constant 16 : i32
        %mul3A_224 = arith.muli %scan3A_218, %mul3A_223 : i32
        %swap3A = arith.index_cast %mul3A_224 : i32 to index
        %swap3A_225 = tpu.vector_load %arg11[%swap3A] {strides = array<i32>} : memref<256xi32, #tpu.memory_space<vmem>>, vector<16xi32>,
        tpu.vector_store %arg11[%swap3A], %add3A_222 {strides = array<i32>} : memref<256xi32, #tpu.memory_space<vmem>>, vector<16xi32>,
        %add3A_226 = arith.addi %get3A_221, %get3A_221 : vector<16xi32>
        %add3A_227 = arith.constant 1 : i32
        %add3A_228 = vector.broadcast %add3A_227 : i32 to vector<16xi32>
        %add3A_229 = arith.addi %add3A_226, %add3A_228 : vector<16xi32>
        %mul3A_230 = arith.constant 16 : i32
        %mul3A_231 = arith.muli %scan3A_218, %mul3A_230 : i32
        %swap3A_232 = arith.index_cast %mul3A_231 : i32 to index
        %swap3A_233 = tpu.vector_load %arg13[%swap3A_232] {strides = array<i32>} : memref<256xi32, #tpu.memory_space<vmem>>, vector<16xi32>,
        tpu.vector_store %arg13[%swap3A_232], %add3A_229 {strides = array<i32>} : memref<256xi32, #tpu.memory_space<vmem>>, vector<16xi32>,
      }
      %scan3A_154 = arith.constant 16 : i32
      %dma_start3A_155 = arith.constant 0 : i32
      %dma_start3A_156 = arith.constant 0 : i32
      %dma_start3A_157 = tpu.memref_slice %arg4[%dma_start3A_155, %dma_start3A_156] : memref<100000x32xf32, #tpu.memory_space<hbm>> -> memref<100000x32xf32, #tpu.memory_space<hbm>>
      tpu.enqueue_indirect_dma source(%dma_start3A_157 : memref<100000x32xf32, #tpu.memory_space<hbm>>) target(%arg15 : memref<256x32xf32, #tpu.memory_space<vmem>>) offsets(%arg9 : memref<256xi32, #tpu.memory_space<vmem>>) semaphore(%arg22 : memref<!tpu.dma_semaphore, #tpu.memory_space<semaphore_mem>>)
      %dma_start3A_158 = arith.constant 0 : i32
      %dma_start3A_159 = arith.constant 0 : i32
      %dma_start3A_160 = tpu.memref_slice %arg5[%dma_start3A_158, %dma_start3A_159] : memref<2000000x32xf32, #tpu.memory_space<hbm>> -> memref<2000000x32xf32, #tpu.memory_space<hbm>>
      tpu.enqueue_indirect_dma source(%dma_start3A_160 : memref<2000000x32xf32, #tpu.memory_space<hbm>>) target(%arg17 : memref<256x32xf32, #tpu.memory_space<vmem>>) offsets(%arg11 : memref<256xi32, #tpu.memory_space<vmem>>) semaphore(%arg23 : memref<!tpu.dma_semaphore, #tpu.memory_space<semaphore_mem>>)
      %dma_start3A_161 = arith.constant 0 : i32
      %dma_start3A_162 = arith.constant 0 : i32
      %dma_start3A_163 = tpu.memref_slice %arg5[%dma_start3A_161, %dma_start3A_162] : memref<2000000x32xf32, #tpu.memory_space<hbm>> -> memref<2000000x32xf32, #tpu.memory_space<hbm>>
      tpu.enqueue_indirect_dma source(%dma_start3A_163 : memref<2000000x32xf32, #tpu.memory_space<hbm>>) target(%arg19 : memref<256x32xf32, #tpu.memory_space<vmem>>) offsets(%arg13 : memref<256xi32, #tpu.memory_space<vmem>>) semaphore(%arg23 : memref<!tpu.dma_semaphore, #tpu.memory_space<semaphore_mem>>)
      %scan3A_164 = arith.constant 0 : i32
      %scan3A_165 = arith.constant 0 : i32
      %scan3A_166 = arith.constant 256 : i32
      %scan3A_167 = arith.addi %scan3A_165, %scan3A_166 : i32
      %scan3A_168 = arith.constant 1 : i32
      scf.for %scan3A_218 = %scan3A_165 to %scan3A_167 step %scan3A_168  : i32 {
        %shift_right_logical3A_219 = arith.constant 7 : i32
        %shift_right_logical3A_220 = arith.shrui %scan3A_218, %shift_right_logical3A_219 : i32
        %and3A_221 = arith.constant 127 : i32
        %and3A_222 = arith.andi %scan3A_218, %and3A_221 : i32
        %broadcast_in_dim3A = vector.broadcast %shift_right_logical3A_220 : i32 to vector<16xi32>
        %broadcast_in_dim3A_223 = vector.broadcast %and3A_222 : i32 to vector<16xi32>
        %get3A = arith.index_cast %scan3A_218 : i32 to index
        %get3A_224 = arith.constant 0 : index
        %get3A_225 = tpu.vector_load %arg14[%get3A, %get3A_224] {strides = array<i32>} : memref<256x32xf32, #tpu.memory_space<vmem>>, vector<16xf32>,
        %mul3A_226 = arith.constant 9.79795932 : f32
        %mul3A_227 = vector.broadcast %mul3A_226 : f32 to vector<16xf32>
        %mul3A_228 = arith.mulf %get3A_225, %mul3A_227 : vector<16xf32>
        tpu.vector_store_idx %arg21[%shift_right_logical3A_39, %broadcast_in_dim3A, %and3A_42, %broadcast_in_dim3A_223], %mul3A_228 : memref<12x2x8x144xf32, #tpu.memory_space<vmem>>[vector<16xi32>, vector<16xi32>, vector<16xi32>, vector<16xi32>], vector<16xf32>,
        %mul3A_229 = arith.constant 5.65685415 : f32
        %mul3A_230 = vector.broadcast %mul3A_229 : f32 to vector<16xf32>
        %mul3A_231 = arith.mulf %get3A_225, %mul3A_230 : vector<16xf32>
        tpu.vector_store_idx %arg20[%shift_right_logical3A_39, %broadcast_in_dim3A, %and3A_42, %broadcast_in_dim3A_223], %mul3A_231 : memref<4x2x8x144xf32, #tpu.memory_space<vmem>>[vector<16xi32>, vector<16xi32>, vector<16xi32>, vector<16xi32>], vector<16xf32>,
        %get3A_232 = arith.index_cast %scan3A_218 : i32 to index
        %get3A_233 = arith.constant 16 : index
        %get3A_234 = tpu.vector_load %arg14[%get3A_232, %get3A_233] {strides = array<i32>} : memref<256x32xf32, #tpu.memory_space<vmem>>, vector<16xf32>,
        %mul3A_235 = arith.constant 9.79795932 : f32
        %mul3A_236 = vector.broadcast %mul3A_235 : f32 to vector<16xf32>
        %mul3A_237 = arith.mulf %get3A_234, %mul3A_236 : vector<16xf32>
        tpu.vector_store_idx %arg21[%shift_right_logical3A_48, %broadcast_in_dim3A, %and3A_51, %broadcast_in_dim3A_223], %mul3A_237 : memref<12x2x8x144xf32, #tpu.memory_space<vmem>>[vector<16xi32>, vector<16xi32>, vector<16xi32>, vector<16xi32>], vector<16xf32>,
        %mul3A_238 = arith.constant 5.65685415 : f32
        %mul3A_239 = vector.broadcast %mul3A_238 : f32 to vector<16xf32>
        %mul3A_240 = arith.mulf %get3A_234, %mul3A_239 : vector<16xf32>
        tpu.vector_store_idx %arg20[%shift_right_logical3A_48, %broadcast_in_dim3A, %and3A_51, %broadcast_in_dim3A_223], %mul3A_240 : memref<4x2x8x144xf32, #tpu.memory_space<vmem>>[vector<16xi32>, vector<16xi32>, vector<16xi32>, vector<16xi32>], vector<16xf32>,
        %get3A_241 = arith.index_cast %scan3A_218 : i32 to index
        %get3A_242 = arith.constant 0 : index
        %get3A_243 = tpu.vector_load %arg16[%get3A_241, %get3A_242] {strides = array<i32>} : memref<256x32xf32, #tpu.memory_space<vmem>>, vector<16xf32>,
        %mul3A_244 = arith.constant 9.79795932 : f32
        %mul3A_245 = vector.broadcast %mul3A_244 : f32 to vector<16xf32>
        %mul3A_246 = arith.mulf %get3A_243, %mul3A_245 : vector<16xf32>
        tpu.vector_store_idx %arg21[%shift_right_logical3A_57, %broadcast_in_dim3A, %and3A_60, %broadcast_in_dim3A_223], %mul3A_246 : memref<12x2x8x144xf32, #tpu.memory_space<vmem>>[vector<16xi32>, vector<16xi32>, vector<16xi32>, vector<16xi32>], vector<16xf32>,
        %get3A_247 = arith.index_cast %scan3A_218 : i32 to index
        %get3A_248 = arith.constant 16 : index
        %get3A_249 = tpu.vector_load %arg16[%get3A_247, %get3A_248] {strides = array<i32>} : memref<256x32xf32, #tpu.memory_space<vmem>>, vector<16xf32>,
        %mul3A_250 = arith.constant 9.79795932 : f32
        %mul3A_251 = vector.broadcast %mul3A_250 : f32 to vector<16xf32>
        %mul3A_252 = arith.mulf %get3A_249, %mul3A_251 : vector<16xf32>
        tpu.vector_store_idx %arg21[%shift_right_logical3A_66, %broadcast_in_dim3A, %and3A_69, %broadcast_in_dim3A_223], %mul3A_252 : memref<12x2x8x144xf32, #tpu.memory_space<vmem>>[vector<16xi32>, vector<16xi32>, vector<16xi32>, vector<16xi32>], vector<16xf32>,
        %get3A_253 = arith.index_cast %scan3A_218 : i32 to index
        %get3A_254 = arith.constant 0 : index
        %get3A_255 = tpu.vector_load %arg18[%get3A_253, %get3A_254] {strides = array<i32>} : memref<256x32xf32, #tpu.memory_space<vmem>>, vector<16xf32>,
        %mul3A_256 = arith.constant 9.79795932 : f32
        %mul3A_257 = vector.broadcast %mul3A_256 : f32 to vector<16xf32>
        %mul3A_258 = arith.mulf %get3A_255, %mul3A_257 : vector<16xf32>
        tpu.vector_store_idx %arg21[%shift_right_logical3A_75, %broadcast_in_dim3A, %and3A_78, %broadcast_in_dim3A_223], %mul3A_258 : memref<12x2x8x144xf32, #tpu.memory_space<vmem>>[vector<16xi32>, vector<16xi32>, vector<16xi32>, vector<16xi32>], vector<16xf32>,
        %get3A_259 = arith.index_cast %scan3A_218 : i32 to index
        %get3A_260 = arith.constant 16 : index
        %get3A_261 = tpu.vector_load %arg18[%get3A_259, %get3A_260] {strides = array<i32>} : memref<256x32xf32, #tpu.memory_space<vmem>>, vector<16xf32>,
        %mul3A_262 = arith.constant 9.79795932 : f32
        %mul3A_263 = vector.broadcast %mul3A_262 : f32 to vector<16xf32>
        %mul3A_264 = arith.mulf %get3A_261, %mul3A_263 : vector<16xf32>
        tpu.vector_store_idx %arg21[%shift_right_logical3A_84, %broadcast_in_dim3A, %and3A_87, %broadcast_in_dim3A_223], %mul3A_264 : memref<12x2x8x144xf32, #tpu.memory_space<vmem>>[vector<16xi32>, vector<16xi32>, vector<16xi32>, vector<16xi32>], vector<16xf32>,
      }
      %scan3A_169 = arith.constant 256 : i32
      %add3A_170 = arith.addi %mul3A_32, %mul3A_135 : i32
      %mul3A_171 = arith.constant 2 : i32
      %mul3A_172 = arith.muli %select_n3A_30, %mul3A_171 : i32
      "tpu.region"() ({
        %run_scoped3A = tpu.sem_alloc : memref<!tpu.dma_semaphore, #tpu.memory_space<semaphore_mem>>
        %dma_start3A_218 = arith.constant 0 : i32
        %dma_start3A_219 = arith.constant 0 : i32
        %dma_start3A_220 = arith.constant 0 : i32
        %dma_start3A_221 = arith.constant 0 : i32
        %dma_start3A_222 = tpu.memref_slice %arg20[%dma_start3A_218, %dma_start3A_219, %dma_start3A_220, %dma_start3A_221] : memref<4x2x8x144xf32, #tpu.memory_space<vmem>> -> memref<4x2x8x128xf32, #tpu.memory_space<vmem>>
        %dma_start3A_223 = arith.constant 0 : i32
        %dma_start3A_224 = arith.constant 0 : i32
        %dma_start3A_225 = arith.constant 0 : i32
        %dma_start3A_226 = tpu.memref_slice %arg6[%add3A_170, %dma_start3A_223, %mul3A_172, %dma_start3A_224, %dma_start3A_225] : memref<200x4x8x8x128xf32, #tpu.memory_space<hbm>> -> memref<1x4x2x8x128xf32, #tpu.memory_space<hbm>>
        %dma_start3A_227 = tpu.memref_squeeze %dma_start3A_226 : memref<1x4x2x8x128xf32, #tpu.memory_space<hbm>> -> memref<4x2x8x128xf32, #tpu.memory_space<hbm>>
        %dma_start3A_228 = arith.constant 0 : i32
        %dma_start3A_229 = arith.constant 0 : i32
        %dma_start3A_230 = arith.constant 0 : i32
        %dma_start3A_231 = tpu.memref_slice %arg6[%add3A_170, %dma_start3A_228, %mul3A_172, %dma_start3A_229, %dma_start3A_230] : memref<200x4x8x8x128xf32, #tpu.memory_space<hbm>> -> memref<1x4x2x8x128xf32, #tpu.memory_space<hbm>>
        %dma_start3A_232 = tpu.memref_squeeze %dma_start3A_231 : memref<1x4x2x8x128xf32, #tpu.memory_space<hbm>> -> memref<4x2x8x128xf32, #tpu.memory_space<hbm>>
        %dma_start3A_233 = arith.constant 0 : i32
        %dma_start3A_234 = arith.constant 0 : i32
        %dma_start3A_235 = arith.constant 0 : i32
        %dma_start3A_236 = arith.constant 0 : i32
        %dma_start3A_237 = tpu.memref_slice %arg20[%dma_start3A_233, %dma_start3A_234, %dma_start3A_235, %dma_start3A_236] : memref<4x2x8x144xf32, #tpu.memory_space<vmem>> -> memref<4x2x8x128xf32, #tpu.memory_space<vmem>>
        tpu.enqueue_dma source(%dma_start3A_237 : memref<4x2x8x128xf32, #tpu.memory_space<vmem>>) target(%dma_start3A_232 : memref<4x2x8x128xf32, #tpu.memory_space<hbm>>) target_semaphore(%run_scoped3A : memref<!tpu.dma_semaphore, #tpu.memory_space<semaphore_mem>>)
        %dma_wait3A_238 = arith.constant 0 : i32
        %dma_wait3A_239 = arith.constant 0 : i32
        %dma_wait3A_240 = arith.constant 0 : i32
        %dma_wait3A_241 = arith.constant 0 : i32
        %dma_wait3A_242 = tpu.memref_slice %arg20[%dma_wait3A_238, %dma_wait3A_239, %dma_wait3A_240, %dma_wait3A_241] : memref<4x2x8x144xf32, #tpu.memory_space<vmem>> -> memref<4x2x8x128xf32, #tpu.memory_space<vmem>>
        %dma_wait3A_243 = arith.constant 0 : i32
        %dma_wait3A_244 = arith.constant 0 : i32
        %dma_wait3A_245 = arith.constant 0 : i32
        %dma_wait3A_246 = tpu.memref_slice %arg6[%add3A_170, %dma_wait3A_243, %mul3A_172, %dma_wait3A_244, %dma_wait3A_245] : memref<200x4x8x8x128xf32, #tpu.memory_space<hbm>> -> memref<1x4x2x8x128xf32, #tpu.memory_space<hbm>>
        %dma_wait3A_247 = tpu.memref_squeeze %dma_wait3A_246 : memref<1x4x2x8x128xf32, #tpu.memory_space<hbm>> -> memref<4x2x8x128xf32, #tpu.memory_space<hbm>>
        %dma_wait3A_248 = arith.constant 0 : i32
        %dma_wait3A_249 = arith.constant 0 : i32
        %dma_wait3A_250 = arith.constant 0 : i32
        %dma_wait3A_251 = tpu.memref_slice %arg6[%add3A_170, %dma_wait3A_248, %mul3A_172, %dma_wait3A_249, %dma_wait3A_250] : memref<200x4x8x8x128xf32, #tpu.memory_space<hbm>> -> memref<1x4x2x8x128xf32, #tpu.memory_space<hbm>>
        %dma_wait3A_252 = tpu.memref_squeeze %dma_wait3A_251 : memref<1x4x2x8x128xf32, #tpu.memory_space<hbm>> -> memref<4x2x8x128xf32, #tpu.memory_space<hbm>>
        %dma_wait3A_253 = arith.constant 0 : i32
        %dma_wait3A_254 = arith.constant 0 : i32
        %dma_wait3A_255 = arith.constant 0 : i32
        %dma_wait3A_256 = arith.constant 0 : i32
        %dma_wait3A_257 = tpu.memref_slice %arg20[%dma_wait3A_253, %dma_wait3A_254, %dma_wait3A_255, %dma_wait3A_256] : memref<4x2x8x144xf32, #tpu.memory_space<vmem>> -> memref<4x2x8x128xf32, #tpu.memory_space<vmem>>
        tpu.wait_dma2 semaphore(%run_scoped3A : memref<!tpu.dma_semaphore, #tpu.memory_space<semaphore_mem>>) src(%dma_wait3A_257 : memref<4x2x8x128xf32, #tpu.memory_space<vmem>>) dst(%dma_wait3A_252 : memref<4x2x8x128xf32, #tpu.memory_space<hbm>>)
        tpu.yield
      }) : () -> ()
      %add3A_173 = arith.addi %mul3A_32, %mul3A_135 : i32
      %mul3A_174 = arith.constant 2 : i32
      %mul3A_175 = arith.muli %select_n3A_30, %mul3A_174 : i32
      "tpu.region"() ({
        %run_scoped3A = tpu.sem_alloc : memref<!tpu.dma_semaphore, #tpu.memory_space<semaphore_mem>>
        %dma_start3A_218 = arith.constant 0 : i32
        %dma_start3A_219 = arith.constant 0 : i32
        %dma_start3A_220 = arith.constant 0 : i32
        %dma_start3A_221 = arith.constant 0 : i32
        %dma_start3A_222 = tpu.memref_slice %arg21[%dma_start3A_218, %dma_start3A_219, %dma_start3A_220, %dma_start3A_221] : memref<12x2x8x144xf32, #tpu.memory_space<vmem>> -> memref<12x2x8x128xf32, #tpu.memory_space<vmem>>
        %dma_start3A_223 = arith.constant 0 : i32
        %dma_start3A_224 = arith.constant 0 : i32
        %dma_start3A_225 = arith.constant 0 : i32
        %dma_start3A_226 = tpu.memref_slice %arg7[%add3A_173, %dma_start3A_223, %mul3A_175, %dma_start3A_224, %dma_start3A_225] : memref<200x12x8x8x128xf32, #tpu.memory_space<hbm>> -> memref<1x12x2x8x128xf32, #tpu.memory_space<hbm>>
        %dma_start3A_227 = tpu.memref_squeeze %dma_start3A_226 : memref<1x12x2x8x128xf32, #tpu.memory_space<hbm>> -> memref<12x2x8x128xf32, #tpu.memory_space<hbm>>
        %dma_start3A_228 = arith.constant 0 : i32
        %dma_start3A_229 = arith.constant 0 : i32
        %dma_start3A_230 = arith.constant 0 : i32
        %dma_start3A_231 = tpu.memref_slice %arg7[%add3A_173, %dma_start3A_228, %mul3A_175, %dma_start3A_229, %dma_start3A_230] : memref<200x12x8x8x128xf32, #tpu.memory_space<hbm>> -> memref<1x12x2x8x128xf32, #tpu.memory_space<hbm>>
        %dma_start3A_232 = tpu.memref_squeeze %dma_start3A_231 : memref<1x12x2x8x128xf32, #tpu.memory_space<hbm>> -> memref<12x2x8x128xf32, #tpu.memory_space<hbm>>
        %dma_start3A_233 = arith.constant 0 : i32
        %dma_start3A_234 = arith.constant 0 : i32
        %dma_start3A_235 = arith.constant 0 : i32
        %dma_start3A_236 = arith.constant 0 : i32
        %dma_start3A_237 = tpu.memref_slice %arg21[%dma_start3A_233, %dma_start3A_234, %dma_start3A_235, %dma_start3A_236] : memref<12x2x8x144xf32, #tpu.memory_space<vmem>> -> memref<12x2x8x128xf32, #tpu.memory_space<vmem>>
        tpu.enqueue_dma source(%dma_start3A_237 : memref<12x2x8x128xf32, #tpu.memory_space<vmem>>) target(%dma_start3A_232 : memref<12x2x8x128xf32, #tpu.memory_space<hbm>>) target_semaphore(%run_scoped3A : memref<!tpu.dma_semaphore, #tpu.memory_space<semaphore_mem>>)
        %dma_wait3A_238 = arith.constant 0 : i32
        %dma_wait3A_239 = arith.constant 0 : i32
        %dma_wait3A_240 = arith.constant 0 : i32
        %dma_wait3A_241 = arith.constant 0 : i32
        %dma_wait3A_242 = tpu.memref_slice %arg21[%dma_wait3A_238, %dma_wait3A_239, %dma_wait3A_240, %dma_wait3A_241] : memref<12x2x8x144xf32, #tpu.memory_space<vmem>> -> memref<12x2x8x128xf32, #tpu.memory_space<vmem>>
        %dma_wait3A_243 = arith.constant 0 : i32
        %dma_wait3A_244 = arith.constant 0 : i32
        %dma_wait3A_245 = arith.constant 0 : i32
        %dma_wait3A_246 = tpu.memref_slice %arg7[%add3A_173, %dma_wait3A_243, %mul3A_175, %dma_wait3A_244, %dma_wait3A_245] : memref<200x12x8x8x128xf32, #tpu.memory_space<hbm>> -> memref<1x12x2x8x128xf32, #tpu.memory_space<hbm>>
        %dma_wait3A_247 = tpu.memref_squeeze %dma_wait3A_246 : memref<1x12x2x8x128xf32, #tpu.memory_space<hbm>> -> memref<12x2x8x128xf32, #tpu.memory_space<hbm>>
        %dma_wait3A_248 = arith.constant 0 : i32
        %dma_wait3A_249 = arith.constant 0 : i32
        %dma_wait3A_250 = arith.constant 0 : i32
        %dma_wait3A_251 = tpu.memref_slice %arg7[%add3A_173, %dma_wait3A_248, %mul3A_175, %dma_wait3A_249, %dma_wait3A_250] : memref<200x12x8x8x128xf32, #tpu.memory_space<hbm>> -> memref<1x12x2x8x128xf32, #tpu.memory_space<hbm>>
        %dma_wait3A_252 = tpu.memref_squeeze %dma_wait3A_251 : memref<1x12x2x8x128xf32, #tpu.memory_space<hbm>> -> memref<12x2x8x128xf32, #tpu.memory_space<hbm>>
        %dma_wait3A_253 = arith.constant 0 : i32
        %dma_wait3A_254 = arith.constant 0 : i32
        %dma_wait3A_255 = arith.constant 0 : i32
        %dma_wait3A_256 = arith.constant 0 : i32
        %dma_wait3A_257 = tpu.memref_slice %arg21[%dma_wait3A_253, %dma_wait3A_254, %dma_wait3A_255, %dma_wait3A_256] : memref<12x2x8x144xf32, #tpu.memory_space<vmem>> -> memref<12x2x8x128xf32, #tpu.memory_space<vmem>>
        tpu.wait_dma2 semaphore(%run_scoped3A : memref<!tpu.dma_semaphore, #tpu.memory_space<semaphore_mem>>) src(%dma_wait3A_257 : memref<12x2x8x128xf32, #tpu.memory_space<vmem>>) dst(%dma_wait3A_252 : memref<12x2x8x128xf32, #tpu.memory_space<hbm>>)
        tpu.yield
      }) : () -> ()
      %dma_wait3A_176 = arith.constant 0 : i32
      %dma_wait3A_177 = arith.constant 0 : i32
      %dma_wait3A_178 = tpu.memref_slice %arg4[%dma_wait3A_176, %dma_wait3A_177] : memref<100000x32xf32, #tpu.memory_space<hbm>> -> memref<100000x32xf32, #tpu.memory_space<hbm>>
      tpu.wait_indirect_dma semaphore(%arg22 : memref<!tpu.dma_semaphore, #tpu.memory_space<semaphore_mem>>) src(%dma_wait3A_178 : memref<100000x32xf32, #tpu.memory_space<hbm>>) dst(%arg15 : memref<256x32xf32, #tpu.memory_space<vmem>>)
      %dma_wait3A_179 = arith.constant 0 : i32
      %dma_wait3A_180 = arith.constant 0 : i32
      %dma_wait3A_181 = tpu.memref_slice %arg5[%dma_wait3A_179, %dma_wait3A_180] : memref<2000000x32xf32, #tpu.memory_space<hbm>> -> memref<2000000x32xf32, #tpu.memory_space<hbm>>
      tpu.wait_indirect_dma semaphore(%arg23 : memref<!tpu.dma_semaphore, #tpu.memory_space<semaphore_mem>>) src(%dma_wait3A_181 : memref<2000000x32xf32, #tpu.memory_space<hbm>>) dst(%arg17 : memref<256x32xf32, #tpu.memory_space<vmem>>)
      %dma_wait3A_182 = arith.constant 0 : i32
      %dma_wait3A_183 = arith.constant 0 : i32
      %dma_wait3A_184 = tpu.memref_slice %arg5[%dma_wait3A_182, %dma_wait3A_183] : memref<2000000x32xf32, #tpu.memory_space<hbm>> -> memref<2000000x32xf32, #tpu.memory_space<hbm>>
      tpu.wait_indirect_dma semaphore(%arg23 : memref<!tpu.dma_semaphore, #tpu.memory_space<semaphore_mem>>) src(%dma_wait3A_184 : memref<2000000x32xf32, #tpu.memory_space<hbm>>) dst(%arg19 : memref<256x32xf32, #tpu.memory_space<vmem>>)
      %add3A_185 = arith.constant 2 : i32
      %add3A_186 = arith.addi %mul3A_135, %add3A_185 : i32
      %add3A_187 = arith.addi %mul3A_32, %add3A_186 : i32
      "tpu.region"() ({
        %run_scoped3A = tpu.sem_alloc : memref<!tpu.dma_semaphore, #tpu.memory_space<semaphore_mem>>
        %dma_start3A_218 = tpu.memref_slice %arg2[%add3A_187, %mul3A_34] : memref<200x1024xi32, #tpu.memory_space<hbm>> -> memref<1x256xi32, #tpu.memory_space<hbm>>
        %dma_start3A_219 = tpu.memref_squeeze %dma_start3A_218 : memref<1x256xi32, #tpu.memory_space<hbm>> -> memref<256xi32, #tpu.memory_space<hbm>>
        %dma_start3A_220 = tpu.memref_slice %arg2[%add3A_187, %mul3A_34] : memref<200x1024xi32, #tpu.memory_space<hbm>> -> memref<1x256xi32, #tpu.memory_space<hbm>>
        %dma_start3A_221 = tpu.memref_squeeze %dma_start3A_220 : memref<1x256xi32, #tpu.memory_space<hbm>> -> memref<256xi32, #tpu.memory_space<hbm>>
        tpu.enqueue_dma source(%dma_start3A_221 : memref<256xi32, #tpu.memory_space<hbm>>) target(%arg8 : memref<256xi32, #tpu.memory_space<vmem>>) target_semaphore(%run_scoped3A : memref<!tpu.dma_semaphore, #tpu.memory_space<semaphore_mem>>)
        %dma_wait3A_222 = tpu.memref_slice %arg2[%add3A_187, %mul3A_34] : memref<200x1024xi32, #tpu.memory_space<hbm>> -> memref<1x256xi32, #tpu.memory_space<hbm>>
        %dma_wait3A_223 = tpu.memref_squeeze %dma_wait3A_222 : memref<1x256xi32, #tpu.memory_space<hbm>> -> memref<256xi32, #tpu.memory_space<hbm>>
        %dma_wait3A_224 = tpu.memref_slice %arg2[%add3A_187, %mul3A_34] : memref<200x1024xi32, #tpu.memory_space<hbm>> -> memref<1x256xi32, #tpu.memory_space<hbm>>
        %dma_wait3A_225 = tpu.memref_squeeze %dma_wait3A_224 : memref<1x256xi32, #tpu.memory_space<hbm>> -> memref<256xi32, #tpu.memory_space<hbm>>
        tpu.wait_dma2 semaphore(%run_scoped3A : memref<!tpu.dma_semaphore, #tpu.memory_space<semaphore_mem>>) src(%dma_wait3A_225 : memref<256xi32, #tpu.memory_space<hbm>>) dst(%arg8 : memref<256xi32, #tpu.memory_space<vmem>>)
        tpu.yield
      }) : () -> ()
      %add3A_188 = arith.addi %mul3A_32, %add3A_186 : i32
      "tpu.region"() ({
        %run_scoped3A = tpu.sem_alloc : memref<!tpu.dma_semaphore, #tpu.memory_space<semaphore_mem>>
        %dma_start3A_218 = tpu.memref_slice %arg3[%add3A_188, %mul3A_34] : memref<200x1024xi32, #tpu.memory_space<hbm>> -> memref<1x256xi32, #tpu.memory_space<hbm>>
        %dma_start3A_219 = tpu.memref_squeeze %dma_start3A_218 : memref<1x256xi32, #tpu.memory_space<hbm>> -> memref<256xi32, #tpu.memory_space<hbm>>
        %dma_start3A_220 = tpu.memref_slice %arg3[%add3A_188, %mul3A_34] : memref<200x1024xi32, #tpu.memory_space<hbm>> -> memref<1x256xi32, #tpu.memory_space<hbm>>
        %dma_start3A_221 = tpu.memref_squeeze %dma_start3A_220 : memref<1x256xi32, #tpu.memory_space<hbm>> -> memref<256xi32, #tpu.memory_space<hbm>>
        tpu.enqueue_dma source(%dma_start3A_221 : memref<256xi32, #tpu.memory_space<hbm>>) target(%arg10 : memref<256xi32, #tpu.memory_space<vmem>>) target_semaphore(%run_scoped3A : memref<!tpu.dma_semaphore, #tpu.memory_space<semaphore_mem>>)
        %dma_wait3A_222 = tpu.memref_slice %arg3[%add3A_188, %mul3A_34] : memref<200x1024xi32, #tpu.memory_space<hbm>> -> memref<1x256xi32, #tpu.memory_space<hbm>>
        %dma_wait3A_223 = tpu.memref_squeeze %dma_wait3A_222 : memref<1x256xi32, #tpu.memory_space<hbm>> -> memref<256xi32, #tpu.memory_space<hbm>>
        %dma_wait3A_224 = tpu.memref_slice %arg3[%add3A_188, %mul3A_34] : memref<200x1024xi32, #tpu.memory_space<hbm>> -> memref<1x256xi32, #tpu.memory_space<hbm>>
        %dma_wait3A_225 = tpu.memref_squeeze %dma_wait3A_224 : memref<1x256xi32, #tpu.memory_space<hbm>> -> memref<256xi32, #tpu.memory_space<hbm>>
        tpu.wait_dma2 semaphore(%run_scoped3A : memref<!tpu.dma_semaphore, #tpu.memory_space<semaphore_mem>>) src(%dma_wait3A_225 : memref<256xi32, #tpu.memory_space<hbm>>) dst(%arg10 : memref<256xi32, #tpu.memory_space<vmem>>)
        tpu.yield
      }) : () -> ()
      %scan3A_189 = arith.constant 0 : i32
      %scan3A_190 = arith.constant 0 : i32
      %scan3A_191 = arith.constant 16 : i32
      %scan3A_192 = arith.addi %scan3A_190, %scan3A_191 : i32
      %scan3A_193 = arith.constant 1 : i32
      scf.for %scan3A_218 = %scan3A_190 to %scan3A_192 step %scan3A_193  : i32 {
        %mul3A_219 = arith.constant 16 : i32
        %mul3A_220 = arith.muli %scan3A_218, %mul3A_219 : i32
        %get3A = arith.index_cast %mul3A_220 : i32 to index
        %get3A_221 = tpu.vector_load %arg10[%get3A] {strides = array<i32>} : memref<256xi32, #tpu.memory_space<vmem>>, vector<16xi32>,
        %add3A_222 = arith.addi %get3A_221, %get3A_221 : vector<16xi32>
        %mul3A_223 = arith.constant 16 : i32
        %mul3A_224 = arith.muli %scan3A_218, %mul3A_223 : i32
        %swap3A = arith.index_cast %mul3A_224 : i32 to index
        %swap3A_225 = tpu.vector_load %arg10[%swap3A] {strides = array<i32>} : memref<256xi32, #tpu.memory_space<vmem>>, vector<16xi32>,
        tpu.vector_store %arg10[%swap3A], %add3A_222 {strides = array<i32>} : memref<256xi32, #tpu.memory_space<vmem>>, vector<16xi32>,
        %add3A_226 = arith.addi %get3A_221, %get3A_221 : vector<16xi32>
        %add3A_227 = arith.constant 1 : i32
        %add3A_228 = vector.broadcast %add3A_227 : i32 to vector<16xi32>
        %add3A_229 = arith.addi %add3A_226, %add3A_228 : vector<16xi32>
        %mul3A_230 = arith.constant 16 : i32
        %mul3A_231 = arith.muli %scan3A_218, %mul3A_230 : i32
        %swap3A_232 = arith.index_cast %mul3A_231 : i32 to index
        %swap3A_233 = tpu.vector_load %arg12[%swap3A_232] {strides = array<i32>} : memref<256xi32, #tpu.memory_space<vmem>>, vector<16xi32>,
        tpu.vector_store %arg12[%swap3A_232], %add3A_229 {strides = array<i32>} : memref<256xi32, #tpu.memory_space<vmem>>, vector<16xi32>,
      }
      %scan3A_194 = arith.constant 16 : i32
      %dma_start3A_195 = arith.constant 0 : i32
      %dma_start3A_196 = arith.constant 0 : i32
      %dma_start3A_197 = tpu.memref_slice %arg4[%dma_start3A_195, %dma_start3A_196] : memref<100000x32xf32, #tpu.memory_space<hbm>> -> memref<100000x32xf32, #tpu.memory_space<hbm>>
      tpu.enqueue_indirect_dma source(%dma_start3A_197 : memref<100000x32xf32, #tpu.memory_space<hbm>>) target(%arg14 : memref<256x32xf32, #tpu.memory_space<vmem>>) offsets(%arg8 : memref<256xi32, #tpu.memory_space<vmem>>) semaphore(%arg22 : memref<!tpu.dma_semaphore, #tpu.memory_space<semaphore_mem>>)
      %dma_start3A_198 = arith.constant 0 : i32
      %dma_start3A_199 = arith.constant 0 : i32
      %dma_start3A_200 = tpu.memref_slice %arg5[%dma_start3A_198, %dma_start3A_199] : memref<2000000x32xf32, #tpu.memory_space<hbm>> -> memref<2000000x32xf32, #tpu.memory_space<hbm>>
      tpu.enqueue_indirect_dma source(%dma_start3A_200 : memref<2000000x32xf32, #tpu.memory_space<hbm>>) target(%arg16 : memref<256x32xf32, #tpu.memory_space<vmem>>) offsets(%arg10 : memref<256xi32, #tpu.memory_space<vmem>>) semaphore(%arg23 : memref<!tpu.dma_semaphore, #tpu.memory_space<semaphore_mem>>)
      %dma_start3A_201 = arith.constant 0 : i32
      %dma_start3A_202 = arith.constant 0 : i32
      %dma_start3A_203 = tpu.memref_slice %arg5[%dma_start3A_201, %dma_start3A_202] : memref<2000000x32xf32, #tpu.memory_space<hbm>> -> memref<2000000x32xf32, #tpu.memory_space<hbm>>
      tpu.enqueue_indirect_dma source(%dma_start3A_203 : memref<2000000x32xf32, #tpu.memory_space<hbm>>) target(%arg18 : memref<256x32xf32, #tpu.memory_space<vmem>>) offsets(%arg12 : memref<256xi32, #tpu.memory_space<vmem>>) semaphore(%arg23 : memref<!tpu.dma_semaphore, #tpu.memory_space<semaphore_mem>>)
      %add3A_204 = arith.constant 1 : i32
      %add3A_205 = arith.addi %mul3A_135, %add3A_204 : i32
      %scan3A_206 = arith.constant 0 : i32
      %scan3A_207 = arith.constant 0 : i32
      %scan3A_208 = arith.constant 256 : i32
      %scan3A_209 = arith.addi %scan3A_207, %scan3A_208 : i32
      %scan3A_210 = arith.constant 1 : i32
      scf.for %scan3A_218 = %scan3A_207 to %scan3A_209 step %scan3A_210  : i32 {
        %shift_right_logical3A_219 = arith.constant 7 : i32
        %shift_right_logical3A_220 = arith.shrui %scan3A_218, %shift_right_logical3A_219 : i32
        %and3A_221 = arith.constant 127 : i32
        %and3A_222 = arith.andi %scan3A_218, %and3A_221 : i32
        %broadcast_in_dim3A = vector.broadcast %shift_right_logical3A_220 : i32 to vector<16xi32>
        %broadcast_in_dim3A_223 = vector.broadcast %and3A_222 : i32 to vector<16xi32>
        %get3A = arith.index_cast %scan3A_218 : i32 to index
        %get3A_224 = arith.constant 0 : index
        %get3A_225 = tpu.vector_load %arg15[%get3A, %get3A_224] {strides = array<i32>} : memref<256x32xf32, #tpu.memory_space<vmem>>, vector<16xf32>,
        %mul3A_226 = arith.constant 9.79795932 : f32
        %mul3A_227 = vector.broadcast %mul3A_226 : f32 to vector<16xf32>
        %mul3A_228 = arith.mulf %get3A_225, %mul3A_227 : vector<16xf32>
        tpu.vector_store_idx %arg21[%shift_right_logical3A_39, %broadcast_in_dim3A, %and3A_42, %broadcast_in_dim3A_223], %mul3A_228 : memref<12x2x8x144xf32, #tpu.memory_space<vmem>>[vector<16xi32>, vector<16xi32>, vector<16xi32>, vector<16xi32>], vector<16xf32>,
        %mul3A_229 = arith.constant 5.65685415 : f32
        %mul3A_230 = vector.broadcast %mul3A_229 : f32 to vector<16xf32>
        %mul3A_231 = arith.mulf %get3A_225, %mul3A_230 : vector<16xf32>
        tpu.vector_store_idx %arg20[%shift_right_logical3A_39, %broadcast_in_dim3A, %and3A_42, %broadcast_in_dim3A_223], %mul3A_231 : memref<4x2x8x144xf32, #tpu.memory_space<vmem>>[vector<16xi32>, vector<16xi32>, vector<16xi32>, vector<16xi32>], vector<16xf32>,
        %get3A_232 = arith.index_cast %scan3A_218 : i32 to index
        %get3A_233 = arith.constant 16 : index
        %get3A_234 = tpu.vector_load %arg15[%get3A_232, %get3A_233] {strides = array<i32>} : memref<256x32xf32, #tpu.memory_space<vmem>>, vector<16xf32>,
        %mul3A_235 = arith.constant 9.79795932 : f32
        %mul3A_236 = vector.broadcast %mul3A_235 : f32 to vector<16xf32>
        %mul3A_237 = arith.mulf %get3A_234, %mul3A_236 : vector<16xf32>
        tpu.vector_store_idx %arg21[%shift_right_logical3A_48, %broadcast_in_dim3A, %and3A_51, %broadcast_in_dim3A_223], %mul3A_237 : memref<12x2x8x144xf32, #tpu.memory_space<vmem>>[vector<16xi32>, vector<16xi32>, vector<16xi32>, vector<16xi32>], vector<16xf32>,
        %mul3A_238 = arith.constant 5.65685415 : f32
        %mul3A_239 = vector.broadcast %mul3A_238 : f32 to vector<16xf32>
        %mul3A_240 = arith.mulf %get3A_234, %mul3A_239 : vector<16xf32>
        tpu.vector_store_idx %arg20[%shift_right_logical3A_48, %broadcast_in_dim3A, %and3A_51, %broadcast_in_dim3A_223], %mul3A_240 : memref<4x2x8x144xf32, #tpu.memory_space<vmem>>[vector<16xi32>, vector<16xi32>, vector<16xi32>, vector<16xi32>], vector<16xf32>,
        %get3A_241 = arith.index_cast %scan3A_218 : i32 to index
        %get3A_242 = arith.constant 0 : index
        %get3A_243 = tpu.vector_load %arg17[%get3A_241, %get3A_242] {strides = array<i32>} : memref<256x32xf32, #tpu.memory_space<vmem>>, vector<16xf32>,
        %mul3A_244 = arith.constant 9.79795932 : f32
        %mul3A_245 = vector.broadcast %mul3A_244 : f32 to vector<16xf32>
        %mul3A_246 = arith.mulf %get3A_243, %mul3A_245 : vector<16xf32>
        tpu.vector_store_idx %arg21[%shift_right_logical3A_57, %broadcast_in_dim3A, %and3A_60, %broadcast_in_dim3A_223], %mul3A_246 : memref<12x2x8x144xf32, #tpu.memory_space<vmem>>[vector<16xi32>, vector<16xi32>, vector<16xi32>, vector<16xi32>], vector<16xf32>,
        %get3A_247 = arith.index_cast %scan3A_218 : i32 to index
        %get3A_248 = arith.constant 16 : index
        %get3A_249 = tpu.vector_load %arg17[%get3A_247, %get3A_248] {strides = array<i32>} : memref<256x32xf32, #tpu.memory_space<vmem>>, vector<16xf32>,
        %mul3A_250 = arith.constant 9.79795932 : f32
        %mul3A_251 = vector.broadcast %mul3A_250 : f32 to vector<16xf32>
        %mul3A_252 = arith.mulf %get3A_249, %mul3A_251 : vector<16xf32>
        tpu.vector_store_idx %arg21[%shift_right_logical3A_66, %broadcast_in_dim3A, %and3A_69, %broadcast_in_dim3A_223], %mul3A_252 : memref<12x2x8x144xf32, #tpu.memory_space<vmem>>[vector<16xi32>, vector<16xi32>, vector<16xi32>, vector<16xi32>], vector<16xf32>,
        %get3A_253 = arith.index_cast %scan3A_218 : i32 to index
        %get3A_254 = arith.constant 0 : index
        %get3A_255 = tpu.vector_load %arg19[%get3A_253, %get3A_254] {strides = array<i32>} : memref<256x32xf32, #tpu.memory_space<vmem>>, vector<16xf32>,
        %mul3A_256 = arith.constant 9.79795932 : f32
        %mul3A_257 = vector.broadcast %mul3A_256 : f32 to vector<16xf32>
        %mul3A_258 = arith.mulf %get3A_255, %mul3A_257 : vector<16xf32>
        tpu.vector_store_idx %arg21[%shift_right_logical3A_75, %broadcast_in_dim3A, %and3A_78, %broadcast_in_dim3A_223], %mul3A_258 : memref<12x2x8x144xf32, #tpu.memory_space<vmem>>[vector<16xi32>, vector<16xi32>, vector<16xi32>, vector<16xi32>], vector<16xf32>,
        %get3A_259 = arith.index_cast %scan3A_218 : i32 to index
        %get3A_260 = arith.constant 16 : index
        %get3A_261 = tpu.vector_load %arg19[%get3A_259, %get3A_260] {strides = array<i32>} : memref<256x32xf32, #tpu.memory_space<vmem>>, vector<16xf32>,
        %mul3A_262 = arith.constant 9.79795932 : f32
        %mul3A_263 = vector.broadcast %mul3A_262 : f32 to vector<16xf32>
        %mul3A_264 = arith.mulf %get3A_261, %mul3A_263 : vector<16xf32>
        tpu.vector_store_idx %arg21[%shift_right_logical3A_84, %broadcast_in_dim3A, %and3A_87, %broadcast_in_dim3A_223], %mul3A_264 : memref<12x2x8x144xf32, #tpu.memory_space<vmem>>[vector<16xi32>, vector<16xi32>, vector<16xi32>, vector<16xi32>], vector<16xf32>,
      }
      %scan3A_211 = arith.constant 256 : i32
      %add3A_212 = arith.addi %mul3A_32, %add3A_205 : i32
      %mul3A_213 = arith.constant 2 : i32
      %mul3A_214 = arith.muli %select_n3A_30, %mul3A_213 : i32
      "tpu.region"() ({
        %run_scoped3A = tpu.sem_alloc : memref<!tpu.dma_semaphore, #tpu.memory_space<semaphore_mem>>
        %dma_start3A_218 = arith.constant 0 : i32
        %dma_start3A_219 = arith.constant 0 : i32
        %dma_start3A_220 = arith.constant 0 : i32
        %dma_start3A_221 = arith.constant 0 : i32
        %dma_start3A_222 = tpu.memref_slice %arg20[%dma_start3A_218, %dma_start3A_219, %dma_start3A_220, %dma_start3A_221] : memref<4x2x8x144xf32, #tpu.memory_space<vmem>> -> memref<4x2x8x128xf32, #tpu.memory_space<vmem>>
        %dma_start3A_223 = arith.constant 0 : i32
        %dma_start3A_224 = arith.constant 0 : i32
        %dma_start3A_225 = arith.constant 0 : i32
        %dma_start3A_226 = tpu.memref_slice %arg6[%add3A_212, %dma_start3A_223, %mul3A_214, %dma_start3A_224, %dma_start3A_225] : memref<200x4x8x8x128xf32, #tpu.memory_space<hbm>> -> memref<1x4x2x8x128xf32, #tpu.memory_space<hbm>>
        %dma_start3A_227 = tpu.memref_squeeze %dma_start3A_226 : memref<1x4x2x8x128xf32, #tpu.memory_space<hbm>> -> memref<4x2x8x128xf32, #tpu.memory_space<hbm>>
        %dma_start3A_228 = arith.constant 0 : i32
        %dma_start3A_229 = arith.constant 0 : i32
        %dma_start3A_230 = arith.constant 0 : i32
        %dma_start3A_231 = tpu.memref_slice %arg6[%add3A_212, %dma_start3A_228, %mul3A_214, %dma_start3A_229, %dma_start3A_230] : memref<200x4x8x8x128xf32, #tpu.memory_space<hbm>> -> memref<1x4x2x8x128xf32, #tpu.memory_space<hbm>>
        %dma_start3A_232 = tpu.memref_squeeze %dma_start3A_231 : memref<1x4x2x8x128xf32, #tpu.memory_space<hbm>> -> memref<4x2x8x128xf32, #tpu.memory_space<hbm>>
        %dma_start3A_233 = arith.constant 0 : i32
        %dma_start3A_234 = arith.constant 0 : i32
        %dma_start3A_235 = arith.constant 0 : i32
        %dma_start3A_236 = arith.constant 0 : i32
        %dma_start3A_237 = tpu.memref_slice %arg20[%dma_start3A_233, %dma_start3A_234, %dma_start3A_235, %dma_start3A_236] : memref<4x2x8x144xf32, #tpu.memory_space<vmem>> -> memref<4x2x8x128xf32, #tpu.memory_space<vmem>>
        tpu.enqueue_dma source(%dma_start3A_237 : memref<4x2x8x128xf32, #tpu.memory_space<vmem>>) target(%dma_start3A_232 : memref<4x2x8x128xf32, #tpu.memory_space<hbm>>) target_semaphore(%run_scoped3A : memref<!tpu.dma_semaphore, #tpu.memory_space<semaphore_mem>>)
        %dma_wait3A_238 = arith.constant 0 : i32
        %dma_wait3A_239 = arith.constant 0 : i32
        %dma_wait3A_240 = arith.constant 0 : i32
        %dma_wait3A_241 = arith.constant 0 : i32
        %dma_wait3A_242 = tpu.memref_slice %arg20[%dma_wait3A_238, %dma_wait3A_239, %dma_wait3A_240, %dma_wait3A_241] : memref<4x2x8x144xf32, #tpu.memory_space<vmem>> -> memref<4x2x8x128xf32, #tpu.memory_space<vmem>>
        %dma_wait3A_243 = arith.constant 0 : i32
        %dma_wait3A_244 = arith.constant 0 : i32
        %dma_wait3A_245 = arith.constant 0 : i32
        %dma_wait3A_246 = tpu.memref_slice %arg6[%add3A_212, %dma_wait3A_243, %mul3A_214, %dma_wait3A_244, %dma_wait3A_245] : memref<200x4x8x8x128xf32, #tpu.memory_space<hbm>> -> memref<1x4x2x8x128xf32, #tpu.memory_space<hbm>>
        %dma_wait3A_247 = tpu.memref_squeeze %dma_wait3A_246 : memref<1x4x2x8x128xf32, #tpu.memory_space<hbm>> -> memref<4x2x8x128xf32, #tpu.memory_space<hbm>>
        %dma_wait3A_248 = arith.constant 0 : i32
        %dma_wait3A_249 = arith.constant 0 : i32
        %dma_wait3A_250 = arith.constant 0 : i32
        %dma_wait3A_251 = tpu.memref_slice %arg6[%add3A_212, %dma_wait3A_248, %mul3A_214, %dma_wait3A_249, %dma_wait3A_250] : memref<200x4x8x8x128xf32, #tpu.memory_space<hbm>> -> memref<1x4x2x8x128xf32, #tpu.memory_space<hbm>>
        %dma_wait3A_252 = tpu.memref_squeeze %dma_wait3A_251 : memref<1x4x2x8x128xf32, #tpu.memory_space<hbm>> -> memref<4x2x8x128xf32, #tpu.memory_space<hbm>>
        %dma_wait3A_253 = arith.constant 0 : i32
        %dma_wait3A_254 = arith.constant 0 : i32
        %dma_wait3A_255 = arith.constant 0 : i32
        %dma_wait3A_256 = arith.constant 0 : i32
        %dma_wait3A_257 = tpu.memref_slice %arg20[%dma_wait3A_253, %dma_wait3A_254, %dma_wait3A_255, %dma_wait3A_256] : memref<4x2x8x144xf32, #tpu.memory_space<vmem>> -> memref<4x2x8x128xf32, #tpu.memory_space<vmem>>
        tpu.wait_dma2 semaphore(%run_scoped3A : memref<!tpu.dma_semaphore, #tpu.memory_space<semaphore_mem>>) src(%dma_wait3A_257 : memref<4x2x8x128xf32, #tpu.memory_space<vmem>>) dst(%dma_wait3A_252 : memref<4x2x8x128xf32, #tpu.memory_space<hbm>>)
        tpu.yield
      }) : () -> ()
      %add3A_215 = arith.addi %mul3A_32, %add3A_205 : i32
      %mul3A_216 = arith.constant 2 : i32
      %mul3A_217 = arith.muli %select_n3A_30, %mul3A_216 : i32
      "tpu.region"() ({
        %run_scoped3A = tpu.sem_alloc : memref<!tpu.dma_semaphore, #tpu.memory_space<semaphore_mem>>
        %dma_start3A_218 = arith.constant 0 : i32
        %dma_start3A_219 = arith.constant 0 : i32
        %dma_start3A_220 = arith.constant 0 : i32
        %dma_start3A_221 = arith.constant 0 : i32
        %dma_start3A_222 = tpu.memref_slice %arg21[%dma_start3A_218, %dma_start3A_219, %dma_start3A_220, %dma_start3A_221] : memref<12x2x8x144xf32, #tpu.memory_space<vmem>> -> memref<12x2x8x128xf32, #tpu.memory_space<vmem>>
        %dma_start3A_223 = arith.constant 0 : i32
        %dma_start3A_224 = arith.constant 0 : i32
        %dma_start3A_225 = arith.constant 0 : i32
        %dma_start3A_226 = tpu.memref_slice %arg7[%add3A_215, %dma_start3A_223, %mul3A_217, %dma_start3A_224, %dma_start3A_225] : memref<200x12x8x8x128xf32, #tpu.memory_space<hbm>> -> memref<1x12x2x8x128xf32, #tpu.memory_space<hbm>>
        %dma_start3A_227 = tpu.memref_squeeze %dma_start3A_226 : memref<1x12x2x8x128xf32, #tpu.memory_space<hbm>> -> memref<12x2x8x128xf32, #tpu.memory_space<hbm>>
        %dma_start3A_228 = arith.constant 0 : i32
        %dma_start3A_229 = arith.constant 0 : i32
        %dma_start3A_230 = arith.constant 0 : i32
        %dma_start3A_231 = tpu.memref_slice %arg7[%add3A_215, %dma_start3A_228, %mul3A_217, %dma_start3A_229, %dma_start3A_230] : memref<200x12x8x8x128xf32, #tpu.memory_space<hbm>> -> memref<1x12x2x8x128xf32, #tpu.memory_space<hbm>>
        %dma_start3A_232 = tpu.memref_squeeze %dma_start3A_231 : memref<1x12x2x8x128xf32, #tpu.memory_space<hbm>> -> memref<12x2x8x128xf32, #tpu.memory_space<hbm>>
        %dma_start3A_233 = arith.constant 0 : i32
        %dma_start3A_234 = arith.constant 0 : i32
        %dma_start3A_235 = arith.constant 0 : i32
        %dma_start3A_236 = arith.constant 0 : i32
        %dma_start3A_237 = tpu.memref_slice %arg21[%dma_start3A_233, %dma_start3A_234, %dma_start3A_235, %dma_start3A_236] : memref<12x2x8x144xf32, #tpu.memory_space<vmem>> -> memref<12x2x8x128xf32, #tpu.memory_space<vmem>>
        tpu.enqueue_dma source(%dma_start3A_237 : memref<12x2x8x128xf32, #tpu.memory_space<vmem>>) target(%dma_start3A_232 : memref<12x2x8x128xf32, #tpu.memory_space<hbm>>) target_semaphore(%run_scoped3A : memref<!tpu.dma_semaphore, #tpu.memory_space<semaphore_mem>>)
        %dma_wait3A_238 = arith.constant 0 : i32
        %dma_wait3A_239 = arith.constant 0 : i32
        %dma_wait3A_240 = arith.constant 0 : i32
        %dma_wait3A_241 = arith.constant 0 : i32
        %dma_wait3A_242 = tpu.memref_slice %arg21[%dma_wait3A_238, %dma_wait3A_239, %dma_wait3A_240, %dma_wait3A_241] : memref<12x2x8x144xf32, #tpu.memory_space<vmem>> -> memref<12x2x8x128xf32, #tpu.memory_space<vmem>>
        %dma_wait3A_243 = arith.constant 0 : i32
        %dma_wait3A_244 = arith.constant 0 : i32
        %dma_wait3A_245 = arith.constant 0 : i32
        %dma_wait3A_246 = tpu.memref_slice %arg7[%add3A_215, %dma_wait3A_243, %mul3A_217, %dma_wait3A_244, %dma_wait3A_245] : memref<200x12x8x8x128xf32, #tpu.memory_space<hbm>> -> memref<1x12x2x8x128xf32, #tpu.memory_space<hbm>>
        %dma_wait3A_247 = tpu.memref_squeeze %dma_wait3A_246 : memref<1x12x2x8x128xf32, #tpu.memory_space<hbm>> -> memref<12x2x8x128xf32, #tpu.memory_space<hbm>>
        %dma_wait3A_248 = arith.constant 0 : i32
        %dma_wait3A_249 = arith.constant 0 : i32
        %dma_wait3A_250 = arith.constant 0 : i32
        %dma_wait3A_251 = tpu.memref_slice %arg7[%add3A_215, %dma_wait3A_248, %mul3A_217, %dma_wait3A_249, %dma_wait3A_250] : memref<200x12x8x8x128xf32, #tpu.memory_space<hbm>> -> memref<1x12x2x8x128xf32, #tpu.memory_space<hbm>>
        %dma_wait3A_252 = tpu.memref_squeeze %dma_wait3A_251 : memref<1x12x2x8x128xf32, #tpu.memory_space<hbm>> -> memref<12x2x8x128xf32, #tpu.memory_space<hbm>>
        %dma_wait3A_253 = arith.constant 0 : i32
        %dma_wait3A_254 = arith.constant 0 : i32
        %dma_wait3A_255 = arith.constant 0 : i32
        %dma_wait3A_256 = arith.constant 0 : i32
        %dma_wait3A_257 = tpu.memref_slice %arg21[%dma_wait3A_253, %dma_wait3A_254, %dma_wait3A_255, %dma_wait3A_256] : memref<12x2x8x144xf32, #tpu.memory_space<vmem>> -> memref<12x2x8x128xf32, #tpu.memory_space<vmem>>
        tpu.wait_dma2 semaphore(%run_scoped3A : memref<!tpu.dma_semaphore, #tpu.memory_space<semaphore_mem>>) src(%dma_wait3A_257 : memref<12x2x8x128xf32, #tpu.memory_space<vmem>>) dst(%dma_wait3A_252 : memref<12x2x8x128xf32, #tpu.memory_space<hbm>>)
        tpu.yield
      }) : () -> ()
    }
    %scan3A_110 = arith.constant 12 : i32
    %dma_wait3A = arith.constant 0 : i32
    %dma_wait3A_111 = arith.constant 0 : i32
    %dma_wait3A_112 = tpu.memref_slice %arg4[%dma_wait3A, %dma_wait3A_111] : memref<100000x32xf32, #tpu.memory_space<hbm>> -> memref<100000x32xf32, #tpu.memory_space<hbm>>
    tpu.wait_indirect_dma semaphore(%arg22 : memref<!tpu.dma_semaphore, #tpu.memory_space<semaphore_mem>>) src(%dma_wait3A_112 : memref<100000x32xf32, #tpu.memory_space<hbm>>) dst(%arg14 : memref<256x32xf32, #tpu.memory_space<vmem>>)
    %dma_wait3A_113 = arith.constant 0 : i32
    %dma_wait3A_114 = arith.constant 0 : i32
    %dma_wait3A_115 = tpu.memref_slice %arg5[%dma_wait3A_113, %dma_wait3A_114] : memref<2000000x32xf32, #tpu.memory_space<hbm>> -> memref<2000000x32xf32, #tpu.memory_space<hbm>>
    tpu.wait_indirect_dma semaphore(%arg23 : memref<!tpu.dma_semaphore, #tpu.memory_space<semaphore_mem>>) src(%dma_wait3A_115 : memref<2000000x32xf32, #tpu.memory_space<hbm>>) dst(%arg16 : memref<256x32xf32, #tpu.memory_space<vmem>>)
    %dma_wait3A_116 = arith.constant 0 : i32
    %dma_wait3A_117 = arith.constant 0 : i32
    %dma_wait3A_118 = tpu.memref_slice %arg5[%dma_wait3A_116, %dma_wait3A_117] : memref<2000000x32xf32, #tpu.memory_space<hbm>> -> memref<2000000x32xf32, #tpu.memory_space<hbm>>
    tpu.wait_indirect_dma semaphore(%arg23 : memref<!tpu.dma_semaphore, #tpu.memory_space<semaphore_mem>>) src(%dma_wait3A_118 : memref<2000000x32xf32, #tpu.memory_space<hbm>>) dst(%arg18 : memref<256x32xf32, #tpu.memory_space<vmem>>)
    %scan3A_119 = arith.constant 0 : i32
    %scan3A_120 = arith.constant 0 : i32
    %scan3A_121 = arith.constant 256 : i32
    %scan3A_122 = arith.addi %scan3A_120, %scan3A_121 : i32
    %scan3A_123 = arith.constant 1 : i32
    scf.for %scan3A_133 = %scan3A_120 to %scan3A_122 step %scan3A_123  : i32 {
      %shift_right_logical3A_134 = arith.constant 7 : i32
      %shift_right_logical3A_135 = arith.shrui %scan3A_133, %shift_right_logical3A_134 : i32
      %and3A_136 = arith.constant 127 : i32
      %and3A_137 = arith.andi %scan3A_133, %and3A_136 : i32
      %broadcast_in_dim3A = vector.broadcast %shift_right_logical3A_135 : i32 to vector<16xi32>
      %broadcast_in_dim3A_138 = vector.broadcast %and3A_137 : i32 to vector<16xi32>
      %get3A = arith.index_cast %scan3A_133 : i32 to index
      %get3A_139 = arith.constant 0 : index
      %get3A_140 = tpu.vector_load %arg14[%get3A, %get3A_139] {strides = array<i32>} : memref<256x32xf32, #tpu.memory_space<vmem>>, vector<16xf32>,
      %mul3A_141 = arith.constant 9.79795932 : f32
      %mul3A_142 = vector.broadcast %mul3A_141 : f32 to vector<16xf32>
      %mul3A_143 = arith.mulf %get3A_140, %mul3A_142 : vector<16xf32>
      tpu.vector_store_idx %arg21[%shift_right_logical3A_39, %broadcast_in_dim3A, %and3A_42, %broadcast_in_dim3A_138], %mul3A_143 : memref<12x2x8x144xf32, #tpu.memory_space<vmem>>[vector<16xi32>, vector<16xi32>, vector<16xi32>, vector<16xi32>], vector<16xf32>,
      %mul3A_144 = arith.constant 5.65685415 : f32
      %mul3A_145 = vector.broadcast %mul3A_144 : f32 to vector<16xf32>
      %mul3A_146 = arith.mulf %get3A_140, %mul3A_145 : vector<16xf32>
      tpu.vector_store_idx %arg20[%shift_right_logical3A_39, %broadcast_in_dim3A, %and3A_42, %broadcast_in_dim3A_138], %mul3A_146 : memref<4x2x8x144xf32, #tpu.memory_space<vmem>>[vector<16xi32>, vector<16xi32>, vector<16xi32>, vector<16xi32>], vector<16xf32>,
      %get3A_147 = arith.index_cast %scan3A_133 : i32 to index
      %get3A_148 = arith.constant 16 : index
      %get3A_149 = tpu.vector_load %arg14[%get3A_147, %get3A_148] {strides = array<i32>} : memref<256x32xf32, #tpu.memory_space<vmem>>, vector<16xf32>,
      %mul3A_150 = arith.constant 9.79795932 : f32
      %mul3A_151 = vector.broadcast %mul3A_150 : f32 to vector<16xf32>
      %mul3A_152 = arith.mulf %get3A_149, %mul3A_151 : vector<16xf32>
      tpu.vector_store_idx %arg21[%shift_right_logical3A_48, %broadcast_in_dim3A, %and3A_51, %broadcast_in_dim3A_138], %mul3A_152 : memref<12x2x8x144xf32, #tpu.memory_space<vmem>>[vector<16xi32>, vector<16xi32>, vector<16xi32>, vector<16xi32>], vector<16xf32>,
      %mul3A_153 = arith.constant 5.65685415 : f32
      %mul3A_154 = vector.broadcast %mul3A_153 : f32 to vector<16xf32>
      %mul3A_155 = arith.mulf %get3A_149, %mul3A_154 : vector<16xf32>
      tpu.vector_store_idx %arg20[%shift_right_logical3A_48, %broadcast_in_dim3A, %and3A_51, %broadcast_in_dim3A_138], %mul3A_155 : memref<4x2x8x144xf32, #tpu.memory_space<vmem>>[vector<16xi32>, vector<16xi32>, vector<16xi32>, vector<16xi32>], vector<16xf32>,
      %get3A_156 = arith.index_cast %scan3A_133 : i32 to index
      %get3A_157 = arith.constant 0 : index
      %get3A_158 = tpu.vector_load %arg16[%get3A_156, %get3A_157] {strides = array<i32>} : memref<256x32xf32, #tpu.memory_space<vmem>>, vector<16xf32>,
      %mul3A_159 = arith.constant 9.79795932 : f32
      %mul3A_160 = vector.broadcast %mul3A_159 : f32 to vector<16xf32>
      %mul3A_161 = arith.mulf %get3A_158, %mul3A_160 : vector<16xf32>
      tpu.vector_store_idx %arg21[%shift_right_logical3A_57, %broadcast_in_dim3A, %and3A_60, %broadcast_in_dim3A_138], %mul3A_161 : memref<12x2x8x144xf32, #tpu.memory_space<vmem>>[vector<16xi32>, vector<16xi32>, vector<16xi32>, vector<16xi32>], vector<16xf32>,
      %get3A_162 = arith.index_cast %scan3A_133 : i32 to index
      %get3A_163 = arith.constant 16 : index
      %get3A_164 = tpu.vector_load %arg16[%get3A_162, %get3A_163] {strides = array<i32>} : memref<256x32xf32, #tpu.memory_space<vmem>>, vector<16xf32>,
      %mul3A_165 = arith.constant 9.79795932 : f32
      %mul3A_166 = vector.broadcast %mul3A_165 : f32 to vector<16xf32>
      %mul3A_167 = arith.mulf %get3A_164, %mul3A_166 : vector<16xf32>
      tpu.vector_store_idx %arg21[%shift_right_logical3A_66, %broadcast_in_dim3A, %and3A_69, %broadcast_in_dim3A_138], %mul3A_167 : memref<12x2x8x144xf32, #tpu.memory_space<vmem>>[vector<16xi32>, vector<16xi32>, vector<16xi32>, vector<16xi32>], vector<16xf32>,
      %get3A_168 = arith.index_cast %scan3A_133 : i32 to index
      %get3A_169 = arith.constant 0 : index
      %get3A_170 = tpu.vector_load %arg18[%get3A_168, %get3A_169] {strides = array<i32>} : memref<256x32xf32, #tpu.memory_space<vmem>>, vector<16xf32>,
      %mul3A_171 = arith.constant 9.79795932 : f32
      %mul3A_172 = vector.broadcast %mul3A_171 : f32 to vector<16xf32>
      %mul3A_173 = arith.mulf %get3A_170, %mul3A_172 : vector<16xf32>
      tpu.vector_store_idx %arg21[%shift_right_logical3A_75, %broadcast_in_dim3A, %and3A_78, %broadcast_in_dim3A_138], %mul3A_173 : memref<12x2x8x144xf32, #tpu.memory_space<vmem>>[vector<16xi32>, vector<16xi32>, vector<16xi32>, vector<16xi32>], vector<16xf32>,
      %get3A_174 = arith.index_cast %scan3A_133 : i32 to index
      %get3A_175 = arith.constant 16 : index
      %get3A_176 = tpu.vector_load %arg18[%get3A_174, %get3A_175] {strides = array<i32>} : memref<256x32xf32, #tpu.memory_space<vmem>>, vector<16xf32>,
      %mul3A_177 = arith.constant 9.79795932 : f32
      %mul3A_178 = vector.broadcast %mul3A_177 : f32 to vector<16xf32>
      %mul3A_179 = arith.mulf %get3A_176, %mul3A_178 : vector<16xf32>
      tpu.vector_store_idx %arg21[%shift_right_logical3A_84, %broadcast_in_dim3A, %and3A_87, %broadcast_in_dim3A_138], %mul3A_179 : memref<12x2x8x144xf32, #tpu.memory_space<vmem>>[vector<16xi32>, vector<16xi32>, vector<16xi32>, vector<16xi32>], vector<16xf32>,
    }
    %scan3A_124 = arith.constant 256 : i32
    %add3A_125 = arith.constant 24 : i32
    %add3A_126 = arith.addi %mul3A_32, %add3A_125 : i32
    %mul3A_127 = arith.constant 2 : i32
    %mul3A_128 = arith.muli %select_n3A_30, %mul3A_127 : i32
    "tpu.region"() ({
      %run_scoped3A = tpu.sem_alloc : memref<!tpu.dma_semaphore, #tpu.memory_space<semaphore_mem>>
      %dma_start3A_133 = arith.constant 0 : i32
      %dma_start3A_134 = arith.constant 0 : i32
      %dma_start3A_135 = arith.constant 0 : i32
      %dma_start3A_136 = arith.constant 0 : i32
      %dma_start3A_137 = tpu.memref_slice %arg20[%dma_start3A_133, %dma_start3A_134, %dma_start3A_135, %dma_start3A_136] : memref<4x2x8x144xf32, #tpu.memory_space<vmem>> -> memref<4x2x8x128xf32, #tpu.memory_space<vmem>>
      %dma_start3A_138 = arith.constant 0 : i32
      %dma_start3A_139 = arith.constant 0 : i32
      %dma_start3A_140 = arith.constant 0 : i32
      %dma_start3A_141 = tpu.memref_slice %arg6[%add3A_126, %dma_start3A_138, %mul3A_128, %dma_start3A_139, %dma_start3A_140] : memref<200x4x8x8x128xf32, #tpu.memory_space<hbm>> -> memref<1x4x2x8x128xf32, #tpu.memory_space<hbm>>
      %dma_start3A_142 = tpu.memref_squeeze %dma_start3A_141 : memref<1x4x2x8x128xf32, #tpu.memory_space<hbm>> -> memref<4x2x8x128xf32, #tpu.memory_space<hbm>>
      %dma_start3A_143 = arith.constant 0 : i32
      %dma_start3A_144 = arith.constant 0 : i32
      %dma_start3A_145 = arith.constant 0 : i32
      %dma_start3A_146 = tpu.memref_slice %arg6[%add3A_126, %dma_start3A_143, %mul3A_128, %dma_start3A_144, %dma_start3A_145] : memref<200x4x8x8x128xf32, #tpu.memory_space<hbm>> -> memref<1x4x2x8x128xf32, #tpu.memory_space<hbm>>
      %dma_start3A_147 = tpu.memref_squeeze %dma_start3A_146 : memref<1x4x2x8x128xf32, #tpu.memory_space<hbm>> -> memref<4x2x8x128xf32, #tpu.memory_space<hbm>>
      %dma_start3A_148 = arith.constant 0 : i32
      %dma_start3A_149 = arith.constant 0 : i32
      %dma_start3A_150 = arith.constant 0 : i32
      %dma_start3A_151 = arith.constant 0 : i32
      %dma_start3A_152 = tpu.memref_slice %arg20[%dma_start3A_148, %dma_start3A_149, %dma_start3A_150, %dma_start3A_151] : memref<4x2x8x144xf32, #tpu.memory_space<vmem>> -> memref<4x2x8x128xf32, #tpu.memory_space<vmem>>
      tpu.enqueue_dma source(%dma_start3A_152 : memref<4x2x8x128xf32, #tpu.memory_space<vmem>>) target(%dma_start3A_147 : memref<4x2x8x128xf32, #tpu.memory_space<hbm>>) target_semaphore(%run_scoped3A : memref<!tpu.dma_semaphore, #tpu.memory_space<semaphore_mem>>)
      %dma_wait3A_153 = arith.constant 0 : i32
      %dma_wait3A_154 = arith.constant 0 : i32
      %dma_wait3A_155 = arith.constant 0 : i32
      %dma_wait3A_156 = arith.constant 0 : i32
      %dma_wait3A_157 = tpu.memref_slice %arg20[%dma_wait3A_153, %dma_wait3A_154, %dma_wait3A_155, %dma_wait3A_156] : memref<4x2x8x144xf32, #tpu.memory_space<vmem>> -> memref<4x2x8x128xf32, #tpu.memory_space<vmem>>
      %dma_wait3A_158 = arith.constant 0 : i32
      %dma_wait3A_159 = arith.constant 0 : i32
      %dma_wait3A_160 = arith.constant 0 : i32
      %dma_wait3A_161 = tpu.memref_slice %arg6[%add3A_126, %dma_wait3A_158, %mul3A_128, %dma_wait3A_159, %dma_wait3A_160] : memref<200x4x8x8x128xf32, #tpu.memory_space<hbm>> -> memref<1x4x2x8x128xf32, #tpu.memory_space<hbm>>
      %dma_wait3A_162 = tpu.memref_squeeze %dma_wait3A_161 : memref<1x4x2x8x128xf32, #tpu.memory_space<hbm>> -> memref<4x2x8x128xf32, #tpu.memory_space<hbm>>
      %dma_wait3A_163 = arith.constant 0 : i32
      %dma_wait3A_164 = arith.constant 0 : i32
      %dma_wait3A_165 = arith.constant 0 : i32
      %dma_wait3A_166 = tpu.memref_slice %arg6[%add3A_126, %dma_wait3A_163, %mul3A_128, %dma_wait3A_164, %dma_wait3A_165] : memref<200x4x8x8x128xf32, #tpu.memory_space<hbm>> -> memref<1x4x2x8x128xf32, #tpu.memory_space<hbm>>
      %dma_wait3A_167 = tpu.memref_squeeze %dma_wait3A_166 : memref<1x4x2x8x128xf32, #tpu.memory_space<hbm>> -> memref<4x2x8x128xf32, #tpu.memory_space<hbm>>
      %dma_wait3A_168 = arith.constant 0 : i32
      %dma_wait3A_169 = arith.constant 0 : i32
      %dma_wait3A_170 = arith.constant 0 : i32
      %dma_wait3A_171 = arith.constant 0 : i32
      %dma_wait3A_172 = tpu.memref_slice %arg20[%dma_wait3A_168, %dma_wait3A_169, %dma_wait3A_170, %dma_wait3A_171] : memref<4x2x8x144xf32, #tpu.memory_space<vmem>> -> memref<4x2x8x128xf32, #tpu.memory_space<vmem>>
      tpu.wait_dma2 semaphore(%run_scoped3A : memref<!tpu.dma_semaphore, #tpu.memory_space<semaphore_mem>>) src(%dma_wait3A_172 : memref<4x2x8x128xf32, #tpu.memory_space<vmem>>) dst(%dma_wait3A_167 : memref<4x2x8x128xf32, #tpu.memory_space<hbm>>)
      tpu.yield
    }) : () -> ()
    %add3A_129 = arith.constant 24 : i32
    %add3A_130 = arith.addi %mul3A_32, %add3A_129 : i32
    %mul3A_131 = arith.constant 2 : i32
    %mul3A_132 = arith.muli %select_n3A_30, %mul3A_131 : i32
    "tpu.region"() ({
      %run_scoped3A = tpu.sem_alloc : memref<!tpu.dma_semaphore, #tpu.memory_space<semaphore_mem>>
      %dma_start3A_133 = arith.constant 0 : i32
      %dma_start3A_134 = arith.constant 0 : i32
      %dma_start3A_135 = arith.constant 0 : i32
      %dma_start3A_136 = arith.constant 0 : i32
      %dma_start3A_137 = tpu.memref_slice %arg21[%dma_start3A_133, %dma_start3A_134, %dma_start3A_135, %dma_start3A_136] : memref<12x2x8x144xf32, #tpu.memory_space<vmem>> -> memref<12x2x8x128xf32, #tpu.memory_space<vmem>>
      %dma_start3A_138 = arith.constant 0 : i32
      %dma_start3A_139 = arith.constant 0 : i32
      %dma_start3A_140 = arith.constant 0 : i32
      %dma_start3A_141 = tpu.memref_slice %arg7[%add3A_130, %dma_start3A_138, %mul3A_132, %dma_start3A_139, %dma_start3A_140] : memref<200x12x8x8x128xf32, #tpu.memory_space<hbm>> -> memref<1x12x2x8x128xf32, #tpu.memory_space<hbm>>
      %dma_start3A_142 = tpu.memref_squeeze %dma_start3A_141 : memref<1x12x2x8x128xf32, #tpu.memory_space<hbm>> -> memref<12x2x8x128xf32, #tpu.memory_space<hbm>>
      %dma_start3A_143 = arith.constant 0 : i32
      %dma_start3A_144 = arith.constant 0 : i32
      %dma_start3A_145 = arith.constant 0 : i32
      %dma_start3A_146 = tpu.memref_slice %arg7[%add3A_130, %dma_start3A_143, %mul3A_132, %dma_start3A_144, %dma_start3A_145] : memref<200x12x8x8x128xf32, #tpu.memory_space<hbm>> -> memref<1x12x2x8x128xf32, #tpu.memory_space<hbm>>
      %dma_start3A_147 = tpu.memref_squeeze %dma_start3A_146 : memref<1x12x2x8x128xf32, #tpu.memory_space<hbm>> -> memref<12x2x8x128xf32, #tpu.memory_space<hbm>>
      %dma_start3A_148 = arith.constant 0 : i32
      %dma_start3A_149 = arith.constant 0 : i32
      %dma_start3A_150 = arith.constant 0 : i32
      %dma_start3A_151 = arith.constant 0 : i32
      %dma_start3A_152 = tpu.memref_slice %arg21[%dma_start3A_148, %dma_start3A_149, %dma_start3A_150, %dma_start3A_151] : memref<12x2x8x144xf32, #tpu.memory_space<vmem>> -> memref<12x2x8x128xf32, #tpu.memory_space<vmem>>
      tpu.enqueue_dma source(%dma_start3A_152 : memref<12x2x8x128xf32, #tpu.memory_space<vmem>>) target(%dma_start3A_147 : memref<12x2x8x128xf32, #tpu.memory_space<hbm>>) target_semaphore(%run_scoped3A : memref<!tpu.dma_semaphore, #tpu.memory_space<semaphore_mem>>)
      %dma_wait3A_153 = arith.constant 0 : i32
      %dma_wait3A_154 = arith.constant 0 : i32
      %dma_wait3A_155 = arith.constant 0 : i32
      %dma_wait3A_156 = arith.constant 0 : i32
      %dma_wait3A_157 = tpu.memref_slice %arg21[%dma_wait3A_153, %dma_wait3A_154, %dma_wait3A_155, %dma_wait3A_156] : memref<12x2x8x144xf32, #tpu.memory_space<vmem>> -> memref<12x2x8x128xf32, #tpu.memory_space<vmem>>
      %dma_wait3A_158 = arith.constant 0 : i32
      %dma_wait3A_159 = arith.constant 0 : i32
      %dma_wait3A_160 = arith.constant 0 : i32
      %dma_wait3A_161 = tpu.memref_slice %arg7[%add3A_130, %dma_wait3A_158, %mul3A_132, %dma_wait3A_159, %dma_wait3A_160] : memref<200x12x8x8x128xf32, #tpu.memory_space<hbm>> -> memref<1x12x2x8x128xf32, #tpu.memory_space<hbm>>
      %dma_wait3A_162 = tpu.memref_squeeze %dma_wait3A_161 : memref<1x12x2x8x128xf32, #tpu.memory_space<hbm>> -> memref<12x2x8x128xf32, #tpu.memory_space<hbm>>
      %dma_wait3A_163 = arith.constant 0 : i32
      %dma_wait3A_164 = arith.constant 0 : i32
      %dma_wait3A_165 = arith.constant 0 : i32
      %dma_wait3A_166 = tpu.memref_slice %arg7[%add3A_130, %dma_wait3A_163, %mul3A_132, %dma_wait3A_164, %dma_wait3A_165] : memref<200x12x8x8x128xf32, #tpu.memory_space<hbm>> -> memref<1x12x2x8x128xf32, #tpu.memory_space<hbm>>
      %dma_wait3A_167 = tpu.memref_squeeze %dma_wait3A_166 : memref<1x12x2x8x128xf32, #tpu.memory_space<hbm>> -> memref<12x2x8x128xf32, #tpu.memory_space<hbm>>
      %dma_wait3A_168 = arith.constant 0 : i32
      %dma_wait3A_169 = arith.constant 0 : i32
      %dma_wait3A_170 = arith.constant 0 : i32
      %dma_wait3A_171 = arith.constant 0 : i32
      %dma_wait3A_172 = tpu.memref_slice %arg21[%dma_wait3A_168, %dma_wait3A_169, %dma_wait3A_170, %dma_wait3A_171] : memref<12x2x8x144xf32, #tpu.memory_space<vmem>> -> memref<12x2x8x128xf32, #tpu.memory_space<vmem>>
      tpu.wait_dma2 semaphore(%run_scoped3A : memref<!tpu.dma_semaphore, #tpu.memory_space<semaphore_mem>>) src(%dma_wait3A_172 : memref<12x2x8x128xf32, #tpu.memory_space<vmem>>) dst(%dma_wait3A_167 : memref<12x2x8x128xf32, #tpu.memory_space<hbm>>)
      tpu.yield
    }) : () -> ()
    return
  }
}

</mosaic_0001>

<sc_bundles>
// kernel: kernel.3.cloned.1.call-start
scs
__scs_entry_jumppad:
0x0: {  	(pc) =	sbr.rel $0x88, $3  }
0x1: {  	(tag) =	ssettag $0x0;
	lr =	simm.s32 $0x1  }
0x2: {  	[smem:$0x3F9D] =	sst lr;
	_ =	strace $0xD0000000  }
0x3: {  	_ = 	snop  }
0x4: {  	_ = 	snop  }
0x5: {  	_ = 	snop  }
0x6: {  	_ = 	snop  }
0x7: {  	_ = 	snop  }
__scs_overlays_trampoline_lowered:
0x8: {  	[smem:$0x3FAC] =	sst s0  }
0x9: {  	[smem:$0x3FAD] =	sst s1  }
0xa: {  	[smem:$0x3FAE] =	sst s2  }
0xb: {  	[smem:$0x3FAF] =	sst s3  }
0xc: {  	[smem:$0x3FB0] =	sst s4  }
0xd: {  	[smem:$0x3FB1] =	sst s5  }
0xe: {  	[smem:$0x3FB2] =	sst s6  }
0xf: {  	[smem:$0x3FB3] =	sst s7  }
0x10: {  	[smem:$0x3FB4] =	sst s8  }
0x11: {  	[smem:$0x3FB5] =	sst s9;
	s0 =	simm.s32 @!p0 $0x0  }
0x12: {  	s1 =	sld [smem:$0x3F9B];
	s0 =	simm.s32 @p0 $0x1  }
0x13: {  	[smem:$0x3FB6] =	sst s0;
	s0 =	simm.s32 @!p1 $0x0  }
0x14: {  	s2 =	sld [smem:$0x3F9A];
	s0 =	simm.s32 @p1 $0x1  }
0x15: {  	[smem:$0x3FB7] =	sst s0;
	s0 =	simm.s32 @!p2 $0x0  }
0x16: {  	s3 =	sld [smem:$0x3FDB];
	s0 =	simm.s32 @p2 $0x1  }
0x17: {  	s4 =	simm.s32 $0x1BF5;
	[smem:$0x3FB9] =	sst s0  }
0x18: {  	s0 =	sld [smem:$0x3F9C];
	_ =	swait.ge [sflag:s4], $0x0  }
0x19: {  	s7 =	sld [smem:$0x3F9D]  }
0x1a: {  	s8 =	sadd.s32 $0xFFFFE003, lr  }
0x1b: {  	s9 =	sadd.s32 $0xFFFFFEF7, lr;
	s5 =	simm.s32 $0xFFFFFFFF;
	p2 =	slt.u32 s8, $0xFFFFF086  }
0x1c: {  	p1 =	slt.u32 s9, $0xF7A;
	s5 =	simm.s32 @!p2 $0x0  }
0x1d: {  	s5 =	simm.s32 @p1 $0x1;
	p0 =	seq.s32 s7, s2  }
0x1e: {  	s7 =	smul.u32 @!p0 $0xF7A, s2;
	p2 =	seq.s32 @!p0 s5, $0x0  }
0x1f: {  	s9 =	smul.u32 $0xF7A, s1;
	s8 =	simm.s32 @!p0 $0x1BF5;
	p2 =	por !p2, p0  }
0x20: {  	[sflag:s8] =	ssyncset.s32 @!p0 $0xFFFFF086;
	s6 =	sadd.s32 @!p0 s3, s7;
	s7 =	simm.s32 @!p0 $0x108  }
0x21: {  	s3 =	sadd.s32 s3, s9;
	s6 =	sadd.s32 @!p0 $0x88, s6;
	s7 =	simm.s32 @p2 $0x1082  }
0x22: {  	[simem:s7], [sflag:s8] =	dma.local @!p0 [hbm:s6], $0xF7A  }
0x23: {  	s9 =	sor.u32 $0xD0000000, s2;
	s6 =	simm.s32 $0x108;
	_ =	swait.ge @!p0 [sflag:s8], $0x0  }
0x24: {  	s3 =	sadd.s32 $0x88, s3;
	s6 =	simm.s32 @!p1 $0x1082;
	[sflag:s4] =	ssyncset.s32 $0xFFFFF086  }
0x25: {  	[simem:s6], [sflag:s4] =	dma.local [hbm:s3], $0xF7A  }
0x26: {  	[smem:$0x3F9D] =	sst s1;
	(tag) =	ssettag s2;
	_ =	strace s9  }
0x27: {  	s1 =	sld [smem:$0x3FAD]  }
0x28: {  	s2 =	sld [smem:$0x3FAE]  }
0x29: {  	s4 =	sld [smem:$0x3FB0]  }
0x2a: {  	p0 =	seq.s32 s5, $0x0;
	s5 =	sld [smem:$0x3FB1]  }
0x2b: {  	s6 =	sld [smem:$0x3FB2]  }
0x2c: {  	s7 =	sld [smem:$0x3FB3]  }
0x2d: {  	s3 =	simm.s32 $0x108;
	s8 =	sld [smem:$0x3FB4]  }
0x2e: {  	s3 =	simm.s32 @!p0 $0x1082;
	s9 =	sld [smem:$0x3FB5]  }
0x2f: {  	lr =	sadd.s32 s0, s3;
	s0 =	sld [smem:$0x3FAC]  }
0x30: {  	s3 =	sld [smem:$0x3FAF]  }
0x31: {  	[smem:$0x3FB8] =	sst s10  }
0x32: {  	s10 =	sld [smem:$0x3FB6];
	_ =	sdelay $0x3  }
0x33: {  	p0 =	seq.s32 s10, $0x1;
	s10 =	sld [smem:$0x3FB8];
	_ =	sdelay $0x3  }
0x34: {  	[smem:$0x3FB8] =	sst s10  }
0x35: {  	s10 =	sld [smem:$0x3FB7];
	_ =	sdelay $0x3  }
0x36: {  	p1 =	seq.s32 s10, $0x1;
	s10 =	sld [smem:$0x3FB8];
	_ =	sdelay $0x3  }
0x37: {  	[smem:$0x3FB8] =	sst s10  }
0x38: {  	s10 =	sld [smem:$0x3FB9]  }
0x39: {  	_ = 	snop;
	(pc) =	sbr.ind lr, $3  }
0x3a: {  	_ = 	snop  }
0x3b: {  	_ = 	snop  }
0x3c: {  	p2 =	seq.s32 s10, $0x1;
	s10 =	sld [smem:$0x3FB8]  }
0x3d: {  	_ =	shalt  }
0x3e: {  	_ =	shalt  }
0x3f: {  	_ =	shalt  }
0x40: {  	_ =	shalt  }
0x41: {  	_ =	shalt  }
0x42: {  	_ =	shalt  }
0x43: {  	_ =	shalt  }
0x44: {  	_ =	shalt  }
0x45: {  	_ =	shalt  }
0x46: {  	_ =	shalt  }
0x47: {  	_ =	shalt  }
0x48: {  	_ =	shalt  }
0x49: {  	_ =	shalt  }
0x4a: {  	_ =	shalt  }
0x4b: {  	_ =	shalt  }
0x4c: {  	_ =	shalt  }
0x4d: {  	_ =	shalt  }
0x4e: {  	_ =	shalt  }
0x4f: {  	_ =	shalt  }
0x50: {  	_ =	shalt  }
0x51: {  	_ =	shalt  }
0x52: {  	_ =	shalt  }
0x53: {  	_ =	shalt  }
0x54: {  	_ =	shalt  }
0x55: {  	_ =	shalt  }
0x56: {  	_ =	shalt  }
0x57: {  	_ =	shalt  }
0x58: {  	_ =	shalt  }
0x59: {  	_ =	shalt  }
0x5a: {  	_ =	shalt  }
0x5b: {  	_ =	shalt  }
0x5c: {  	_ =	shalt  }
0x5d: {  	_ =	shalt  }
0x5e: {  	_ =	shalt  }
0x5f: {  	_ =	shalt  }
0x60: {  	_ =	shalt  }
0x61: {  	_ =	shalt  }
0x62: {  	_ =	shalt  }
0x63: {  	_ =	shalt  }
0x64: {  	_ =	shalt  }
0x65: {  	_ =	shalt  }
0x66: {  	_ =	shalt  }
0x67: {  	_ =	shalt  }
0x68: {  	_ =	shalt  }
0x69: {  	_ =	shalt  }
0x6a: {  	_ =	shalt  }
0x6b: {  	_ =	shalt  }
0x6c: {  	_ =	shalt  }
0x6d: {  	_ =	shalt  }
0x6e: {  	_ =	shalt  }
0x6f: {  	_ =	shalt  }
0x70: {  	_ =	shalt  }
0x71: {  	_ =	shalt  }
0x72: {  	_ =	shalt  }
0x73: {  	_ =	shalt  }
0x74: {  	_ =	shalt  }
0x75: {  	_ =	shalt  }
0x76: {  	_ =	shalt  }
0x77: {  	_ =	shalt  }
0x78: {  	_ =	shalt  }
0x79: {  	_ =	shalt  }
0x7a: {  	_ =	shalt  }
0x7b: {  	_ =	shalt  }
0x7c: {  	_ =	shalt  }
0x7d: {  	_ =	shalt  }
0x7e: {  	_ =	shalt  }
0x7f: {  	_ =	shalt  }
0x80: {  	_ =	shalt  }
0x81: {  	_ =	shalt  }
0x82: {  	_ =	shalt  }
0x83: {  	_ =	shalt  }
0x84: {  	_ =	shalt  }
0x85: {  	_ =	shalt  }
0x86: {  	_ =	shalt  }
0x87: {  	_ =	shalt  }
.Lfunc_end0:
.L_simem_size_0:
called_computation_lowered:
.L_overlay_start_0:
0x88: {  	s2 =	sld [smem:$0x3FD9]  }
0x89: {  	s3 =	sld [smem:$0x3FFE];
	_ =	sdelay $0x1  }
0x8a: {  	s1 =	srdreg.scid  }
0x8b: {  	s0 =	sand.u32 $0x1, s1  }
0x8c: {  	s14 =	sshll.u32 s0, $0xA;
	s2 =	sadd.s32 s3, s2  }
0x8d: {  	s2 =	sadd.s32 s2, s14  }
0x8e: {  	[smem:$0x3FC4] =	sst s2  }
0x8f: {  	_ = 	snop  }
0x90: {  	s2 =	sld [smem:$0x3FD0];
	_ =	sdelay $0x2  }
0x91: {  	s15 =	simm.s32 $0xA;
	s4 =	simm.s32 $0x10  }
0x92: {  	[smem:s4], [sflag:s15] =	dma.local [hbm:s2], $0x1  }
0x93: {  	_ =	swait.eq [sflag:s15], $0x1  }
0x94: {  	[sflag:s15] =	ssyncset.done $0x0  }
0x95: {  	s16 =	sld [smem:$0x10];
	[sflag:s15] =	ssyncadd.s32 $0xFFFFFFFF  }
0x96: {  	s17 =	sld [smem:$0x11];
	(tm) =	ssettm $0x1  }
0x97: {  	s18 =	sld [smem:$0x3FFB];
	_ =	sdelay $0x3  }
0x98: {  	_ =	strace s18  }
0x99: {  	s4 =	sld [smem:$0x3FFC];
	_ =	sdelay $0x3  }
0x9a: {  	_ =	strace s4  }
0x9b: {  	s4 =	sld [smem:$0x3FFD];
	_ =	sdelay $0x3  }
0x9c: {  	_ =	strace s4  }
0x9d: {  	_ =	strace $0x8FFFFFFF  }
0x9e: {  	s19 =	sld [smem:$0x3FDB];
	_ =	sdelay $0x1  }
0x9f: {  	s5 =	simm.s32 $_scs_section_size  }
0xa0: {  	s6 =	simm.s32 $_size__tile_overlayer_lowered;
	s7 =	simm.s32 $_tile_overlayer_lowered  }
0xa1: {  	s22 =	simm.s32 $0x1BFF;
	s21 =	sshll.u32 s7, $0x1;
	s4 =	sadd.s32 s5, s19  }
0xa2: {  	s8 =	simm.s32 $0x0;
	s20 =	sshll.u32 s6, $0x1;
	s6 =	sadd.s32 s21, s4  }
0xa3: {  	[timem:s8], [sflag:s22] =	dma.local [hbm:s6], s20  }
0xa4: {  	_ =	swait.ge [sflag:s22], s20  }
0xa5: {  	s5 =	ssub.s32 $0x0, s20;
	[sflag:s22] =	ssyncset.done $0x0  }
0xa6: {  	[sflag:s22] =	ssyncadd.s32 s5;
	_ =	sdelay $0x1  }
0xa7: {  	s23 =	simm.s32 $0x1B8B  }
0xa8: {  	_ =	swait.ge [sflag:s23], $0x1  }
0xa9: {  	[sflag:s23] =	ssyncset.done $0x0  }
0xaa: {  	s25 =	simm.s32 $0x1B8E;
	s24 =	sld [smem:$0x3FFE];
	[sflag:s23] =	ssyncadd.s32 $0xFFFFFFFF  }
0xab: {  	s26 =	simm.s32 $execute0_lowered;
	[smem:$0x3FD2] =	sst s25  }
0xac: {  	s6 =	sshll.u32 s26, $0x1;
	_ =	strace $0x80000046;
	[dreg:$0x1] =	wrdreg $0xFFFFFFFF  }
0xad: {  	s28 =	simm.s32 $_size_execute0_lowered;
	s4 =	sadd.s32 s4, s6;
	[dreg:$0x0] =	wrdreg $0x0  }
0xae: {  	s6 =	sshll.u32 s28, $0x1;
	[dreg:$0x2] =	wrdreg s4  }
0xaf: {  	[dreg:$0x3] =	wrdreg s6  }
0xb0: {  	[dreg:$0x4] =	wrdreg $0xC0  }
0xb1: {  	_ =	task [dreg:s8], $0x5FFFF  }
0xb2: {  	[dreg:$0x1] =	wrdreg $0xFFFFFFFF  }
0xb3: {  	[dreg:$0x0] =	wrdreg $0x60  }
0xb4: {  	[dreg:$0x2] =	wrdreg s24  }
0xb5: {  	[dreg:$0x3] =	wrdreg s16  }
0xb6: {  	[dreg:$0x4] =	wrdreg s17  }
0xb7: {  	[dreg:$0x5] =	wrdreg $0x9  }
0xb8: {  	_ =	task.clear_ibuf [dreg:s8], $0x6FFFF;
	_ =	strace $0x90000046  }
0xb9: {  	s29 =	simm.s32 $0x9;
	_ =	strace $0x80000048  }
0xba: {  	_ =	swait.ge [sflag:s29], $0x1  }
0xbb: {  	[sflag:s29] =	ssyncadd.s32 $0xFFFFFFFF  }
0xbc: {  	_ =	strace $0x90000048  }
0xbd: {  	_ =	sfence  }
0xbe: {  	s30 =	sld [smem:$0x0];
	_ =	sdelay $0x2  }
0xbf: {  	s31 =	sshll.u32 s1, $0xD;
	s1 =	sshrl.u32 s1, $0x2  }
0xc0: {  	s3 =	sand.u32 $0x4000, s31;
	s1 =	sadd.s32 s1, s30  }
0xc1: {  	s0 =	sor.u32 s3, s0;
	s1 =	sshll.u32 s1, $0x11  }
0xc2: {  	s0 =	sor.u32 s1, s0  }
0xc3: {  	s0 =	sadd.s32 $0x8F2B, s0  }
0xc4: {  	[sflag:s0] =	ssyncadd.remote.s32 $0x1  }
0xc5: {  	_ =	sfence.sel $0xFFFF  }
0xc6: {  	[dreg:$0x0] =	wrdreg $0xFFFFFFFF;
	(pc) =	sbr.abs _section_cstart, $3  }
0xc7: {  	[dreg:$0x1] =	wrdreg $0xFFFFFFFF  }
0xc8: {  	_ =	task.clear_ibuf [dreg:s8], $0x2FFFF;
	_ =	strace $0x9FFFFFFF  }
0xc9: {  	(tm) =	ssettm $0x7FFFFFFF  }
tec
execute0_lowered:
.L_overlay_start_1:
0x0: {  	(tag) =	ssettag $0x1  }
0x1: {  	v0 =	vimm.s32 $0xCF0;
	vm14 =	vcmask $0x300;
	vm13 =	vcmask $0x704  }
0x2: {  	vm12 =	vcmask $0xB08;
	vm11 =	vcmask $0xF0C;
	vm10 =	vcmask $0x1310  }
0x3: {  	vm8 =	vcmask $0x1714;
	vm5 =	vcmask $0x1B18;
	vm0 =	vcmask $0x1F1C  }
0x4: {  	v1 =	vimm.s32 $0x1EF0;
	v2 =	vimm.s32 $0x30F0;
	vm1 =	vcmask $0x2320  }
0x5: {  	vm2 =	vcmask $0x2724;
	vm3 =	vcmask $0x2B28;
	vm4 =	vcmask $0x2F2C  }
0x6: {  	vm6 =	vcmask $0x3330;
	vm7 =	vcmask $0x3734;
	vm9 =	vcmask $0x3B38  }
0x7: {  	v3 =	vimm.s32 $0x42F0;
	v4 =	vimm.s32 $0x54F0;
	v5 =	vimm.s32 $0x66F0  }
0x8: {  	v0 =	vsel vm14, $0x0, v0;
	v1 =	vsel vm14, $0x1200, v1;
	v2 =	vsel vm14, $0x2400, v2  }
0x9: {  	v3 =	vsel vm14, $0x3600, v3;
	v4 =	vsel vm14, $0x4800, v4;
	v5 =	vsel vm14, $0x5A00, v5  }
0xa: {  	v0 =	vsel vm13, $0x90, v0;
	v1 =	vsel vm13, $0x1290, v1;
	v2 =	vsel vm13, $0x2490, v2  }
0xb: {  	v3 =	vsel vm13, $0x3690, v3;
	v4 =	vsel vm13, $0x4890, v4;
	v5 =	vsel vm13, $0x5A90, v5  }
0xc: {  	v0 =	vsel vm12, $0x120, v0;
	v1 =	vsel vm12, $0x1320, v1;
	v2 =	vsel vm12, $0x2520, v2  }
0xd: {  	v3 =	vsel vm12, $0x3720, v3;
	v4 =	vsel vm12, $0x4920, v4;
	v5 =	vsel vm12, $0x5B20, v5  }
0xe: {  	v0 =	vsel vm11, $0x1B0, v0;
	v1 =	vsel vm11, $0x13B0, v1;
	v2 =	vsel vm11, $0x25B0, v2  }
0xf: {  	v3 =	vsel vm11, $0x37B0, v3;
	v4 =	vsel vm11, $0x49B0, v4;
	v5 =	vsel vm11, $0x5BB0, v5  }
0x10: {  	v0 =	vsel vm10, $0x240, v0;
	v1 =	vsel vm10, $0x1440, v1;
	v2 =	vsel vm10, $0x2640, v2  }
0x11: {  	v3 =	vsel vm10, $0x3840, v3;
	v4 =	vsel vm10, $0x4A40, v4;
	v5 =	vsel vm10, $0x5C40, v5  }
0x12: {  	v0 =	vsel vm8, $0x2D0, v0;
	v1 =	vsel vm8, $0x14D0, v1;
	v2 =	vsel vm8, $0x26D0, v2  }
0x13: {  	s1 =	rddreg [dreg:$0x0];
	v3 =	vsel vm8, $0x38D0, v3;
	v4 =	vsel vm8, $0x4AD0, v4;
	v5 =	vsel vm8, $0x5CD0, v5  }
0x14: {  	s0 =	rddreg [dreg:$0x1];
	v0 =	vsel vm5, $0x360, v0;
	v1 =	vsel vm5, $0x1560, v1;
	v2 =	vsel vm5, $0x2760, v2  }
0x15: {  	s2 =	rddreg [dreg:$0x2];
	v3 =	vsel vm5, $0x3960, v3;
	v4 =	vsel vm5, $0x4B60, v4;
	v5 =	vsel vm5, $0x5D60, v5  }
0x16: {  	s3 =	simm.s32 $0x0;
	s11 =	stileid.u32;
	s4 =	srdreg.scid;
	v0 =	vsel vm0, $0x3F0, v0;
	v1 =	vsel vm0, $0x15F0, v1;
	v2 =	vsel vm0, $0x27F0, v2  }
0x17: {  	s18 =	simm.s32 $0x3;
	s19 =	simm.s32 $0x200;
	s20 =	simm.s32 $0x100;
	v3 =	vsel vm0, $0x39F0, v3;
	v4 =	vsel vm0, $0x4BF0, v4;
	v5 =	vsel vm0, $0x5DF0, v5  }
0x18: {  	s28 =	simm.s32 $0x300;
	[smem:$0x7FF] =	sst s3;
	s6 =	sshll.u32 s11, $0x1;
	v0 =	vsel vm1, $0x900, v0;
	v1 =	vsel vm1, $0x1B00, v1;
	v2 =	vsel vm1, $0x2D00, v2  }
0x19: {  	s5 =	sadd.s32 $0x68E00, s1;
	s4 =	sand.u32 $0x1, s4;
	s8 =	sand.u32 $0x6, s6;
	v3 =	vsel vm1, $0x3F00, v3;
	v4 =	vsel vm1, $0x5100, v4;
	v5 =	vsel vm1, $0x6300, v5  }
0x1a: {  	s7 =	sadd.s32 $0xE00, s1;
	s24 =	sshrl.u32 s11, $0x2;
	s10 =	sor.u32 s4, s8;
	v0 =	vsel vm2, $0x990, v0;
	v1 =	vsel vm2, $0x1B90, v1;
	v2 =	vsel vm2, $0x2D90, v2  }
0x1b: {  	_ =	strace $0x80000047;
	s23 =	ssub.s32 $0x2, s4;
	s9 =	smul.u32 $0x19, s10;
	v3 =	vsel vm2, $0x3F90, v3;
	v4 =	vsel vm2, $0x5190, v4;
	v5 =	vsel vm2, $0x6390, v5  }
0x1c: {  	s6 =	sadd.s32 $0x62A00, s1;
	s12 =	sshrl.u32 s23, $0x1;
	s25 =	smul.u32 $0x6400, s10;
	v0 =	vsel vm3, $0xA20, v0;
	v1 =	vsel vm3, $0x1C20, v1;
	v2 =	vsel vm3, $0x2E20, v2  }
0x1d: {  	s8 =	sadd.s32 $0xF43200, s1;
	s10 =	sshll.u32 s24, $0x8;
	s1 =	ssub.s32 s23, s12;
	v3 =	vsel vm3, $0x4020, v3;
	v4 =	vsel vm3, $0x5220, v4;
	v5 =	vsel vm3, $0x6420, v5  }
0x1e: {  	s1 =	smax.u32 s1, $0x1;
	s13 =	sadd.s32 $0x18, s9;
	s11 =	sor.u32 s10, s25;
	v0 =	vsel vm4, $0xAB0, v0;
	v1 =	vsel vm4, $0x1CB0, v1;
	v2 =	vsel vm4, $0x2EB0, v2  }
0x1f: {  	[dreg:$0x6] =	wrdreg s1;
	s25 =	simm.s32 $0x1;
	s26 =	smul.u32 $0x18000, s13;
	v3 =	vsel vm4, $0x40B0, v3;
	v4 =	vsel vm4, $0x52B0, v4;
	v5 =	vsel vm4, $0x64B0, v5  }
0x20: {  	s14 =	sshrl.u32 s11, $0x3;
	s11 =	sshll.u32 s24, $0xB;
	s29 =	sshll.u32 s13, $0xF;
	v0 =	vsel vm6, $0xB40, v0;
	v1 =	vsel vm6, $0x1D40, v1;
	v2 =	vsel vm6, $0x2F40, v2  }
0x21: {  	s13 =	simm.s32 $0x0;
	s30 =	sadd.s32 s5, s14;
	s4 =	sor.u32 s11, s29;
	v3 =	vsel vm6, $0x4140, v3;
	v4 =	vsel vm6, $0x5340, v4;
	v5 =	vsel vm6, $0x6540, v5  }
0x22: {  	s31 =	sadd.s32 s6, s14;
	s14 =	sadd.s32 $0x2, s9;
	[dreg:$0x4] =	wrdreg s30;
	v0 =	vsel vm7, $0xBD0, v0;
	v1 =	vsel vm7, $0x1DD0, v1;
	v2 =	vsel vm7, $0x2FD0, v2  }
0x23: {  	s12 =	sor.u32 s11, s26;
	[dreg:$0x5] =	wrdreg s31;
	s4 =	sshrl.u32 s4, $0x3;
	v3 =	vsel vm7, $0x41D0, v3;
	v4 =	vsel vm7, $0x53D0, v4;
	v5 =	vsel vm7, $0x65D0, v5  }
0x24: {  	s26 =	simm.s32 $0x2;
	s12 =	sshrl.u32 s12, $0x3;
	s15 =	sadd.s32 s0, s4;
	v0 =	vsel vm9, $0xC60, v0;
	v1 =	vsel vm9, $0x1E60, v1;
	v2 =	vsel vm9, $0x3060, v2  }
0x25: {  	s4 =	simm.s32 $0xEA00;
	s16 =	sadd.s32 s2, s12;
	s12 =	simm.s32 $0xC600;
	v3 =	vsel vm9, $0x4260, v3;
	v4 =	vsel vm9, $0x5460, v4;
	v5 =	vsel vm9, $0x6660, v5  }
.LBB2_1:
0x26: {  	[dreg:$0x7] =	wrdreg s13  }
0x27: {  	s1 =	rddreg [dreg:$0x4]  }
0x28: {  	[tilespmem:s3], [sflag:$0x3] =	stream.linear.gather [hbm4b:s1+s3], $0x100, $0x38;
	[tilespmem:$0x15600] =	vst v63  }
0x29: {  	_ =	swait.ge [sflag:s18], $0x100  }
0x2a: {  	[sflag:s18] =	ssyncset.done $0x0  }
0x2b: {  	s23 =	rddreg [dreg:$0x5];
	[sflag:s18] =	ssyncadd.s32 $0xFFFFFF00  }
0x2c: {  	[tilespmem:s19], [sflag:$0x3] =	stream.linear.gather [hbm4b:s23+s3], $0x100, $0x38;
	[tilespmem:$0x15600] =	vst v63  }
0x2d: {  	_ =	swait.ge [sflag:s18], $0x100  }
0x2e: {  	[sflag:s18] =	ssyncset.done $0x0  }
0x2f: {  	[sflag:s18] =	ssyncadd.s32 $0xFFFFFF00  }
0x30: {  	v6 =	vld [tilespmem:$0x200];
	_ =	sdelay $0x1  }
0x31: {  	v7 =	vld [tilespmem:$0x210];
	_ =	sdelay $0x1  }
0x32: {  	v8 =	vld [tilespmem:$0x220]  }
0x33: {  	v6 =	vshll.u32 v6, $0x1  }
0x34: {  	v9 =	vld [tilespmem:$0x230];
	[tilespmem:$0x200] =	vst v6;
	v6 =	vor.u32 $0x1, v6  }
0x35: {  	[tilespmem:$0x400] =	vst v6;
	v6 =	vshll.u32 v7, $0x1  }
0x36: {  	v7 =	vld [tilespmem:$0x240];
	[tilespmem:$0x210] =	vst v6;
	v6 =	vor.u32 $0x1, v6  }
0x37: {  	[tilespmem:$0x410] =	vst v6;
	v6 =	vshll.u32 v8, $0x1  }
0x38: {  	v56 =	vld [tilespmem:$0x250];
	[tilespmem:$0x220] =	vst v6;
	v6 =	vor.u32 $0x1, v6  }
0x39: {  	[tilespmem:$0x420] =	vst v6;
	v6 =	vshll.u32 v9, $0x1  }
0x3a: {  	v57 =	vld [tilespmem:$0x260];
	[tilespmem:$0x230] =	vst v6;
	v6 =	vor.u32 $0x1, v6  }
0x3b: {  	[tilespmem:$0x430] =	vst v6;
	v6 =	vshll.u32 v7, $0x1  }
0x3c: {  	v7 =	vld [tilespmem:$0x270];
	[tilespmem:$0x240] =	vst v6;
	v6 =	vor.u32 $0x1, v6  }
0x3d: {  	[tilespmem:$0x440] =	vst v6;
	v6 =	vshll.u32 v56, $0x1  }
0x3e: {  	v58 =	vld [tilespmem:$0x280];
	[tilespmem:$0x250] =	vst v6;
	v6 =	vor.u32 $0x1, v6  }
0x3f: {  	[tilespmem:$0x450] =	vst v6;
	v6 =	vshll.u32 v57, $0x1  }
0x40: {  	v59 =	vld [tilespmem:$0x290];
	[tilespmem:$0x260] =	vst v6;
	v6 =	vor.u32 $0x1, v6  }
0x41: {  	[tilespmem:$0x460] =	vst v6;
	v6 =	vshll.u32 v7, $0x1  }
0x42: {  	v7 =	vld [tilespmem:$0x2A0];
	[tilespmem:$0x270] =	vst v6;
	v6 =	vor.u32 $0x1, v6  }
0x43: {  	[tilespmem:$0x470] =	vst v6;
	v6 =	vshll.u32 v58, $0x1  }
0x44: {  	v60 =	vld [tilespmem:$0x2B0];
	[tilespmem:$0x280] =	vst v6;
	v6 =	vor.u32 $0x1, v6  }
0x45: {  	[tilespmem:$0x480] =	vst v6;
	v6 =	vshll.u32 v59, $0x1  }
0x46: {  	v61 =	vld [tilespmem:$0x2C0];
	[tilespmem:$0x290] =	vst v6;
	v6 =	vor.u32 $0x1, v6  }
0x47: {  	[tilespmem:$0x490] =	vst v6;
	v6 =	vshll.u32 v7, $0x1  }
0x48: {  	v7 =	vld [tilespmem:$0x2D0];
	[tilespmem:$0x2A0] =	vst v6;
	v6 =	vor.u32 $0x1, v6  }
0x49: {  	[tilespmem:$0x4A0] =	vst v6;
	v6 =	vshll.u32 v60, $0x1  }
0x4a: {  	v62 =	vld [tilespmem:$0x2E0];
	[tilespmem:$0x2B0] =	vst v6;
	v6 =	vor.u32 $0x1, v6  }
0x4b: {  	[tilespmem:$0x4B0] =	vst v6;
	v6 =	vshll.u32 v61, $0x1  }
0x4c: {  	v63 =	vld [tilespmem:$0x2F0];
	[tilespmem:$0x2C0] =	vst v6;
	v6 =	vor.u32 $0x1, v6  }
0x4d: {  	[tilespmem:$0x4C0] =	vst v6;
	v6 =	vshll.u32 v7, $0x1  }
0x4e: {  	[tilespmem:$0x2D0] =	vst v6;
	v6 =	vor.u32 $0x1, v6  }
0x4f: {  	[tilespmem:$0x4D0] =	vst v6;
	v6 =	vshll.u32 v62, $0x1  }
0x50: {  	[tilespmem:$0x2E0] =	vst v6;
	v6 =	vor.u32 $0x1, v6  }
0x51: {  	[tilespmem:$0x4E0] =	vst v6;
	v6 =	vshll.u32 v63, $0x1  }
0x52: {  	[tilespmem:$0x2F0] =	vst v6;
	v6 =	vor.u32 $0x1, v6  }
0x53: {  	s24 =	simm.s32 $0x600;
	[tilespmem:$0x4F0] =	vst v6  }
0x54: {  	[tilespmem:s24], [sflag:$0x1] =	stream.indirect.gather [hbm4b:s7+s20], $0x20, s3, s20, $0xb8;
	[tilespmem:$0x15600] =	vst v63  }
0x55: {  	s29 =	simm.s32 $0x4600  }
0x56: {  	[tilespmem:s29], [sflag:$0x2] =	stream.indirect.gather [hbm4b:s8+s20], $0x20, s19, s20, $0xb8;
	[tilespmem:$0x15600] =	vst v63  }
0x57: {  	s30 =	simm.s32 $0x400;
	s31 =	simm.s32 $0x8600;
	s17 =	simm.s32 $0x0  }
0x58: {  	[tilespmem:s31], [sflag:$0x2] =	stream.indirect.gather [hbm4b:s8+s20], $0x20, s30, s20, $0xb8;
	[tilespmem:$0x15600] =	vst v63  }
.LBB2_2:
0x59: {  	_ =	swait.ge [sflag:s25], $0x2000  }
0x5a: {  	[sflag:s25] =	ssyncset.done $0x0  }
0x5b: {  	s29 =	sshll.u32 s17, $0x1;
	[sflag:s25] =	ssyncadd.s32 $0xFFFFE000  }
0x5c: {  	s1 =	sadd.s32 s29, s9;
	_ =	swait.ge [sflag:s26], $0x2000  }
0x5d: {  	s13 =	sadd.s32 $0x1, s1;
	[sflag:s26] =	ssyncset.done $0x0  }
0x5e: {  	s1 =	sshll.u32 s13, $0xA;
	[sflag:s26] =	ssyncadd.s32 $0xFFFFE000  }
0x5f: {  	s1 =	sor.u32 s10, s1;
	_ =	swait.ge [sflag:s26], $0x2000  }
0x60: {  	s21 =	sshrl.u32 s1, $0x3;
	[sflag:s26] =	ssyncset.done $0x0  }
0x61: {  	s1 =	simm.s32 $0x0;
	s22 =	sadd.s32 s5, s21;
	[sflag:s26] =	ssyncadd.s32 $0xFFFFE000  }
0x62: {  	[tilespmem:s20], [sflag:$0x3] =	stream.linear.gather [hbm4b:s22+s1], $0x100, $0x38;
	[tilespmem:$0x15600] =	vst v63  }
0x63: {  	_ =	swait.ge [sflag:s18], $0x100  }
0x64: {  	[sflag:s18] =	ssyncset.done $0x0  }
0x65: {  	s21 =	sadd.s32 s6, s21;
	[sflag:s18] =	ssyncadd.s32 $0xFFFFFF00  }
0x66: {  	[tilespmem:s28], [sflag:$0x3] =	stream.linear.gather [hbm4b:s21+s1], $0x100, $0x38;
	[tilespmem:$0x15600] =	vst v63  }
0x67: {  	_ =	swait.ge [sflag:s18], $0x100  }
0x68: {  	[sflag:s18] =	ssyncset.done $0x0  }
0x69: {  	[sflag:s18] =	ssyncadd.s32 $0xFFFFFF00  }
0x6a: {  	v6 =	vld [tilespmem:$0x300];
	_ =	sdelay $0x1  }
0x6b: {  	v7 =	vld [tilespmem:$0x310];
	_ =	sdelay $0x1  }
0x6c: {  	v8 =	vld [tilespmem:$0x320]  }
0x6d: {  	v6 =	vshll.u32 v6, $0x1  }
0x6e: {  	v9 =	vld [tilespmem:$0x330];
	[tilespmem:$0x300] =	vst v6;
	v6 =	vor.u32 $0x1, v6  }
0x6f: {  	[tilespmem:$0x500] =	vst v6;
	v6 =	vshll.u32 v7, $0x1  }
0x70: {  	v7 =	vld [tilespmem:$0x340];
	[tilespmem:$0x310] =	vst v6;
	v6 =	vor.u32 $0x1, v6  }
0x71: {  	[tilespmem:$0x510] =	vst v6;
	v6 =	vshll.u32 v8, $0x1  }
0x72: {  	v8 =	vld [tilespmem:$0x350];
	[tilespmem:$0x320] =	vst v6;
	v6 =	vor.u32 $0x1, v6  }
0x73: {  	[tilespmem:$0x520] =	vst v6;
	v6 =	vshll.u32 v9, $0x1  }
0x74: {  	v9 =	vld [tilespmem:$0x360];
	[tilespmem:$0x330] =	vst v6;
	v6 =	vor.u32 $0x1, v6  }
0x75: {  	[tilespmem:$0x530] =	vst v6;
	v6 =	vshll.u32 v7, $0x1  }
0x76: {  	v7 =	vld [tilespmem:$0x370];
	[tilespmem:$0x340] =	vst v6;
	v6 =	vor.u32 $0x1, v6  }
0x77: {  	[tilespmem:$0x540] =	vst v6;
	v6 =	vshll.u32 v8, $0x1  }
0x78: {  	v8 =	vld [tilespmem:$0x380];
	[tilespmem:$0x350] =	vst v6;
	v6 =	vor.u32 $0x1, v6  }
0x79: {  	[tilespmem:$0x550] =	vst v6;
	v6 =	vshll.u32 v9, $0x1  }
0x7a: {  	v9 =	vld [tilespmem:$0x390];
	[tilespmem:$0x360] =	vst v6;
	v6 =	vor.u32 $0x1, v6  }
0x7b: {  	[tilespmem:$0x560] =	vst v6;
	v6 =	vshll.u32 v7, $0x1  }
0x7c: {  	v7 =	vld [tilespmem:$0x3A0];
	[tilespmem:$0x370] =	vst v6;
	v6 =	vor.u32 $0x1, v6  }
0x7d: {  	[tilespmem:$0x570] =	vst v6;
	v6 =	vshll.u32 v8, $0x1  }
0x7e: {  	v8 =	vld [tilespmem:$0x3B0];
	[tilespmem:$0x380] =	vst v6;
	v6 =	vor.u32 $0x1, v6  }
0x7f: {  	[tilespmem:$0x580] =	vst v6;
	v6 =	vshll.u32 v9, $0x1  }
0x80: {  	v9 =	vld [tilespmem:$0x3C0];
	[tilespmem:$0x390] =	vst v6;
	v6 =	vor.u32 $0x1, v6  }
0x81: {  	[tilespmem:$0x590] =	vst v6;
	v6 =	vshll.u32 v7, $0x1  }
0x82: {  	v7 =	vld [tilespmem:$0x3D0];
	[tilespmem:$0x3A0] =	vst v6;
	v6 =	vor.u32 $0x1, v6  }
0x83: {  	[tilespmem:$0x5A0] =	vst v6;
	v6 =	vshll.u32 v8, $0x1  }
0x84: {  	v8 =	vld [tilespmem:$0x3E0];
	[tilespmem:$0x3B0] =	vst v6;
	v6 =	vor.u32 $0x1, v6  }
0x85: {  	[tilespmem:$0x5B0] =	vst v6;
	v6 =	vshll.u32 v9, $0x1  }
0x86: {  	v9 =	vld [tilespmem:$0x3F0];
	[tilespmem:$0x3C0] =	vst v6;
	v6 =	vor.u32 $0x1, v6  }
0x87: {  	[tilespmem:$0x5C0] =	vst v6;
	v6 =	vshll.u32 v7, $0x1  }
0x88: {  	[tilespmem:$0x3D0] =	vst v6;
	v6 =	vor.u32 $0x1, v6  }
0x89: {  	[tilespmem:$0x5D0] =	vst v6;
	v6 =	vshll.u32 v8, $0x1  }
0x8a: {  	[tilespmem:$0x3E0] =	vst v6;
	v6 =	vor.u32 $0x1, v6  }
0x8b: {  	[tilespmem:$0x5E0] =	vst v6;
	v6 =	vshll.u32 v9, $0x1  }
0x8c: {  	[tilespmem:$0x3F0] =	vst v6;
	v6 =	vor.u32 $0x1, v6  }
0x8d: {  	s23 =	simm.s32 $0x2600;
	s24 =	simm.s32 $0x0;
	[tilespmem:$0x5F0] =	vst v6  }
0x8e: {  	v6 =	vmov s24;
	[tilespmem:s23], [sflag:$0x1] =	stream.indirect.gather [hbm4b:s7+s20], $0x20, s20, s20, $0xb8;
	[tilespmem:$0x15600] =	vst v63  }
0x8f: {  	s22 =	simm.s32 $0x6600;
	v6 =	vmul.u32 $0x480, v6  }
0x90: {  	[tilespmem:s22], [sflag:$0x2] =	stream.indirect.gather [hbm4b:s8+s20], $0x20, s28, s20, $0xb8;
	[tilespmem:$0x15600] =	vst v63  }
0x91: {  	s30 =	simm.s32 $0x610;
	v7 =	vmov s1;
	s24 =	simm.s32 $0xA600;
	s23 =	simm.s32 $0x500;
	v6 =	vbroadcast v6, $0x0  }
0x92: {  	v8 =	vand.u32 $0x78, v7;
	[tilespmem:s24], [sflag:$0x2] =	stream.indirect.gather [hbm4b:s8+s20], $0x20, s23, s20, $0xb8;
	[tilespmem:$0x15600] =	vst v63  }
0x93: {  	v7 =	vand.u32 $0x7, v7;
	v6 =	vor.u32 v6, v8;
	v9 =	vld [tilespmem:s30+$0xFFFFFFF0]  }
0x94: {  	v6 =	vor.u32 v7, v6  }
0x95: {  	v7 =	vadd.s32 v0, v6;
	_ =	sdelay $0x2  }
0x96: {  	v8 =	vmul.f32 $9.797959320e+00, v9  }
0x97: {  	v9 =	vmul.f32 $5.656854150e+00, v9  }
0x98: {  	[tilespmem:v7+s4+$0x0] =	vst.idx.msk $0xffff, v8  }
0x99: {  	[tilespmem:v7+s12+$0x0] =	vst.idx.msk $0xffff, v9  }
0x9a: {  	v7 =	vld [tilespmem:s30+$0x0];
	_ =	sdelay $0x1  }
0x9b: {  	v8 =	vadd.s32 v1, v6;
	_ =	sdelay $0x2  }
0x9c: {  	v9 =	vmul.f32 $9.797959320e+00, v7  }
0x9d: {  	v7 =	vmul.f32 $5.656854150e+00, v7  }
0x9e: {  	[tilespmem:v8+s4+$0x0] =	vst.idx.msk $0xffff, v9  }
0x9f: {  	s31 =	simm.s32 $0x4610;
	[tilespmem:v8+s12+$0x0] =	vst.idx.msk $0xffff, v7  }
0xa0: {  	v7 =	vld [tilespmem:s31+$0xFFFFFFF0];
	_ =	sdelay $0x1  }
0xa1: {  	v8 =	vadd.s32 v2, v6;
	_ =	sdelay $0x2  }
0xa2: {  	v7 =	vmul.f32 $9.797959320e+00, v7;
	_ =	sdelay $0x1  }
0xa3: {  	[tilespmem:v8+s4+$0x0] =	vst.idx.msk $0xffff, v7  }
0xa4: {  	v7 =	vld [tilespmem:s31+$0x0];
	_ =	sdelay $0x1  }
0xa5: {  	v8 =	vadd.s32 v3, v6;
	_ =	sdelay $0x2  }
0xa6: {  	v7 =	vmul.f32 $9.797959320e+00, v7;
	_ =	sdelay $0x1  }
0xa7: {  	s22 =	simm.s32 $0x8610;
	[tilespmem:v8+s4+$0x0] =	vst.idx.msk $0xffff, v7  }
0xa8: {  	v7 =	vld [tilespmem:s22+$0xFFFFFFF0];
	_ =	sdelay $0x1  }
0xa9: {  	v8 =	vadd.s32 v4, v6;
	_ =	sdelay $0x2  }
0xaa: {  	v7 =	vmul.f32 $9.797959320e+00, v7;
	_ =	sdelay $0x1  }
0xab: {  	[tilespmem:v8+s4+$0x0] =	vst.idx.msk $0xffff, v7  }
0xac: {  	s23 =	simm.s32 $0x0;
	v8 =	vld [tilespmem:s22+$0x0]  }
0xad: {  	v7 =	vmov s23  }
0xae: {  	v10 =	vmul.u32 $0x480, v7;
	v7 =	vadd.s32 v5, v6;
	_ =	sdelay $0x1  }
0xaf: {  	s24 =	simm.s32 $0x1  }
0xb0: {  	s1 =	simm.s32 $0x8630;
	s23 =	simm.s32 $0x2;
	v6 =	vmov s24;
	v9 =	vmul.f32 $9.797959320e+00, v8;
	v8 =	vbroadcast v10, $0x0  }
.LBB2_3:
0xb1: {  	s30 =	sadd.s32 $0x20, s30  }
0xb2: {  	v10 =	vand.u32 $0x78, v6;
	[tilespmem:v7+s4+$0x0] =	vst.idx.msk $0xffff, v9;
	s31 =	sadd.s32 $0x20, s31;
	s22 =	smov.u32 s23;
	s21 =	sadd.s32 $0x1, s23  }
0xb3: {  	p0 =	sne.s32 s23, $0xFF;
	v6 =	vand.u32 $0x7, v6;
	v7 =	vld [tilespmem:s30+$0xFFFFFFF0];
	v8 =	vor.u32 v8, v10  }
0xb4: {  	v6 =	vor.u32 v6, v8  }
0xb5: {  	v8 =	vadd.s32 v0, v6;
	_ =	sdelay $0x2  }
0xb6: {  	v9 =	vmul.f32 $9.797959320e+00, v7  }
0xb7: {  	v7 =	vmul.f32 $5.656854150e+00, v7  }
0xb8: {  	[tilespmem:v8+s4+$0x0] =	vst.idx.msk $0xffff, v9  }
0xb9: {  	[tilespmem:v8+s12+$0x0] =	vst.idx.msk $0xffff, v7  }
0xba: {  	v7 =	vld [tilespmem:s30+$0x0];
	_ =	sdelay $0x1  }
0xbb: {  	v8 =	vadd.s32 v1, v6;
	_ =	sdelay $0x2  }
0xbc: {  	v9 =	vmul.f32 $9.797959320e+00, v7  }
0xbd: {  	v7 =	vmul.f32 $5.656854150e+00, v7  }
0xbe: {  	[tilespmem:v8+s4+$0x0] =	vst.idx.msk $0xffff, v9  }
0xbf: {  	[tilespmem:v8+s12+$0x0] =	vst.idx.msk $0xffff, v7  }
0xc0: {  	v7 =	vld [tilespmem:s31+$0xFFFFFFF0];
	_ =	sdelay $0x1  }
0xc1: {  	v8 =	vadd.s32 v2, v6;
	_ =	sdelay $0x2  }
0xc2: {  	v7 =	vmul.f32 $9.797959320e+00, v7;
	_ =	sdelay $0x1  }
0xc3: {  	[tilespmem:v8+s4+$0x0] =	vst.idx.msk $0xffff, v7  }
0xc4: {  	v7 =	vld [tilespmem:s31+$0x0];
	_ =	sdelay $0x1  }
0xc5: {  	v8 =	vadd.s32 v3, v6;
	_ =	sdelay $0x2  }
0xc6: {  	v7 =	vmul.f32 $9.797959320e+00, v7;
	_ =	sdelay $0x1  }
0xc7: {  	[tilespmem:v8+s4+$0x0] =	vst.idx.msk $0xffff, v7  }
0xc8: {  	v7 =	vld [tilespmem:s1+$0xFFFFFFF0];
	_ =	sdelay $0x1  }
0xc9: {  	v8 =	vadd.s32 v4, v6;
	_ =	sdelay $0x2  }
0xca: {  	v7 =	vmul.f32 $9.797959320e+00, v7;
	_ =	sdelay $0x1  }
0xcb: {  	[tilespmem:v8+s4+$0x0] =	vst.idx.msk $0xffff, v7  }
0xcc: {  	v8 =	vld [tilespmem:s1+$0x0];
	_ =	sdelay $0x1  }
.Ltmp0:
0xcd: {  	s23 =	sshrl.u32 s22, $0x7;
	v7 =	vadd.s32 v5, v6;
	(pc) =	sbr.rel @p0 .LBB2_3-.Ltmp0, $4  }
0xce: {  	v6 =	vmov s23  }
0xcf: {  	v10 =	vmul.u32 $0x480, v6  }
0xd0: {  	v9 =	vmul.f32 $9.797959320e+00, v8  }
0xd1: {  	s23 =	smov.u32 s21;
	v6 =	vmov s22;
	s1 =	sadd.s32 $0x20, s1;
	v8 =	vbroadcast v10, $0x0  }
0xd2: {  	_ =	sdelay $0x3  }
0xd3: {  	v10 =	vand.u32 $0x78, v6;
	[tilespmem:v7+s4+$0x0] =	vst.idx.msk $0xffff, v9;
	s21 =	sadd.s32 $0x20, s30  }
0xd4: {  	v6 =	vand.u32 $0x7, v6;
	v7 =	vld [tilespmem:s21+$0xFFFFFFF0];
	v8 =	vor.u32 v8, v10  }
0xd5: {  	v6 =	vor.u32 v6, v8  }
0xd6: {  	v8 =	vadd.s32 v0, v6;
	_ =	sdelay $0x2  }
0xd7: {  	v58 =	vmul.f32 $9.797959320e+00, v7  }
0xd8: {  	v7 =	vmul.f32 $5.656854150e+00, v7  }
0xd9: {  	[tilespmem:v8+s4+$0x0] =	vst.idx.msk $0xffff, v58  }
0xda: {  	[tilespmem:v8+s12+$0x0] =	vst.idx.msk $0xffff, v7  }
0xdb: {  	v7 =	vld [tilespmem:s21+$0x0];
	_ =	sdelay $0x1  }
0xdc: {  	v59 =	vadd.s32 v1, v6;
	_ =	sdelay $0x2  }
0xdd: {  	v60 =	vmul.f32 $9.797959320e+00, v7  }
0xde: {  	v7 =	vmul.f32 $5.656854150e+00, v7  }
0xdf: {  	[tilespmem:v59+s4+$0x0] =	vst.idx.msk $0xffff, v60  }
0xe0: {  	s24 =	sadd.s32 $0x20, s31;
	[tilespmem:v59+s12+$0x0] =	vst.idx.msk $0xffff, v7  }
0xe1: {  	v7 =	vld [tilespmem:s24+$0xFFFFFFF0];
	_ =	sdelay $0x1  }
0xe2: {  	v61 =	vadd.s32 v2, v6;
	_ =	sdelay $0x2  }
0xe3: {  	v7 =	vmul.f32 $9.797959320e+00, v7;
	_ =	sdelay $0x1  }
0xe4: {  	[tilespmem:v61+s4+$0x0] =	vst.idx.msk $0xffff, v7  }
0xe5: {  	v7 =	vld [tilespmem:s24+$0x0];
	_ =	sdelay $0x1  }
0xe6: {  	v62 =	vadd.s32 v3, v6;
	_ =	sdelay $0x2  }
0xe7: {  	v7 =	vmul.f32 $9.797959320e+00, v7;
	_ =	sdelay $0x1  }
0xe8: {  	[tilespmem:v62+s4+$0x0] =	vst.idx.msk $0xffff, v7  }
0xe9: {  	v7 =	vld [tilespmem:s1+$0xFFFFFFF0];
	_ =	sdelay $0x1  }
0xea: {  	v63 =	vadd.s32 v4, v6;
	_ =	sdelay $0x2  }
0xeb: {  	v7 =	vmul.f32 $9.797959320e+00, v7;
	_ =	sdelay $0x1  }
0xec: {  	[tilespmem:v63+s4+$0x0] =	vst.idx.msk $0xffff, v7  }
0xed: {  	v7 =	vld [tilespmem:s1+$0x0];
	_ =	sdelay $0x1  }
0xee: {  	v6 =	vadd.s32 v5, v6  }
0xef: {  	s30 =	sadd.s32 s9, s29  }
0xf0: {  	s22 =	sshll.u32 s30, $0xF  }
0xf1: {  	s1 =	sor.u32 s11, s22;
	v7 =	vmul.f32 $9.797959320e+00, v7  }
0xf2: {  	s1 =	sshrl.u32 s1, $0x3  }
0xf3: {  	s23 =	simm.s32 $0xC600;
	s1 =	sadd.s32 s0, s1;
	[tilespmem:v6+s4+$0x0] =	vst.idx.msk $0xffff, v7  }
0xf4: {  	[hbm4b:s1+s3] =	stream.linear.scatter [tilespmem:s23], [sflag:$0x3], $0x80, $0x38;
	[tilespmem:$0x15600] =	vst v63  }
0xf5: {  	s24 =	simm.s32 $0xC690;
	s22 =	sadd.s32 $0x10, s1  }
0xf6: {  	[hbm4b:s22+s3] =	stream.linear.scatter [tilespmem:s24], [sflag:$0x3], $0x80, $0x38;
	[tilespmem:$0x15600] =	vst v63  }
0xf7: {  	s23 =	simm.s32 $0xC720;
	s24 =	sadd.s32 $0x20, s1  }
0xf8: {  	[hbm4b:s24+s3] =	stream.linear.scatter [tilespmem:s23], [sflag:$0x3], $0x80, $0x38;
	[tilespmem:$0x15600] =	vst v63  }
0xf9: {  	s23 =	simm.s32 $0xC7B0;
	s24 =	sadd.s32 $0x30, s1  }
0xfa: {  	[hbm4b:s24+s3] =	stream.linear.scatter [tilespmem:s23], [sflag:$0x3], $0x80, $0x38;
	[tilespmem:$0x15600] =	vst v63  }
0xfb: {  	s23 =	simm.s32 $0xC840;
	s24 =	sadd.s32 $0x40, s1  }
0xfc: {  	[hbm4b:s24+s3] =	stream.linear.scatter [tilespmem:s23], [sflag:$0x3], $0x80, $0x38;
	[tilespmem:$0x15600] =	vst v63  }
0xfd: {  	s23 =	simm.s32 $0xC8D0;
	s24 =	sadd.s32 $0x50, s1  }
0xfe: {  	[hbm4b:s24+s3] =	stream.linear.scatter [tilespmem:s23], [sflag:$0x3], $0x80, $0x38;
	[tilespmem:$0x15600] =	vst v63  }
0xff: {  	s23 =	simm.s32 $0xC960;
	s24 =	sadd.s32 $0x60, s1  }
0x100: {  	[hbm4b:s24+s3] =	stream.linear.scatter [tilespmem:s23], [sflag:$0x3], $0x80, $0x38;
	[tilespmem:$0x15600] =	vst v63  }
0x101: {  	s23 =	simm.s32 $0xC9F0;
	s24 =	sadd.s32 $0x70, s1  }
0x102: {  	[hbm4b:s24+s3] =	stream.linear.scatter [tilespmem:s23], [sflag:$0x3], $0x80, $0x38;
	[tilespmem:$0x15600] =	vst v63  }
0x103: {  	s23 =	simm.s32 $0xCA80;
	s24 =	sadd.s32 $0x80, s1  }
0x104: {  	[hbm4b:s24+s3] =	stream.linear.scatter [tilespmem:s23], [sflag:$0x3], $0x80, $0x38;
	[tilespmem:$0x15600] =	vst v63  }
0x105: {  	s23 =	simm.s32 $0xCB10;
	s24 =	sadd.s32 $0x90, s1  }
0x106: {  	[hbm4b:s24+s3] =	stream.linear.scatter [tilespmem:s23], [sflag:$0x3], $0x80, $0x38;
	[tilespmem:$0x15600] =	vst v63  }
0x107: {  	s23 =	simm.s32 $0xCBA0;
	s24 =	sadd.s32 $0xA0, s1  }
0x108: {  	[hbm4b:s24+s3] =	stream.linear.scatter [tilespmem:s23], [sflag:$0x3], $0x80, $0x38;
	[tilespmem:$0x15600] =	vst v63  }
0x109: {  	s23 =	simm.s32 $0xCC30;
	s24 =	sadd.s32 $0xB0, s1  }
0x10a: {  	[hbm4b:s24+s3] =	stream.linear.scatter [tilespmem:s23], [sflag:$0x3], $0x80, $0x38;
	[tilespmem:$0x15600] =	vst v63  }
0x10b: {  	s23 =	simm.s32 $0xCCC0;
	s24 =	sadd.s32 $0xC0, s1  }
0x10c: {  	[hbm4b:s24+s3] =	stream.linear.scatter [tilespmem:s23], [sflag:$0x3], $0x80, $0x38;
	[tilespmem:$0x15600] =	vst v63  }
0x10d: {  	s31 =	simm.s32 $0x900;
	s23 =	simm.s32 $0xCD50;
	s24 =	sadd.s32 $0xD0, s1  }
0x10e: {  	[hbm4b:s24+s3] =	stream.linear.scatter [tilespmem:s23], [sflag:$0x3], $0x80, $0x38;
	[tilespmem:$0x15600] =	vst v63  }
0x10f: {  	s21 =	simm.s32 $0xCE70;
	s23 =	simm.s32 $0xCDE0;
	s24 =	sadd.s32 $0xE0, s1  }
0x110: {  	[hbm4b:s24+s3] =	stream.linear.scatter [tilespmem:s23], [sflag:$0x3], $0x80, $0x38;
	[tilespmem:$0x15600] =	vst v63  }
0x111: {  	s22 =	simm.s32 $0x4800;
	s24 =	sadd.s32 $0xF0, s1;
	s1 =	sadd.s32 $0x400, s1  }
.LBB2_5:
0x112: {  	[hbm4b:s24+s3] =	stream.linear.scatter [tilespmem:s21], [sflag:$0x3], $0x80, $0x38;
	[tilespmem:$0x15600] =	vst v63  }
0x113: {  	s21 =	smov.u32 s31;
	s23 =	smov.u32 s22  }
0x114: {  	s31 =	sshra.s32 s23, $0x2;
	s23 =	sadd.s32 $0x2400, s22;
	s24 =	sadd.s32 $0xC600, s21  }
0x115: {  	[hbm4b:s1+s3] =	stream.linear.scatter [tilespmem:s24], [sflag:$0x3], $0x80, $0x38;
	[tilespmem:$0x15600] =	vst v63  }
0x116: {  	p0 =	sne.s32 s22, $0x6C00;
	s22 =	sadd.s32 $0xC690, s21;
	s24 =	sadd.s32 $0x10, s1  }
0x117: {  	[hbm4b:s24+s3] =	stream.linear.scatter [tilespmem:s22], [sflag:$0x3], $0x80, $0x38;
	[tilespmem:$0x15600] =	vst v63  }
0x118: {  	s22 =	sadd.s32 $0xC720, s21;
	s24 =	sadd.s32 $0x20, s1  }
0x119: {  	[hbm4b:s24+s3] =	stream.linear.scatter [tilespmem:s22], [sflag:$0x3], $0x80, $0x38;
	[tilespmem:$0x15600] =	vst v63  }
0x11a: {  	s22 =	sadd.s32 $0xC7B0, s21;
	s24 =	sadd.s32 $0x30, s1  }
0x11b: {  	[hbm4b:s24+s3] =	stream.linear.scatter [tilespmem:s22], [sflag:$0x3], $0x80, $0x38;
	[tilespmem:$0x15600] =	vst v63  }
0x11c: {  	s22 =	sadd.s32 $0xC840, s21;
	s24 =	sadd.s32 $0x40, s1  }
0x11d: {  	[hbm4b:s24+s3] =	stream.linear.scatter [tilespmem:s22], [sflag:$0x3], $0x80, $0x38;
	[tilespmem:$0x15600] =	vst v63  }
0x11e: {  	s22 =	sadd.s32 $0xC8D0, s21;
	s24 =	sadd.s32 $0x50, s1  }
0x11f: {  	[hbm4b:s24+s3] =	stream.linear.scatter [tilespmem:s22], [sflag:$0x3], $0x80, $0x38;
	[tilespmem:$0x15600] =	vst v63  }
0x120: {  	s22 =	sadd.s32 $0xC960, s21;
	s24 =	sadd.s32 $0x60, s1  }
0x121: {  	[hbm4b:s24+s3] =	stream.linear.scatter [tilespmem:s22], [sflag:$0x3], $0x80, $0x38;
	[tilespmem:$0x15600] =	vst v63  }
0x122: {  	s22 =	sadd.s32 $0xC9F0, s21;
	s24 =	sadd.s32 $0x70, s1  }
0x123: {  	[hbm4b:s24+s3] =	stream.linear.scatter [tilespmem:s22], [sflag:$0x3], $0x80, $0x38;
	[tilespmem:$0x15600] =	vst v63  }
0x124: {  	s22 =	sadd.s32 $0xCA80, s21;
	s24 =	sadd.s32 $0x80, s1  }
0x125: {  	[hbm4b:s24+s3] =	stream.linear.scatter [tilespmem:s22], [sflag:$0x3], $0x80, $0x38;
	[tilespmem:$0x15600] =	vst v63  }
0x126: {  	s22 =	sadd.s32 $0xCB10, s21;
	s24 =	sadd.s32 $0x90, s1  }
0x127: {  	[hbm4b:s24+s3] =	stream.linear.scatter [tilespmem:s22], [sflag:$0x3], $0x80, $0x38;
	[tilespmem:$0x15600] =	vst v63  }
0x128: {  	s22 =	sadd.s32 $0xCBA0, s21;
	s24 =	sadd.s32 $0xA0, s1  }
0x129: {  	[hbm4b:s24+s3] =	stream.linear.scatter [tilespmem:s22], [sflag:$0x3], $0x80, $0x38;
	[tilespmem:$0x15600] =	vst v63  }
0x12a: {  	s22 =	sadd.s32 $0xCC30, s21;
	s24 =	sadd.s32 $0xB0, s1  }
0x12b: {  	[hbm4b:s24+s3] =	stream.linear.scatter [tilespmem:s22], [sflag:$0x3], $0x80, $0x38;
	[tilespmem:$0x15600] =	vst v63  }
0x12c: {  	s22 =	sadd.s32 $0xCCC0, s21;
	s24 =	sadd.s32 $0xC0, s1  }
0x12d: {  	[hbm4b:s24+s3] =	stream.linear.scatter [tilespmem:s22], [sflag:$0x3], $0x80, $0x38;
	[tilespmem:$0x15600] =	vst v63  }
.Ltmp1:
0x12e: {  	s22 =	sadd.s32 $0xCD50, s21;
	s24 =	sadd.s32 $0xD0, s1;
	(pc) =	sbr.rel @p0 .LBB2_5-.Ltmp1, $4  }
0x12f: {  	[hbm4b:s24+s3] =	stream.linear.scatter [tilespmem:s22], [sflag:$0x3], $0x80, $0x38;
	[tilespmem:$0x15600] =	vst v63  }
0x130: {  	s22 =	sadd.s32 $0xCDE0, s21;
	s24 =	sadd.s32 $0xE0, s1;
	s21 =	sadd.s32 $0xCE70, s21  }
0x131: {  	[hbm4b:s24+s3] =	stream.linear.scatter [tilespmem:s22], [sflag:$0x3], $0x80, $0x38;
	[tilespmem:$0x15600] =	vst v63  }
0x132: {  	s24 =	sadd.s32 $0xF0, s1;
	s1 =	sadd.s32 $0x400, s1;
	s22 =	smov.u32 s23  }
0x133: {  	[hbm4b:s24+s3] =	stream.linear.scatter [tilespmem:s21], [sflag:$0x3], $0x80, $0x38;
	[tilespmem:$0x15600] =	vst v63  }
0x134: {  	s23 =	sadd.s32 $0xC600, s31  }
0x135: {  	[hbm4b:s1+s3] =	stream.linear.scatter [tilespmem:s23], [sflag:$0x3], $0x80, $0x38;
	[tilespmem:$0x15600] =	vst v63  }
0x136: {  	s24 =	sadd.s32 $0xC690, s31;
	s22 =	sadd.s32 $0x10, s1  }
0x137: {  	[hbm4b:s22+s3] =	stream.linear.scatter [tilespmem:s24], [sflag:$0x3], $0x80, $0x38;
	[tilespmem:$0x15600] =	vst v63  }
0x138: {  	s23 =	sadd.s32 $0xC720, s31;
	s24 =	sadd.s32 $0x20, s1  }
0x139: {  	[hbm4b:s24+s3] =	stream.linear.scatter [tilespmem:s23], [sflag:$0x3], $0x80, $0x38;
	[tilespmem:$0x15600] =	vst v63  }
0x13a: {  	s23 =	sadd.s32 $0xC7B0, s31;
	s24 =	sadd.s32 $0x30, s1  }
0x13b: {  	[hbm4b:s24+s3] =	stream.linear.scatter [tilespmem:s23], [sflag:$0x3], $0x80, $0x38;
	[tilespmem:$0x15600] =	vst v63  }
0x13c: {  	s23 =	sadd.s32 $0xC840, s31;
	s24 =	sadd.s32 $0x40, s1  }
0x13d: {  	[hbm4b:s24+s3] =	stream.linear.scatter [tilespmem:s23], [sflag:$0x3], $0x80, $0x38;
	[tilespmem:$0x15600] =	vst v63  }
0x13e: {  	s23 =	sadd.s32 $0xC8D0, s31;
	s24 =	sadd.s32 $0x50, s1  }
0x13f: {  	[hbm4b:s24+s3] =	stream.linear.scatter [tilespmem:s23], [sflag:$0x3], $0x80, $0x38;
	[tilespmem:$0x15600] =	vst v63  }
0x140: {  	s23 =	sadd.s32 $0xC960, s31;
	s24 =	sadd.s32 $0x60, s1  }
0x141: {  	[hbm4b:s24+s3] =	stream.linear.scatter [tilespmem:s23], [sflag:$0x3], $0x80, $0x38;
	[tilespmem:$0x15600] =	vst v63  }
0x142: {  	s23 =	sadd.s32 $0xC9F0, s31;
	s24 =	sadd.s32 $0x70, s1  }
0x143: {  	[hbm4b:s24+s3] =	stream.linear.scatter [tilespmem:s23], [sflag:$0x3], $0x80, $0x38;
	[tilespmem:$0x15600] =	vst v63  }
0x144: {  	s23 =	sadd.s32 $0xCA80, s31;
	s24 =	sadd.s32 $0x80, s1  }
0x145: {  	[hbm4b:s24+s3] =	stream.linear.scatter [tilespmem:s23], [sflag:$0x3], $0x80, $0x38;
	[tilespmem:$0x15600] =	vst v63  }
0x146: {  	s23 =	sadd.s32 $0xCB10, s31;
	s24 =	sadd.s32 $0x90, s1  }
0x147: {  	[hbm4b:s24+s3] =	stream.linear.scatter [tilespmem:s23], [sflag:$0x3], $0x80, $0x38;
	[tilespmem:$0x15600] =	vst v63  }
0x148: {  	s23 =	sadd.s32 $0xCBA0, s31;
	s24 =	sadd.s32 $0xA0, s1  }
0x149: {  	[hbm4b:s24+s3] =	stream.linear.scatter [tilespmem:s23], [sflag:$0x3], $0x80, $0x38;
	[tilespmem:$0x15600] =	vst v63  }
0x14a: {  	s23 =	sadd.s32 $0xCC30, s31;
	s24 =	sadd.s32 $0xB0, s1  }
0x14b: {  	[hbm4b:s24+s3] =	stream.linear.scatter [tilespmem:s23], [sflag:$0x3], $0x80, $0x38;
	[tilespmem:$0x15600] =	vst v63  }
0x14c: {  	s23 =	sadd.s32 $0xCCC0, s31;
	s24 =	sadd.s32 $0xC0, s1  }
0x14d: {  	[hbm4b:s24+s3] =	stream.linear.scatter [tilespmem:s23], [sflag:$0x3], $0x80, $0x38;
	[tilespmem:$0x15600] =	vst v63  }
0x14e: {  	s23 =	sadd.s32 $0xCD50, s31;
	s24 =	sadd.s32 $0xD0, s1  }
0x14f: {  	[hbm4b:s24+s3] =	stream.linear.scatter [tilespmem:s23], [sflag:$0x3], $0x80, $0x38;
	[tilespmem:$0x15600] =	vst v63  }
0x150: {  	s23 =	sadd.s32 $0xCDE0, s31;
	s24 =	sadd.s32 $0xE0, s1  }
0x151: {  	[hbm4b:s24+s3] =	stream.linear.scatter [tilespmem:s23], [sflag:$0x3], $0x80, $0x38;
	[tilespmem:$0x15600] =	vst v63  }
0x152: {  	s22 =	sadd.s32 $0xF0, s1;
	s31 =	sadd.s32 $0xCE70, s31;
	s23 =	smul.u32 $0x18000, s30  }
0x153: {  	[hbm4b:s22+s3] =	stream.linear.scatter [tilespmem:s31], [sflag:$0x3], $0x80, $0x38;
	[tilespmem:$0x15600] =	vst v63  }
0x154: {  	s24 =	sor.u32 s11, s23;
	_ =	swait.ge [sflag:s18], $0x2000  }
0x155: {  	s1 =	sshrl.u32 s24, $0x3;
	[sflag:s18] =	ssyncset.done $0x0  }
0x156: {  	s31 =	simm.s32 $0xEA00;
	s22 =	sadd.s32 s2, s1;
	[sflag:s18] =	ssyncadd.s32 $0xFFFFE000  }
0x157: {  	[hbm4b:s22+s3] =	stream.linear.scatter [tilespmem:s31], [sflag:$0x3], $0x80, $0x38;
	[tilespmem:$0x15600] =	vst v63  }
0x158: {  	s21 =	simm.s32 $0xEA90;
	s23 =	sadd.s32 $0x10, s22  }
0x159: {  	[hbm4b:s23+s3] =	stream.linear.scatter [tilespmem:s21], [sflag:$0x3], $0x80, $0x38;
	[tilespmem:$0x15600] =	vst v63  }
0x15a: {  	s24 =	simm.s32 $0xEB20;
	s31 =	sadd.s32 $0x20, s22  }
0x15b: {  	[hbm4b:s31+s3] =	stream.linear.scatter [tilespmem:s24], [sflag:$0x3], $0x80, $0x38;
	[tilespmem:$0x15600] =	vst v63  }
0x15c: {  	s21 =	simm.s32 $0xEBB0;
	s23 =	sadd.s32 $0x30, s22  }
0x15d: {  	[hbm4b:s23+s3] =	stream.linear.scatter [tilespmem:s21], [sflag:$0x3], $0x80, $0x38;
	[tilespmem:$0x15600] =	vst v63  }
0x15e: {  	s24 =	simm.s32 $0xEC40;
	s31 =	sadd.s32 $0x40, s22  }
0x15f: {  	[hbm4b:s31+s3] =	stream.linear.scatter [tilespmem:s24], [sflag:$0x3], $0x80, $0x38;
	[tilespmem:$0x15600] =	vst v63  }
0x160: {  	s21 =	simm.s32 $0xECD0;
	s23 =	sadd.s32 $0x50, s22  }
0x161: {  	[hbm4b:s23+s3] =	stream.linear.scatter [tilespmem:s21], [sflag:$0x3], $0x80, $0x38;
	[tilespmem:$0x15600] =	vst v63  }
0x162: {  	s24 =	simm.s32 $0xED60;
	s31 =	sadd.s32 $0x60, s22  }
0x163: {  	[hbm4b:s31+s3] =	stream.linear.scatter [tilespmem:s24], [sflag:$0x3], $0x80, $0x38;
	[tilespmem:$0x15600] =	vst v63  }
0x164: {  	s21 =	simm.s32 $0xEDF0;
	s23 =	sadd.s32 $0x70, s22  }
0x165: {  	[hbm4b:s23+s3] =	stream.linear.scatter [tilespmem:s21], [sflag:$0x3], $0x80, $0x38;
	[tilespmem:$0x15600] =	vst v63  }
0x166: {  	s24 =	simm.s32 $0xEE80;
	s31 =	sadd.s32 $0x80, s22  }
0x167: {  	[hbm4b:s31+s3] =	stream.linear.scatter [tilespmem:s24], [sflag:$0x3], $0x80, $0x38;
	[tilespmem:$0x15600] =	vst v63  }
0x168: {  	s21 =	simm.s32 $0xEF10;
	s23 =	sadd.s32 $0x90, s22  }
0x169: {  	[hbm4b:s23+s3] =	stream.linear.scatter [tilespmem:s21], [sflag:$0x3], $0x80, $0x38;
	[tilespmem:$0x15600] =	vst v63  }
0x16a: {  	s24 =	simm.s32 $0xEFA0;
	s31 =	sadd.s32 $0xA0, s22  }
0x16b: {  	[hbm4b:s31+s3] =	stream.linear.scatter [tilespmem:s24], [sflag:$0x3], $0x80, $0x38;
	[tilespmem:$0x15600] =	vst v63  }
0x16c: {  	s21 =	simm.s32 $0xF030;
	s23 =	sadd.s32 $0xB0, s22  }
0x16d: {  	[hbm4b:s23+s3] =	stream.linear.scatter [tilespmem:s21], [sflag:$0x3], $0x80, $0x38;
	[tilespmem:$0x15600] =	vst v63  }
0x16e: {  	s24 =	simm.s32 $0xF0C0;
	s31 =	sadd.s32 $0xC0, s22  }
0x16f: {  	[hbm4b:s31+s3] =	stream.linear.scatter [tilespmem:s24], [sflag:$0x3], $0x80, $0x38;
	[tilespmem:$0x15600] =	vst v63  }
0x170: {  	s1 =	simm.s32 $0x900;
	s21 =	simm.s32 $0xF150;
	s23 =	sadd.s32 $0xD0, s22  }
0x171: {  	[hbm4b:s23+s3] =	stream.linear.scatter [tilespmem:s21], [sflag:$0x3], $0x80, $0x38;
	[tilespmem:$0x15600] =	vst v63  }
0x172: {  	s30 =	sadd.s32 $0x400, s22;
	s24 =	simm.s32 $0xF1E0;
	s31 =	sadd.s32 $0xE0, s22  }
0x173: {  	[hbm4b:s31+s3] =	stream.linear.scatter [tilespmem:s24], [sflag:$0x3], $0x80, $0x38;
	[tilespmem:$0x15600] =	vst v63  }
0x174: {  	s23 =	simm.s32 $0x4800;
	s21 =	simm.s32 $0xF270;
	s24 =	sadd.s32 $0xF0, s22  }
.LBB2_7:
0x175: {  	[hbm4b:s24+s3] =	stream.linear.scatter [tilespmem:s21], [sflag:$0x3], $0x80, $0x38;
	[tilespmem:$0x15600] =	vst v63  }
0x176: {  	s21 =	smov.u32 s1;
	s1 =	smov.u32 s23  }
0x177: {  	s22 =	sadd.s32 $0x2400, s23;
	s1 =	sshra.s32 s1, $0x2;
	s24 =	sadd.s32 $0xEA00, s21  }
0x178: {  	[hbm4b:s30+s3] =	stream.linear.scatter [tilespmem:s24], [sflag:$0x3], $0x80, $0x38;
	[tilespmem:$0x15600] =	vst v63  }
0x179: {  	p0 =	sne.s32 s23, $0x18C00;
	s23 =	sadd.s32 $0xEA90, s21;
	s24 =	sadd.s32 $0x10, s30  }
0x17a: {  	[hbm4b:s24+s3] =	stream.linear.scatter [tilespmem:s23], [sflag:$0x3], $0x80, $0x38;
	[tilespmem:$0x15600] =	vst v63  }
0x17b: {  	s23 =	sadd.s32 $0xEB20, s21;
	s24 =	sadd.s32 $0x20, s30  }
0x17c: {  	[hbm4b:s24+s3] =	stream.linear.scatter [tilespmem:s23], [sflag:$0x3], $0x80, $0x38;
	[tilespmem:$0x15600] =	vst v63  }
0x17d: {  	s23 =	sadd.s32 $0xEBB0, s21;
	s24 =	sadd.s32 $0x30, s30  }
0x17e: {  	[hbm4b:s24+s3] =	stream.linear.scatter [tilespmem:s23], [sflag:$0x3], $0x80, $0x38;
	[tilespmem:$0x15600] =	vst v63  }
0x17f: {  	s23 =	sadd.s32 $0xEC40, s21;
	s24 =	sadd.s32 $0x40, s30  }
0x180: {  	[hbm4b:s24+s3] =	stream.linear.scatter [tilespmem:s23], [sflag:$0x3], $0x80, $0x38;
	[tilespmem:$0x15600] =	vst v63  }
0x181: {  	s23 =	sadd.s32 $0xECD0, s21;
	s24 =	sadd.s32 $0x50, s30  }
0x182: {  	[hbm4b:s24+s3] =	stream.linear.scatter [tilespmem:s23], [sflag:$0x3], $0x80, $0x38;
	[tilespmem:$0x15600] =	vst v63  }
0x183: {  	s23 =	sadd.s32 $0xED60, s21;
	s24 =	sadd.s32 $0x60, s30  }
0x184: {  	[hbm4b:s24+s3] =	stream.linear.scatter [tilespmem:s23], [sflag:$0x3], $0x80, $0x38;
	[tilespmem:$0x15600] =	vst v63  }
0x185: {  	s23 =	sadd.s32 $0xEDF0, s21;
	s24 =	sadd.s32 $0x70, s30  }
0x186: {  	[hbm4b:s24+s3] =	stream.linear.scatter [tilespmem:s23], [sflag:$0x3], $0x80, $0x38;
	[tilespmem:$0x15600] =	vst v63  }
0x187: {  	s23 =	sadd.s32 $0xEE80, s21;
	s24 =	sadd.s32 $0x80, s30  }
0x188: {  	[hbm4b:s24+s3] =	stream.linear.scatter [tilespmem:s23], [sflag:$0x3], $0x80, $0x38;
	[tilespmem:$0x15600] =	vst v63  }
0x189: {  	s23 =	sadd.s32 $0xEF10, s21;
	s24 =	sadd.s32 $0x90, s30  }
0x18a: {  	[hbm4b:s24+s3] =	stream.linear.scatter [tilespmem:s23], [sflag:$0x3], $0x80, $0x38;
	[tilespmem:$0x15600] =	vst v63  }
0x18b: {  	s23 =	sadd.s32 $0xEFA0, s21;
	s24 =	sadd.s32 $0xA0, s30  }
0x18c: {  	[hbm4b:s24+s3] =	stream.linear.scatter [tilespmem:s23], [sflag:$0x3], $0x80, $0x38;
	[tilespmem:$0x15600] =	vst v63  }
0x18d: {  	s23 =	sadd.s32 $0xF030, s21;
	s24 =	sadd.s32 $0xB0, s30  }
0x18e: {  	[hbm4b:s24+s3] =	stream.linear.scatter [tilespmem:s23], [sflag:$0x3], $0x80, $0x38;
	[tilespmem:$0x15600] =	vst v63  }
0x18f: {  	s23 =	sadd.s32 $0xF0C0, s21;
	s24 =	sadd.s32 $0xC0, s30  }
0x190: {  	[hbm4b:s24+s3] =	stream.linear.scatter [tilespmem:s23], [sflag:$0x3], $0x80, $0x38;
	[tilespmem:$0x15600] =	vst v63  }
.Ltmp2:
0x191: {  	s23 =	sadd.s32 $0xF150, s21;
	s24 =	sadd.s32 $0xD0, s30;
	(pc) =	sbr.rel @p0 .LBB2_7-.Ltmp2, $4  }
0x192: {  	[hbm4b:s24+s3] =	stream.linear.scatter [tilespmem:s23], [sflag:$0x3], $0x80, $0x38;
	[tilespmem:$0x15600] =	vst v63  }
0x193: {  	s23 =	sadd.s32 $0xF1E0, s21;
	s24 =	sadd.s32 $0xE0, s30;
	s21 =	sadd.s32 $0xF270, s21  }
0x194: {  	[hbm4b:s24+s3] =	stream.linear.scatter [tilespmem:s23], [sflag:$0x3], $0x80, $0x38;
	[tilespmem:$0x15600] =	vst v63  }
0x195: {  	s24 =	sadd.s32 $0xF0, s30;
	s30 =	sadd.s32 $0x400, s30;
	s23 =	smov.u32 s22  }
0x196: {  	[hbm4b:s24+s3] =	stream.linear.scatter [tilespmem:s21], [sflag:$0x3], $0x80, $0x38;
	[tilespmem:$0x15600] =	vst v63  }
0x197: {  	s24 =	sadd.s32 $0xEA00, s1  }
0x198: {  	[hbm4b:s30+s3] =	stream.linear.scatter [tilespmem:s24], [sflag:$0x3], $0x80, $0x38;
	[tilespmem:$0x15600] =	vst v63  }
0x199: {  	s31 =	sadd.s32 $0xEA90, s1;
	s22 =	sadd.s32 $0x10, s30  }
0x19a: {  	[hbm4b:s22+s3] =	stream.linear.scatter [tilespmem:s31], [sflag:$0x3], $0x80, $0x38;
	[tilespmem:$0x15600] =	vst v63  }
0x19b: {  	s23 =	sadd.s32 $0x20, s30;
	s22 =	sadd.s32 $0xEB20, s1  }
0x19c: {  	[hbm4b:s23+s3] =	stream.linear.scatter [tilespmem:s22], [sflag:$0x3], $0x80, $0x38;
	[tilespmem:$0x15600] =	vst v63  }
0x19d: {  	s24 =	sadd.s32 $0xEBB0, s1;
	s31 =	sadd.s32 $0x30, s30  }
0x19e: {  	[hbm4b:s31+s3] =	stream.linear.scatter [tilespmem:s24], [sflag:$0x3], $0x80, $0x38;
	[tilespmem:$0x15600] =	vst v63  }
0x19f: {  	s22 =	sadd.s32 $0xEC40, s1;
	s23 =	sadd.s32 $0x40, s30  }
0x1a0: {  	[hbm4b:s23+s3] =	stream.linear.scatter [tilespmem:s22], [sflag:$0x3], $0x80, $0x38;
	[tilespmem:$0x15600] =	vst v63  }
0x1a1: {  	s24 =	sadd.s32 $0xECD0, s1;
	s31 =	sadd.s32 $0x50, s30  }
0x1a2: {  	[hbm4b:s31+s3] =	stream.linear.scatter [tilespmem:s24], [sflag:$0x3], $0x80, $0x38;
	[tilespmem:$0x15600] =	vst v63  }
0x1a3: {  	s22 =	sadd.s32 $0xED60, s1;
	s23 =	sadd.s32 $0x60, s30  }
0x1a4: {  	[hbm4b:s23+s3] =	stream.linear.scatter [tilespmem:s22], [sflag:$0x3], $0x80, $0x38;
	[tilespmem:$0x15600] =	vst v63  }
0x1a5: {  	s24 =	sadd.s32 $0xEDF0, s1;
	s31 =	sadd.s32 $0x70, s30  }
0x1a6: {  	[hbm4b:s31+s3] =	stream.linear.scatter [tilespmem:s24], [sflag:$0x3], $0x80, $0x38;
	[tilespmem:$0x15600] =	vst v63  }
0x1a7: {  	s22 =	sadd.s32 $0xEE80, s1;
	s23 =	sadd.s32 $0x80, s30  }
0x1a8: {  	[hbm4b:s23+s3] =	stream.linear.scatter [tilespmem:s22], [sflag:$0x3], $0x80, $0x38;
	[tilespmem:$0x15600] =	vst v63  }
0x1a9: {  	s24 =	sadd.s32 $0xEF10, s1;
	s31 =	sadd.s32 $0x90, s30  }
0x1aa: {  	[hbm4b:s31+s3] =	stream.linear.scatter [tilespmem:s24], [sflag:$0x3], $0x80, $0x38;
	[tilespmem:$0x15600] =	vst v63  }
0x1ab: {  	s22 =	sadd.s32 $0xEFA0, s1;
	s23 =	sadd.s32 $0xA0, s30  }
0x1ac: {  	[hbm4b:s23+s3] =	stream.linear.scatter [tilespmem:s22], [sflag:$0x3], $0x80, $0x38;
	[tilespmem:$0x15600] =	vst v63  }
0x1ad: {  	s24 =	sadd.s32 $0xF030, s1;
	s31 =	sadd.s32 $0xB0, s30  }
0x1ae: {  	[hbm4b:s31+s3] =	stream.linear.scatter [tilespmem:s24], [sflag:$0x3], $0x80, $0x38;
	[tilespmem:$0x15600] =	vst v63  }
0x1af: {  	s22 =	sadd.s32 $0xF0C0, s1;
	s23 =	sadd.s32 $0xC0, s30  }
0x1b0: {  	[hbm4b:s23+s3] =	stream.linear.scatter [tilespmem:s22], [sflag:$0x3], $0x80, $0x38;
	[tilespmem:$0x15600] =	vst v63  }
0x1b1: {  	s24 =	sadd.s32 $0xF150, s1;
	s31 =	sadd.s32 $0xD0, s30  }
0x1b2: {  	[hbm4b:s31+s3] =	stream.linear.scatter [tilespmem:s24], [sflag:$0x3], $0x80, $0x38;
	[tilespmem:$0x15600] =	vst v63  }
0x1b3: {  	s22 =	sadd.s32 $0xF1E0, s1;
	s23 =	sadd.s32 $0xE0, s30  }
0x1b4: {  	[hbm4b:s23+s3] =	stream.linear.scatter [tilespmem:s22], [sflag:$0x3], $0x80, $0x38;
	[tilespmem:$0x15600] =	vst v63  }
0x1b5: {  	s24 =	sadd.s32 $0xF270, s1;
	s31 =	sadd.s32 $0xF0, s30  }
0x1b6: {  	[hbm4b:s31+s3] =	stream.linear.scatter [tilespmem:s24], [sflag:$0x3], $0x80, $0x38;
	[tilespmem:$0x15600] =	vst v63  }
0x1b7: {  	_ =	swait.ge [sflag:s18], $0x6000  }
0x1b8: {  	[sflag:s18] =	ssyncset.done $0x0  }
0x1b9: {  	[sflag:s18] =	ssyncadd.s32 $0xFFFFA000  }
0x1ba: {  	_ =	swait.ge [sflag:s25], $0x2000  }
0x1bb: {  	[sflag:s25] =	ssyncset.done $0x0  }
0x1bc: {  	[sflag:s25] =	ssyncadd.s32 $0xFFFFE000  }
0x1bd: {  	_ =	swait.ge [sflag:s26], $0x2000  }
0x1be: {  	s22 =	sadd.s32 s29, s14;
	[sflag:s26] =	ssyncset.done $0x0  }
0x1bf: {  	s1 =	sshll.u32 s22, $0xA;
	[sflag:s26] =	ssyncadd.s32 $0xFFFFE000  }
0x1c0: {  	s1 =	sor.u32 s10, s1;
	_ =	swait.ge [sflag:s26], $0x2000  }
0x1c1: {  	s23 =	sshrl.u32 s1, $0x3;
	[sflag:s26] =	ssyncset.done $0x0  }
0x1c2: {  	s1 =	simm.s32 $0x0;
	s24 =	sadd.s32 s5, s23;
	[sflag:s26] =	ssyncadd.s32 $0xFFFFE000  }
0x1c3: {  	[tilespmem:s1], [sflag:$0x3] =	stream.linear.gather [hbm4b:s24+s1], $0x100, $0x38;
	[tilespmem:$0x15600] =	vst v63  }
0x1c4: {  	_ =	swait.ge [sflag:s18], $0x100  }
0x1c5: {  	[sflag:s18] =	ssyncset.done $0x0  }
0x1c6: {  	s21 =	sadd.s32 s6, s23;
	[sflag:s18] =	ssyncadd.s32 $0xFFFFFF00  }
0x1c7: {  	[tilespmem:s19], [sflag:$0x3] =	stream.linear.gather [hbm4b:s21+s1], $0x100, $0x38;
	[tilespmem:$0x15600] =	vst v63  }
0x1c8: {  	_ =	swait.ge [sflag:s18], $0x100  }
0x1c9: {  	[sflag:s18] =	ssyncset.done $0x0  }
0x1ca: {  	[sflag:s18] =	ssyncadd.s32 $0xFFFFFF00  }
0x1cb: {  	v6 =	vld [tilespmem:$0x200];
	_ =	sdelay $0x1  }
0x1cc: {  	v7 =	vld [tilespmem:$0x210];
	_ =	sdelay $0x1  }
0x1cd: {  	v8 =	vld [tilespmem:$0x220]  }
0x1ce: {  	v6 =	vshll.u32 v6, $0x1  }
0x1cf: {  	v9 =	vld [tilespmem:$0x230];
	[tilespmem:$0x200] =	vst v6;
	v6 =	vor.u32 $0x1, v6  }
0x1d0: {  	[tilespmem:$0x400] =	vst v6;
	v6 =	vshll.u32 v7, $0x1  }
0x1d1: {  	v7 =	vld [tilespmem:$0x240];
	[tilespmem:$0x210] =	vst v6;
	v6 =	vor.u32 $0x1, v6  }
0x1d2: {  	[tilespmem:$0x410] =	vst v6;
	v6 =	vshll.u32 v8, $0x1  }
0x1d3: {  	v8 =	vld [tilespmem:$0x250];
	[tilespmem:$0x220] =	vst v6;
	v6 =	vor.u32 $0x1, v6  }
0x1d4: {  	[tilespmem:$0x420] =	vst v6;
	v6 =	vshll.u32 v9, $0x1  }
0x1d5: {  	v9 =	vld [tilespmem:$0x260];
	[tilespmem:$0x230] =	vst v6;
	v6 =	vor.u32 $0x1, v6  }
0x1d6: {  	[tilespmem:$0x430] =	vst v6;
	v6 =	vshll.u32 v7, $0x1  }
0x1d7: {  	v7 =	vld [tilespmem:$0x270];
	[tilespmem:$0x240] =	vst v6;
	v6 =	vor.u32 $0x1, v6  }
0x1d8: {  	[tilespmem:$0x440] =	vst v6;
	v6 =	vshll.u32 v8, $0x1  }
0x1d9: {  	v8 =	vld [tilespmem:$0x280];
	[tilespmem:$0x250] =	vst v6;
	v6 =	vor.u32 $0x1, v6  }
0x1da: {  	[tilespmem:$0x450] =	vst v6;
	v6 =	vshll.u32 v9, $0x1  }
0x1db: {  	v9 =	vld [tilespmem:$0x290];
	[tilespmem:$0x260] =	vst v6;
	v6 =	vor.u32 $0x1, v6  }
0x1dc: {  	[tilespmem:$0x460] =	vst v6;
	v6 =	vshll.u32 v7, $0x1  }
0x1dd: {  	v7 =	vld [tilespmem:$0x2A0];
	[tilespmem:$0x270] =	vst v6;
	v6 =	vor.u32 $0x1, v6  }
0x1de: {  	[tilespmem:$0x470] =	vst v6;
	v6 =	vshll.u32 v8, $0x1  }
0x1df: {  	v8 =	vld [tilespmem:$0x2B0];
	[tilespmem:$0x280] =	vst v6;
	v6 =	vor.u32 $0x1, v6  }
0x1e0: {  	[tilespmem:$0x480] =	vst v6;
	v6 =	vshll.u32 v9, $0x1  }
0x1e1: {  	v9 =	vld [tilespmem:$0x2C0];
	[tilespmem:$0x290] =	vst v6;
	v6 =	vor.u32 $0x1, v6  }
0x1e2: {  	[tilespmem:$0x490] =	vst v6;
	v6 =	vshll.u32 v7, $0x1  }
0x1e3: {  	v7 =	vld [tilespmem:$0x2D0];
	[tilespmem:$0x2A0] =	vst v6;
	v6 =	vor.u32 $0x1, v6  }
0x1e4: {  	[tilespmem:$0x4A0] =	vst v6;
	v6 =	vshll.u32 v8, $0x1  }
0x1e5: {  	v8 =	vld [tilespmem:$0x2E0];
	[tilespmem:$0x2B0] =	vst v6;
	v6 =	vor.u32 $0x1, v6  }
0x1e6: {  	[tilespmem:$0x4B0] =	vst v6;
	v6 =	vshll.u32 v9, $0x1  }
0x1e7: {  	v9 =	vld [tilespmem:$0x2F0];
	[tilespmem:$0x2C0] =	vst v6;
	v6 =	vor.u32 $0x1, v6  }
0x1e8: {  	[tilespmem:$0x4C0] =	vst v6;
	v6 =	vshll.u32 v7, $0x1  }
0x1e9: {  	[tilespmem:$0x2D0] =	vst v6;
	v6 =	vor.u32 $0x1, v6  }
0x1ea: {  	[tilespmem:$0x4D0] =	vst v6;
	v6 =	vshll.u32 v8, $0x1  }
0x1eb: {  	[tilespmem:$0x2E0] =	vst v6;
	v6 =	vor.u32 $0x1, v6  }
0x1ec: {  	[tilespmem:$0x4E0] =	vst v6;
	v6 =	vshll.u32 v9, $0x1  }
0x1ed: {  	[tilespmem:$0x2F0] =	vst v6;
	v6 =	vor.u32 $0x1, v6  }
0x1ee: {  	s22 =	simm.s32 $0x0;
	s31 =	simm.s32 $0x600;
	[tilespmem:$0x4F0] =	vst v6  }
0x1ef: {  	v6 =	vmov s22;
	[tilespmem:s31], [sflag:$0x1] =	stream.indirect.gather [hbm4b:s7+s20], $0x20, s1, s20, $0xb8;
	[tilespmem:$0x15600] =	vst v63  }
0x1f0: {  	s23 =	simm.s32 $0x4600;
	v6 =	vmul.u32 $0x480, v6  }
0x1f1: {  	[tilespmem:s23], [sflag:$0x2] =	stream.indirect.gather [hbm4b:s8+s20], $0x20, s19, s20, $0xb8;
	[tilespmem:$0x15600] =	vst v63  }
0x1f2: {  	s29 =	simm.s32 $0x2610;
	s24 =	simm.s32 $0x400;
	v7 =	vmov s1;
	s31 =	simm.s32 $0x8600;
	v6 =	vbroadcast v6, $0x0  }
0x1f3: {  	v8 =	vand.u32 $0x78, v7;
	[tilespmem:s31], [sflag:$0x2] =	stream.indirect.gather [hbm4b:s8+s20], $0x20, s24, s20, $0xb8;
	[tilespmem:$0x15600] =	vst v63  }
0x1f4: {  	v7 =	vand.u32 $0x7, v7;
	v6 =	vor.u32 v6, v8;
	v9 =	vld [tilespmem:s29+$0xFFFFFFF0]  }
0x1f5: {  	v6 =	vor.u32 v7, v6  }
0x1f6: {  	v7 =	vadd.s32 v0, v6;
	_ =	sdelay $0x2  }
0x1f7: {  	v8 =	vmul.f32 $9.797959320e+00, v9  }
0x1f8: {  	v9 =	vmul.f32 $5.656854150e+00, v9  }
0x1f9: {  	[tilespmem:v7+s4+$0x0] =	vst.idx.msk $0xffff, v8  }
0x1fa: {  	[tilespmem:v7+s12+$0x0] =	vst.idx.msk $0xffff, v9  }
0x1fb: {  	v7 =	vld [tilespmem:s29+$0x0];
	_ =	sdelay $0x1  }
0x1fc: {  	v8 =	vadd.s32 v1, v6;
	_ =	sdelay $0x2  }
0x1fd: {  	v9 =	vmul.f32 $9.797959320e+00, v7  }
0x1fe: {  	v7 =	vmul.f32 $5.656854150e+00, v7  }
0x1ff: {  	[tilespmem:v8+s4+$0x0] =	vst.idx.msk $0xffff, v9  }
0x200: {  	s30 =	simm.s32 $0x6610;
	[tilespmem:v8+s12+$0x0] =	vst.idx.msk $0xffff, v7  }
0x201: {  	v7 =	vld [tilespmem:s30+$0xFFFFFFF0];
	_ =	sdelay $0x1  }
0x202: {  	v8 =	vadd.s32 v2, v6;
	_ =	sdelay $0x2  }
0x203: {  	v7 =	vmul.f32 $9.797959320e+00, v7;
	_ =	sdelay $0x1  }
0x204: {  	[tilespmem:v8+s4+$0x0] =	vst.idx.msk $0xffff, v7  }
0x205: {  	v7 =	vld [tilespmem:s30+$0x0];
	_ =	sdelay $0x1  }
0x206: {  	v8 =	vadd.s32 v3, v6;
	_ =	sdelay $0x2  }
0x207: {  	v7 =	vmul.f32 $9.797959320e+00, v7;
	_ =	sdelay $0x1  }
0x208: {  	s23 =	simm.s32 $0xA610;
	[tilespmem:v8+s4+$0x0] =	vst.idx.msk $0xffff, v7  }
0x209: {  	v7 =	vld [tilespmem:s23+$0xFFFFFFF0];
	_ =	sdelay $0x1  }
0x20a: {  	v8 =	vadd.s32 v4, v6;
	_ =	sdelay $0x2  }
0x20b: {  	v7 =	vmul.f32 $9.797959320e+00, v7;
	_ =	sdelay $0x1  }
0x20c: {  	[tilespmem:v8+s4+$0x0] =	vst.idx.msk $0xffff, v7  }
0x20d: {  	s24 =	simm.s32 $0x0;
	v8 =	vld [tilespmem:s23+$0x0]  }
0x20e: {  	v7 =	vmov s24  }
0x20f: {  	v10 =	vmul.u32 $0x480, v7;
	v7 =	vadd.s32 v5, v6;
	_ =	sdelay $0x1  }
0x210: {  	s31 =	simm.s32 $0x1  }
0x211: {  	s1 =	simm.s32 $0xA630;
	s23 =	simm.s32 $0x2;
	v6 =	vmov s31;
	v9 =	vmul.f32 $9.797959320e+00, v8;
	v8 =	vbroadcast v10, $0x0  }
.LBB2_9:
0x212: {  	s29 =	sadd.s32 $0x20, s29  }
0x213: {  	v10 =	vand.u32 $0x78, v6;
	[tilespmem:v7+s4+$0x0] =	vst.idx.msk $0xffff, v9;
	s30 =	sadd.s32 $0x20, s30;
	s22 =	smov.u32 s23;
	s21 =	sadd.s32 $0x1, s23  }
0x214: {  	p0 =	sne.s32 s23, $0xFF;
	v6 =	vand.u32 $0x7, v6;
	v7 =	vld [tilespmem:s29+$0xFFFFFFF0];
	v8 =	vor.u32 v8, v10  }
0x215: {  	v6 =	vor.u32 v6, v8  }
0x216: {  	v8 =	vadd.s32 v0, v6;
	_ =	sdelay $0x2  }
0x217: {  	v9 =	vmul.f32 $9.797959320e+00, v7  }
0x218: {  	v7 =	vmul.f32 $5.656854150e+00, v7  }
0x219: {  	[tilespmem:v8+s4+$0x0] =	vst.idx.msk $0xffff, v9  }
0x21a: {  	[tilespmem:v8+s12+$0x0] =	vst.idx.msk $0xffff, v7  }
0x21b: {  	v7 =	vld [tilespmem:s29+$0x0];
	_ =	sdelay $0x1  }
0x21c: {  	v8 =	vadd.s32 v1, v6;
	_ =	sdelay $0x2  }
0x21d: {  	v9 =	vmul.f32 $9.797959320e+00, v7  }
0x21e: {  	v7 =	vmul.f32 $5.656854150e+00, v7  }
0x21f: {  	[tilespmem:v8+s4+$0x0] =	vst.idx.msk $0xffff, v9  }
0x220: {  	[tilespmem:v8+s12+$0x0] =	vst.idx.msk $0xffff, v7  }
0x221: {  	v7 =	vld [tilespmem:s30+$0xFFFFFFF0];
	_ =	sdelay $0x1  }
0x222: {  	v8 =	vadd.s32 v2, v6;
	_ =	sdelay $0x2  }
0x223: {  	v7 =	vmul.f32 $9.797959320e+00, v7;
	_ =	sdelay $0x1  }
0x224: {  	[tilespmem:v8+s4+$0x0] =	vst.idx.msk $0xffff, v7  }
0x225: {  	v7 =	vld [tilespmem:s30+$0x0];
	_ =	sdelay $0x1  }
0x226: {  	v8 =	vadd.s32 v3, v6;
	_ =	sdelay $0x2  }
0x227: {  	v7 =	vmul.f32 $9.797959320e+00, v7;
	_ =	sdelay $0x1  }
0x228: {  	[tilespmem:v8+s4+$0x0] =	vst.idx.msk $0xffff, v7  }
0x229: {  	v7 =	vld [tilespmem:s1+$0xFFFFFFF0];
	_ =	sdelay $0x1  }
0x22a: {  	v8 =	vadd.s32 v4, v6;
	_ =	sdelay $0x2  }
0x22b: {  	v7 =	vmul.f32 $9.797959320e+00, v7;
	_ =	sdelay $0x1  }
0x22c: {  	[tilespmem:v8+s4+$0x0] =	vst.idx.msk $0xffff, v7  }
0x22d: {  	v8 =	vld [tilespmem:s1+$0x0];
	_ =	sdelay $0x1  }
.Ltmp3:
0x22e: {  	s23 =	sshrl.u32 s22, $0x7;
	v7 =	vadd.s32 v5, v6;
	(pc) =	sbr.rel @p0 .LBB2_9-.Ltmp3, $4  }
0x22f: {  	v6 =	vmov s23  }
0x230: {  	v10 =	vmul.u32 $0x480, v6  }
0x231: {  	v9 =	vmul.f32 $9.797959320e+00, v8  }
0x232: {  	s23 =	smov.u32 s21;
	v6 =	vmov s22;
	s1 =	sadd.s32 $0x20, s1;
	v8 =	vbroadcast v10, $0x0  }
0x233: {  	_ =	sdelay $0x3  }
0x234: {  	v10 =	vand.u32 $0x78, v6;
	[tilespmem:v7+s4+$0x0] =	vst.idx.msk $0xffff, v9;
	s21 =	sadd.s32 $0x20, s29  }
0x235: {  	v6 =	vand.u32 $0x7, v6;
	v7 =	vld [tilespmem:s21+$0xFFFFFFF0];
	v8 =	vor.u32 v8, v10  }
0x236: {  	v6 =	vor.u32 v6, v8  }
0x237: {  	v8 =	vadd.s32 v0, v6;
	_ =	sdelay $0x2  }
0x238: {  	v58 =	vmul.f32 $9.797959320e+00, v7  }
0x239: {  	v7 =	vmul.f32 $5.656854150e+00, v7  }
0x23a: {  	[tilespmem:v8+s4+$0x0] =	vst.idx.msk $0xffff, v58  }
0x23b: {  	[tilespmem:v8+s12+$0x0] =	vst.idx.msk $0xffff, v7  }
0x23c: {  	v7 =	vld [tilespmem:s21+$0x0];
	_ =	sdelay $0x1  }
0x23d: {  	v59 =	vadd.s32 v1, v6;
	_ =	sdelay $0x2  }
0x23e: {  	v60 =	vmul.f32 $9.797959320e+00, v7  }
0x23f: {  	v7 =	vmul.f32 $5.656854150e+00, v7  }
0x240: {  	[tilespmem:v59+s4+$0x0] =	vst.idx.msk $0xffff, v60  }
0x241: {  	s30 =	sadd.s32 $0x20, s30;
	[tilespmem:v59+s12+$0x0] =	vst.idx.msk $0xffff, v7  }
0x242: {  	v7 =	vld [tilespmem:s30+$0xFFFFFFF0];
	_ =	sdelay $0x1  }
0x243: {  	v61 =	vadd.s32 v2, v6;
	_ =	sdelay $0x2  }
0x244: {  	v7 =	vmul.f32 $9.797959320e+00, v7;
	_ =	sdelay $0x1  }
0x245: {  	[tilespmem:v61+s4+$0x0] =	vst.idx.msk $0xffff, v7  }
0x246: {  	v7 =	vld [tilespmem:s30+$0x0];
	_ =	sdelay $0x1  }
0x247: {  	v62 =	vadd.s32 v3, v6;
	_ =	sdelay $0x2  }
0x248: {  	v7 =	vmul.f32 $9.797959320e+00, v7;
	_ =	sdelay $0x1  }
0x249: {  	[tilespmem:v62+s4+$0x0] =	vst.idx.msk $0xffff, v7  }
0x24a: {  	v7 =	vld [tilespmem:s1+$0xFFFFFFF0];
	_ =	sdelay $0x1  }
0x24b: {  	v63 =	vadd.s32 v4, v6;
	_ =	sdelay $0x2  }
0x24c: {  	v7 =	vmul.f32 $9.797959320e+00, v7;
	_ =	sdelay $0x1  }
0x24d: {  	[tilespmem:v63+s4+$0x0] =	vst.idx.msk $0xffff, v7  }
0x24e: {  	v7 =	vld [tilespmem:s1+$0x0];
	_ =	sdelay $0x1  }
0x24f: {  	v6 =	vadd.s32 v5, v6;
	_ =	sdelay $0x1  }
0x250: {  	s31 =	sshll.u32 s13, $0xF  }
0x251: {  	s1 =	sor.u32 s11, s31;
	v7 =	vmul.f32 $9.797959320e+00, v7  }
0x252: {  	s1 =	sshrl.u32 s1, $0x3  }
0x253: {  	s21 =	simm.s32 $0xC600;
	s22 =	sadd.s32 s0, s1;
	[tilespmem:v6+s4+$0x0] =	vst.idx.msk $0xffff, v7  }
0x254: {  	[hbm4b:s22+s3] =	stream.linear.scatter [tilespmem:s21], [sflag:$0x3], $0x80, $0x38;
	[tilespmem:$0x15600] =	vst v63  }
0x255: {  	s23 =	simm.s32 $0xC690;
	s24 =	sadd.s32 $0x10, s22  }
0x256: {  	[hbm4b:s24+s3] =	stream.linear.scatter [tilespmem:s23], [sflag:$0x3], $0x80, $0x38;
	[tilespmem:$0x15600] =	vst v63  }
0x257: {  	s30 =	simm.s32 $0xC720;
	s31 =	sadd.s32 $0x20, s22  }
0x258: {  	[hbm4b:s31+s3] =	stream.linear.scatter [tilespmem:s30], [sflag:$0x3], $0x80, $0x38;
	[tilespmem:$0x15600] =	vst v63  }
0x259: {  	s23 =	simm.s32 $0xC7B0;
	s24 =	sadd.s32 $0x30, s22  }
0x25a: {  	[hbm4b:s24+s3] =	stream.linear.scatter [tilespmem:s23], [sflag:$0x3], $0x80, $0x38;
	[tilespmem:$0x15600] =	vst v63  }
0x25b: {  	s30 =	simm.s32 $0xC840;
	s31 =	sadd.s32 $0x40, s22  }
0x25c: {  	[hbm4b:s31+s3] =	stream.linear.scatter [tilespmem:s30], [sflag:$0x3], $0x80, $0x38;
	[tilespmem:$0x15600] =	vst v63  }
0x25d: {  	s23 =	simm.s32 $0xC8D0;
	s24 =	sadd.s32 $0x50, s22  }
0x25e: {  	[hbm4b:s24+s3] =	stream.linear.scatter [tilespmem:s23], [sflag:$0x3], $0x80, $0x38;
	[tilespmem:$0x15600] =	vst v63  }
0x25f: {  	s30 =	simm.s32 $0xC960;
	s31 =	sadd.s32 $0x60, s22  }
0x260: {  	[hbm4b:s31+s3] =	stream.linear.scatter [tilespmem:s30], [sflag:$0x3], $0x80, $0x38;
	[tilespmem:$0x15600] =	vst v63  }
0x261: {  	s23 =	simm.s32 $0xC9F0;
	s24 =	sadd.s32 $0x70, s22  }
0x262: {  	[hbm4b:s24+s3] =	stream.linear.scatter [tilespmem:s23], [sflag:$0x3], $0x80, $0x38;
	[tilespmem:$0x15600] =	vst v63  }
0x263: {  	s30 =	simm.s32 $0xCA80;
	s31 =	sadd.s32 $0x80, s22  }
0x264: {  	[hbm4b:s31+s3] =	stream.linear.scatter [tilespmem:s30], [sflag:$0x3], $0x80, $0x38;
	[tilespmem:$0x15600] =	vst v63  }
0x265: {  	s23 =	simm.s32 $0xCB10;
	s24 =	sadd.s32 $0x90, s22  }
0x266: {  	[hbm4b:s24+s3] =	stream.linear.scatter [tilespmem:s23], [sflag:$0x3], $0x80, $0x38;
	[tilespmem:$0x15600] =	vst v63  }
0x267: {  	s1 =	simm.s32 $0x900;
	s30 =	simm.s32 $0xCBA0;
	s31 =	sadd.s32 $0xA0, s22  }
0x268: {  	[hbm4b:s31+s3] =	stream.linear.scatter [tilespmem:s30], [sflag:$0x3], $0x80, $0x38;
	[tilespmem:$0x15600] =	vst v63  }
0x269: {  	s29 =	sadd.s32 $0x400, s22;
	s23 =	simm.s32 $0xCC30;
	s24 =	sadd.s32 $0xB0, s22  }
0x26a: {  	[hbm4b:s24+s3] =	stream.linear.scatter [tilespmem:s23], [sflag:$0x3], $0x80, $0x38;
	[tilespmem:$0x15600] =	vst v63  }
0x26b: {  	s21 =	simm.s32 $0xCE70;
	s30 =	simm.s32 $0xCCC0;
	s31 =	sadd.s32 $0xC0, s22  }
0x26c: {  	[hbm4b:s31+s3] =	stream.linear.scatter [tilespmem:s30], [sflag:$0x3], $0x80, $0x38;
	[tilespmem:$0x15600] =	vst v63  }
0x26d: {  	s23 =	simm.s32 $0xCD50;
	s24 =	sadd.s32 $0xD0, s22;
	s30 =	simm.s32 $0xCDE0  }
0x26e: {  	[hbm4b:s24+s3] =	stream.linear.scatter [tilespmem:s23], [sflag:$0x3], $0x80, $0x38;
	[tilespmem:$0x15600] =	vst v63  }
0x26f: {  	s31 =	sadd.s32 $0xE0, s22;
	s23 =	simm.s32 $0x4800;
	s24 =	sadd.s32 $0xF0, s22  }
0x270: {  	[hbm4b:s31+s3] =	stream.linear.scatter [tilespmem:s30], [sflag:$0x3], $0x80, $0x38;
	[tilespmem:$0x15600] =	vst v63  }
.LBB2_11:
0x271: {  	[hbm4b:s24+s3] =	stream.linear.scatter [tilespmem:s21], [sflag:$0x3], $0x80, $0x38;
	[tilespmem:$0x15600] =	vst v63  }
0x272: {  	s21 =	smov.u32 s1;
	s1 =	smov.u32 s23  }
0x273: {  	s22 =	sadd.s32 $0x2400, s23;
	s1 =	sshra.s32 s1, $0x2;
	s24 =	sadd.s32 $0xC600, s21  }
0x274: {  	[hbm4b:s29+s3] =	stream.linear.scatter [tilespmem:s24], [sflag:$0x3], $0x80, $0x38;
	[tilespmem:$0x15600] =	vst v63  }
0x275: {  	p0 =	sne.s32 s23, $0x6C00;
	s23 =	sadd.s32 $0xC690, s21;
	s24 =	sadd.s32 $0x10, s29  }
0x276: {  	[hbm4b:s24+s3] =	stream.linear.scatter [tilespmem:s23], [sflag:$0x3], $0x80, $0x38;
	[tilespmem:$0x15600] =	vst v63  }
0x277: {  	s23 =	sadd.s32 $0xC720, s21;
	s24 =	sadd.s32 $0x20, s29  }
0x278: {  	[hbm4b:s24+s3] =	stream.linear.scatter [tilespmem:s23], [sflag:$0x3], $0x80, $0x38;
	[tilespmem:$0x15600] =	vst v63  }
0x279: {  	s23 =	sadd.s32 $0xC7B0, s21;
	s24 =	sadd.s32 $0x30, s29  }
0x27a: {  	[hbm4b:s24+s3] =	stream.linear.scatter [tilespmem:s23], [sflag:$0x3], $0x80, $0x38;
	[tilespmem:$0x15600] =	vst v63  }
0x27b: {  	s23 =	sadd.s32 $0xC840, s21;
	s24 =	sadd.s32 $0x40, s29  }
0x27c: {  	[hbm4b:s24+s3] =	stream.linear.scatter [tilespmem:s23], [sflag:$0x3], $0x80, $0x38;
	[tilespmem:$0x15600] =	vst v63  }
0x27d: {  	s23 =	sadd.s32 $0xC8D0, s21;
	s24 =	sadd.s32 $0x50, s29  }
0x27e: {  	[hbm4b:s24+s3] =	stream.linear.scatter [tilespmem:s23], [sflag:$0x3], $0x80, $0x38;
	[tilespmem:$0x15600] =	vst v63  }
0x27f: {  	s23 =	sadd.s32 $0xC960, s21;
	s24 =	sadd.s32 $0x60, s29  }
0x280: {  	[hbm4b:s24+s3] =	stream.linear.scatter [tilespmem:s23], [sflag:$0x3], $0x80, $0x38;
	[tilespmem:$0x15600] =	vst v63  }
0x281: {  	s23 =	sadd.s32 $0xC9F0, s21;
	s24 =	sadd.s32 $0x70, s29  }
0x282: {  	[hbm4b:s24+s3] =	stream.linear.scatter [tilespmem:s23], [sflag:$0x3], $0x80, $0x38;
	[tilespmem:$0x15600] =	vst v63  }
0x283: {  	s23 =	sadd.s32 $0xCA80, s21;
	s24 =	sadd.s32 $0x80, s29  }
0x284: {  	[hbm4b:s24+s3] =	stream.linear.scatter [tilespmem:s23], [sflag:$0x3], $0x80, $0x38;
	[tilespmem:$0x15600] =	vst v63  }
0x285: {  	s23 =	sadd.s32 $0xCB10, s21;
	s24 =	sadd.s32 $0x90, s29  }
0x286: {  	[hbm4b:s24+s3] =	stream.linear.scatter [tilespmem:s23], [sflag:$0x3], $0x80, $0x38;
	[tilespmem:$0x15600] =	vst v63  }
0x287: {  	s23 =	sadd.s32 $0xCBA0, s21;
	s24 =	sadd.s32 $0xA0, s29  }
0x288: {  	[hbm4b:s24+s3] =	stream.linear.scatter [tilespmem:s23], [sflag:$0x3], $0x80, $0x38;
	[tilespmem:$0x15600] =	vst v63  }
0x289: {  	s23 =	sadd.s32 $0xCC30, s21;
	s24 =	sadd.s32 $0xB0, s29  }
0x28a: {  	[hbm4b:s24+s3] =	stream.linear.scatter [tilespmem:s23], [sflag:$0x3], $0x80, $0x38;
	[tilespmem:$0x15600] =	vst v63  }
0x28b: {  	s23 =	sadd.s32 $0xCCC0, s21;
	s24 =	sadd.s32 $0xC0, s29  }
0x28c: {  	[hbm4b:s24+s3] =	stream.linear.scatter [tilespmem:s23], [sflag:$0x3], $0x80, $0x38;
	[tilespmem:$0x15600] =	vst v63  }
.Ltmp4:
0x28d: {  	s23 =	sadd.s32 $0xCD50, s21;
	s24 =	sadd.s32 $0xD0, s29;
	(pc) =	sbr.rel @p0 .LBB2_11-.Ltmp4, $4  }
0x28e: {  	[hbm4b:s24+s3] =	stream.linear.scatter [tilespmem:s23], [sflag:$0x3], $0x80, $0x38;
	[tilespmem:$0x15600] =	vst v63  }
0x28f: {  	s23 =	sadd.s32 $0xCDE0, s21;
	s24 =	sadd.s32 $0xE0, s29;
	s21 =	sadd.s32 $0xCE70, s21  }
0x290: {  	[hbm4b:s24+s3] =	stream.linear.scatter [tilespmem:s23], [sflag:$0x3], $0x80, $0x38;
	[tilespmem:$0x15600] =	vst v63  }
0x291: {  	s24 =	sadd.s32 $0xF0, s29;
	s29 =	sadd.s32 $0x400, s29;
	s23 =	smov.u32 s22  }
0x292: {  	[hbm4b:s24+s3] =	stream.linear.scatter [tilespmem:s21], [sflag:$0x3], $0x80, $0x38;
	[tilespmem:$0x15600] =	vst v63  }
0x293: {  	s30 =	sadd.s32 $0xC600, s1  }
0x294: {  	[hbm4b:s29+s3] =	stream.linear.scatter [tilespmem:s30], [sflag:$0x3], $0x80, $0x38;
	[tilespmem:$0x15600] =	vst v63  }
0x295: {  	s31 =	sadd.s32 $0xC690, s1;
	s22 =	sadd.s32 $0x10, s29  }
0x296: {  	[hbm4b:s22+s3] =	stream.linear.scatter [tilespmem:s31], [sflag:$0x3], $0x80, $0x38;
	[tilespmem:$0x15600] =	vst v63  }
0x297: {  	s23 =	sadd.s32 $0xC720, s1;
	s24 =	sadd.s32 $0x20, s29  }
0x298: {  	[hbm4b:s24+s3] =	stream.linear.scatter [tilespmem:s23], [sflag:$0x3], $0x80, $0x38;
	[tilespmem:$0x15600] =	vst v63  }
0x299: {  	s30 =	sadd.s32 $0xC7B0, s1;
	s31 =	sadd.s32 $0x30, s29  }
0x29a: {  	[hbm4b:s31+s3] =	stream.linear.scatter [tilespmem:s30], [sflag:$0x3], $0x80, $0x38;
	[tilespmem:$0x15600] =	vst v63  }
0x29b: {  	s23 =	sadd.s32 $0xC840, s1;
	s24 =	sadd.s32 $0x40, s29  }
0x29c: {  	[hbm4b:s24+s3] =	stream.linear.scatter [tilespmem:s23], [sflag:$0x3], $0x80, $0x38;
	[tilespmem:$0x15600] =	vst v63  }
0x29d: {  	s30 =	sadd.s32 $0xC8D0, s1;
	s31 =	sadd.s32 $0x50, s29  }
0x29e: {  	[hbm4b:s31+s3] =	stream.linear.scatter [tilespmem:s30], [sflag:$0x3], $0x80, $0x38;
	[tilespmem:$0x15600] =	vst v63  }
0x29f: {  	s23 =	sadd.s32 $0xC960, s1;
	s24 =	sadd.s32 $0x60, s29  }
0x2a0: {  	[hbm4b:s24+s3] =	stream.linear.scatter [tilespmem:s23], [sflag:$0x3], $0x80, $0x38;
	[tilespmem:$0x15600] =	vst v63  }
0x2a1: {  	s30 =	sadd.s32 $0xC9F0, s1;
	s31 =	sadd.s32 $0x70, s29  }
0x2a2: {  	[hbm4b:s31+s3] =	stream.linear.scatter [tilespmem:s30], [sflag:$0x3], $0x80, $0x38;
	[tilespmem:$0x15600] =	vst v63  }
0x2a3: {  	s23 =	sadd.s32 $0xCA80, s1;
	s24 =	sadd.s32 $0x80, s29  }
0x2a4: {  	[hbm4b:s24+s3] =	stream.linear.scatter [tilespmem:s23], [sflag:$0x3], $0x80, $0x38;
	[tilespmem:$0x15600] =	vst v63  }
0x2a5: {  	s30 =	sadd.s32 $0xCB10, s1;
	s31 =	sadd.s32 $0x90, s29  }
0x2a6: {  	[hbm4b:s31+s3] =	stream.linear.scatter [tilespmem:s30], [sflag:$0x3], $0x80, $0x38;
	[tilespmem:$0x15600] =	vst v63  }
0x2a7: {  	s23 =	sadd.s32 $0xCBA0, s1;
	s24 =	sadd.s32 $0xA0, s29  }
0x2a8: {  	[hbm4b:s24+s3] =	stream.linear.scatter [tilespmem:s23], [sflag:$0x3], $0x80, $0x38;
	[tilespmem:$0x15600] =	vst v63  }
0x2a9: {  	s30 =	sadd.s32 $0xCC30, s1;
	s31 =	sadd.s32 $0xB0, s29  }
0x2aa: {  	[hbm4b:s31+s3] =	stream.linear.scatter [tilespmem:s30], [sflag:$0x3], $0x80, $0x38;
	[tilespmem:$0x15600] =	vst v63  }
0x2ab: {  	s23 =	sadd.s32 $0xCCC0, s1;
	s24 =	sadd.s32 $0xC0, s29  }
0x2ac: {  	[hbm4b:s24+s3] =	stream.linear.scatter [tilespmem:s23], [sflag:$0x3], $0x80, $0x38;
	[tilespmem:$0x15600] =	vst v63  }
0x2ad: {  	s30 =	sadd.s32 $0xCD50, s1;
	s31 =	sadd.s32 $0xD0, s29  }
0x2ae: {  	[hbm4b:s31+s3] =	stream.linear.scatter [tilespmem:s30], [sflag:$0x3], $0x80, $0x38;
	[tilespmem:$0x15600] =	vst v63  }
0x2af: {  	s23 =	sadd.s32 $0xCDE0, s1;
	s24 =	sadd.s32 $0xE0, s29  }
0x2b0: {  	[hbm4b:s24+s3] =	stream.linear.scatter [tilespmem:s23], [sflag:$0x3], $0x80, $0x38;
	[tilespmem:$0x15600] =	vst v63  }
0x2b1: {  	s13 =	smul.u32 $0x18000, s13;
	s30 =	sadd.s32 $0xCE70, s1;
	s31 =	sadd.s32 $0xF0, s29  }
0x2b2: {  	[hbm4b:s31+s3] =	stream.linear.scatter [tilespmem:s30], [sflag:$0x3], $0x80, $0x38;
	[tilespmem:$0x15600] =	vst v63  }
0x2b3: {  	s22 =	sor.u32 s11, s13;
	_ =	swait.ge [sflag:s18], $0x2000  }
0x2b4: {  	s1 =	sshrl.u32 s22, $0x3;
	[sflag:s18] =	ssyncset.done $0x0  }
0x2b5: {  	s13 =	sadd.s32 s2, s1;
	s23 =	simm.s32 $0xEA00;
	[sflag:s18] =	ssyncadd.s32 $0xFFFFE000  }
0x2b6: {  	[hbm4b:s13+s3] =	stream.linear.scatter [tilespmem:s23], [sflag:$0x3], $0x80, $0x38;
	[tilespmem:$0x15600] =	vst v63  }
0x2b7: {  	s24 =	simm.s32 $0xEA90;
	s29 =	sadd.s32 $0x10, s13  }
0x2b8: {  	[hbm4b:s29+s3] =	stream.linear.scatter [tilespmem:s24], [sflag:$0x3], $0x80, $0x38;
	[tilespmem:$0x15600] =	vst v63  }
0x2b9: {  	s30 =	simm.s32 $0xEB20;
	s31 =	sadd.s32 $0x20, s13  }
0x2ba: {  	[hbm4b:s31+s3] =	stream.linear.scatter [tilespmem:s30], [sflag:$0x3], $0x80, $0x38;
	[tilespmem:$0x15600] =	vst v63  }
0x2bb: {  	s22 =	simm.s32 $0xEBB0;
	s23 =	sadd.s32 $0x30, s13  }
0x2bc: {  	[hbm4b:s23+s3] =	stream.linear.scatter [tilespmem:s22], [sflag:$0x3], $0x80, $0x38;
	[tilespmem:$0x15600] =	vst v63  }
0x2bd: {  	s24 =	simm.s32 $0xEC40;
	s29 =	sadd.s32 $0x40, s13  }
0x2be: {  	[hbm4b:s29+s3] =	stream.linear.scatter [tilespmem:s24], [sflag:$0x3], $0x80, $0x38;
	[tilespmem:$0x15600] =	vst v63  }
0x2bf: {  	s30 =	simm.s32 $0xECD0;
	s31 =	sadd.s32 $0x50, s13  }
0x2c0: {  	[hbm4b:s31+s3] =	stream.linear.scatter [tilespmem:s30], [sflag:$0x3], $0x80, $0x38;
	[tilespmem:$0x15600] =	vst v63  }
0x2c1: {  	s22 =	simm.s32 $0xED60;
	s23 =	sadd.s32 $0x60, s13  }
0x2c2: {  	[hbm4b:s23+s3] =	stream.linear.scatter [tilespmem:s22], [sflag:$0x3], $0x80, $0x38;
	[tilespmem:$0x15600] =	vst v63  }
0x2c3: {  	s24 =	simm.s32 $0xEDF0;
	s29 =	sadd.s32 $0x70, s13  }
0x2c4: {  	[hbm4b:s29+s3] =	stream.linear.scatter [tilespmem:s24], [sflag:$0x3], $0x80, $0x38;
	[tilespmem:$0x15600] =	vst v63  }
0x2c5: {  	s30 =	simm.s32 $0xEE80;
	s31 =	sadd.s32 $0x80, s13  }
0x2c6: {  	[hbm4b:s31+s3] =	stream.linear.scatter [tilespmem:s30], [sflag:$0x3], $0x80, $0x38;
	[tilespmem:$0x15600] =	vst v63  }
0x2c7: {  	s22 =	simm.s32 $0xEF10;
	s23 =	sadd.s32 $0x90, s13  }
0x2c8: {  	[hbm4b:s23+s3] =	stream.linear.scatter [tilespmem:s22], [sflag:$0x3], $0x80, $0x38;
	[tilespmem:$0x15600] =	vst v63  }
0x2c9: {  	s21 =	simm.s32 $0xF270;
	s24 =	simm.s32 $0xEFA0;
	s29 =	sadd.s32 $0xA0, s13  }
0x2ca: {  	[hbm4b:s29+s3] =	stream.linear.scatter [tilespmem:s24], [sflag:$0x3], $0x80, $0x38;
	[tilespmem:$0x15600] =	vst v63  }
0x2cb: {  	s1 =	simm.s32 $0x900;
	s30 =	simm.s32 $0xF030;
	s31 =	sadd.s32 $0xB0, s13  }
0x2cc: {  	[hbm4b:s31+s3] =	stream.linear.scatter [tilespmem:s30], [sflag:$0x3], $0x80, $0x38;
	[tilespmem:$0x15600] =	vst v63  }
0x2cd: {  	s22 =	simm.s32 $0xF0C0;
	s23 =	sadd.s32 $0xC0, s13;
	s24 =	simm.s32 $0xF150  }
0x2ce: {  	[hbm4b:s23+s3] =	stream.linear.scatter [tilespmem:s22], [sflag:$0x3], $0x80, $0x38;
	[tilespmem:$0x15600] =	vst v63  }
0x2cf: {  	s29 =	sadd.s32 $0xD0, s13;
	s30 =	simm.s32 $0xF1E0;
	s31 =	sadd.s32 $0xE0, s13  }
0x2d0: {  	[hbm4b:s29+s3] =	stream.linear.scatter [tilespmem:s24], [sflag:$0x3], $0x80, $0x38;
	[tilespmem:$0x15600] =	vst v63  }
0x2d1: {  	s23 =	simm.s32 $0x4800;
	s24 =	sadd.s32 $0xF0, s13;
	s13 =	sadd.s32 $0x400, s13  }
0x2d2: {  	[hbm4b:s31+s3] =	stream.linear.scatter [tilespmem:s30], [sflag:$0x3], $0x80, $0x38;
	[tilespmem:$0x15600] =	vst v63  }
.LBB2_13:
0x2d3: {  	[hbm4b:s24+s3] =	stream.linear.scatter [tilespmem:s21], [sflag:$0x3], $0x80, $0x38;
	[tilespmem:$0x15600] =	vst v63  }
0x2d4: {  	s21 =	smov.u32 s1;
	s1 =	smov.u32 s23  }
0x2d5: {  	s22 =	sadd.s32 $0x2400, s23;
	s1 =	sshra.s32 s1, $0x2;
	s24 =	sadd.s32 $0xEA00, s21  }
0x2d6: {  	[hbm4b:s13+s3] =	stream.linear.scatter [tilespmem:s24], [sflag:$0x3], $0x80, $0x38;
	[tilespmem:$0x15600] =	vst v63  }
0x2d7: {  	p0 =	sne.s32 s23, $0x18C00;
	s23 =	sadd.s32 $0xEA90, s21;
	s24 =	sadd.s32 $0x10, s13  }
0x2d8: {  	[hbm4b:s24+s3] =	stream.linear.scatter [tilespmem:s23], [sflag:$0x3], $0x80, $0x38;
	[tilespmem:$0x15600] =	vst v63  }
0x2d9: {  	s23 =	sadd.s32 $0xEB20, s21;
	s24 =	sadd.s32 $0x20, s13  }
0x2da: {  	[hbm4b:s24+s3] =	stream.linear.scatter [tilespmem:s23], [sflag:$0x3], $0x80, $0x38;
	[tilespmem:$0x15600] =	vst v63  }
0x2db: {  	s23 =	sadd.s32 $0xEBB0, s21;
	s24 =	sadd.s32 $0x30, s13  }
0x2dc: {  	[hbm4b:s24+s3] =	stream.linear.scatter [tilespmem:s23], [sflag:$0x3], $0x80, $0x38;
	[tilespmem:$0x15600] =	vst v63  }
0x2dd: {  	s23 =	sadd.s32 $0xEC40, s21;
	s24 =	sadd.s32 $0x40, s13  }
0x2de: {  	[hbm4b:s24+s3] =	stream.linear.scatter [tilespmem:s23], [sflag:$0x3], $0x80, $0x38;
	[tilespmem:$0x15600] =	vst v63  }
0x2df: {  	s23 =	sadd.s32 $0xECD0, s21;
	s24 =	sadd.s32 $0x50, s13  }
0x2e0: {  	[hbm4b:s24+s3] =	stream.linear.scatter [tilespmem:s23], [sflag:$0x3], $0x80, $0x38;
	[tilespmem:$0x15600] =	vst v63  }
0x2e1: {  	s23 =	sadd.s32 $0xED60, s21;
	s24 =	sadd.s32 $0x60, s13  }
0x2e2: {  	[hbm4b:s24+s3] =	stream.linear.scatter [tilespmem:s23], [sflag:$0x3], $0x80, $0x38;
	[tilespmem:$0x15600] =	vst v63  }
0x2e3: {  	s23 =	sadd.s32 $0xEDF0, s21;
	s24 =	sadd.s32 $0x70, s13  }
0x2e4: {  	[hbm4b:s24+s3] =	stream.linear.scatter [tilespmem:s23], [sflag:$0x3], $0x80, $0x38;
	[tilespmem:$0x15600] =	vst v63  }
0x2e5: {  	s23 =	sadd.s32 $0xEE80, s21;
	s24 =	sadd.s32 $0x80, s13  }
0x2e6: {  	[hbm4b:s24+s3] =	stream.linear.scatter [tilespmem:s23], [sflag:$0x3], $0x80, $0x38;
	[tilespmem:$0x15600] =	vst v63  }
0x2e7: {  	s23 =	sadd.s32 $0xEF10, s21;
	s24 =	sadd.s32 $0x90, s13  }
0x2e8: {  	[hbm4b:s24+s3] =	stream.linear.scatter [tilespmem:s23], [sflag:$0x3], $0x80, $0x38;
	[tilespmem:$0x15600] =	vst v63  }
0x2e9: {  	s23 =	sadd.s32 $0xEFA0, s21;
	s24 =	sadd.s32 $0xA0, s13  }
0x2ea: {  	[hbm4b:s24+s3] =	stream.linear.scatter [tilespmem:s23], [sflag:$0x3], $0x80, $0x38;
	[tilespmem:$0x15600] =	vst v63  }
0x2eb: {  	s23 =	sadd.s32 $0xF030, s21;
	s24 =	sadd.s32 $0xB0, s13  }
0x2ec: {  	[hbm4b:s24+s3] =	stream.linear.scatter [tilespmem:s23], [sflag:$0x3], $0x80, $0x38;
	[tilespmem:$0x15600] =	vst v63  }
0x2ed: {  	s23 =	sadd.s32 $0xF0C0, s21;
	s24 =	sadd.s32 $0xC0, s13  }
0x2ee: {  	[hbm4b:s24+s3] =	stream.linear.scatter [tilespmem:s23], [sflag:$0x3], $0x80, $0x38;
	[tilespmem:$0x15600] =	vst v63  }
.Ltmp5:
0x2ef: {  	s23 =	sadd.s32 $0xF150, s21;
	s24 =	sadd.s32 $0xD0, s13;
	(pc) =	sbr.rel @p0 .LBB2_13-.Ltmp5, $4  }
0x2f0: {  	[hbm4b:s24+s3] =	stream.linear.scatter [tilespmem:s23], [sflag:$0x3], $0x80, $0x38;
	[tilespmem:$0x15600] =	vst v63  }
0x2f1: {  	s23 =	sadd.s32 $0xF1E0, s21;
	s24 =	sadd.s32 $0xE0, s13;
	s21 =	sadd.s32 $0xF270, s21  }
0x2f2: {  	[hbm4b:s24+s3] =	stream.linear.scatter [tilespmem:s23], [sflag:$0x3], $0x80, $0x38;
	[tilespmem:$0x15600] =	vst v63  }
0x2f3: {  	s24 =	sadd.s32 $0xF0, s13;
	s13 =	sadd.s32 $0x400, s13;
	s23 =	smov.u32 s22  }
0x2f4: {  	[hbm4b:s24+s3] =	stream.linear.scatter [tilespmem:s21], [sflag:$0x3], $0x80, $0x38;
	[tilespmem:$0x15600] =	vst v63  }
0x2f5: {  	s22 =	sadd.s32 $0xEA00, s1  }
0x2f6: {  	[hbm4b:s13+s3] =	stream.linear.scatter [tilespmem:s22], [sflag:$0x3], $0x80, $0x38;
	[tilespmem:$0x15600] =	vst v63  }
0x2f7: {  	s23 =	sadd.s32 $0xEA90, s1;
	s22 =	sadd.s32 $0x10, s13  }
0x2f8: {  	[hbm4b:s22+s3] =	stream.linear.scatter [tilespmem:s23], [sflag:$0x3], $0x80, $0x38;
	[tilespmem:$0x15600] =	vst v63  }
0x2f9: {  	s24 =	sadd.s32 $0xEB20, s1;
	s29 =	sadd.s32 $0x20, s13  }
0x2fa: {  	[hbm4b:s29+s3] =	stream.linear.scatter [tilespmem:s24], [sflag:$0x3], $0x80, $0x38;
	[tilespmem:$0x15600] =	vst v63  }
0x2fb: {  	s30 =	sadd.s32 $0xEBB0, s1;
	s31 =	sadd.s32 $0x30, s13  }
0x2fc: {  	[hbm4b:s31+s3] =	stream.linear.scatter [tilespmem:s30], [sflag:$0x3], $0x80, $0x38;
	[tilespmem:$0x15600] =	vst v63  }
0x2fd: {  	s22 =	sadd.s32 $0xEC40, s1;
	s23 =	sadd.s32 $0x40, s13  }
0x2fe: {  	[hbm4b:s23+s3] =	stream.linear.scatter [tilespmem:s22], [sflag:$0x3], $0x80, $0x38;
	[tilespmem:$0x15600] =	vst v63  }
0x2ff: {  	s24 =	sadd.s32 $0xECD0, s1;
	s29 =	sadd.s32 $0x50, s13  }
0x300: {  	[hbm4b:s29+s3] =	stream.linear.scatter [tilespmem:s24], [sflag:$0x3], $0x80, $0x38;
	[tilespmem:$0x15600] =	vst v63  }
0x301: {  	s30 =	sadd.s32 $0xED60, s1;
	s31 =	sadd.s32 $0x60, s13  }
0x302: {  	[hbm4b:s31+s3] =	stream.linear.scatter [tilespmem:s30], [sflag:$0x3], $0x80, $0x38;
	[tilespmem:$0x15600] =	vst v63  }
0x303: {  	s22 =	sadd.s32 $0xEDF0, s1;
	s23 =	sadd.s32 $0x70, s13  }
0x304: {  	[hbm4b:s23+s3] =	stream.linear.scatter [tilespmem:s22], [sflag:$0x3], $0x80, $0x38;
	[tilespmem:$0x15600] =	vst v63  }
0x305: {  	s24 =	sadd.s32 $0xEE80, s1;
	s29 =	sadd.s32 $0x80, s13  }
0x306: {  	[hbm4b:s29+s3] =	stream.linear.scatter [tilespmem:s24], [sflag:$0x3], $0x80, $0x38;
	[tilespmem:$0x15600] =	vst v63  }
0x307: {  	s30 =	sadd.s32 $0xEF10, s1;
	s31 =	sadd.s32 $0x90, s13  }
0x308: {  	[hbm4b:s31+s3] =	stream.linear.scatter [tilespmem:s30], [sflag:$0x3], $0x80, $0x38;
	[tilespmem:$0x15600] =	vst v63  }
0x309: {  	s22 =	sadd.s32 $0xEFA0, s1;
	s23 =	sadd.s32 $0xA0, s13  }
0x30a: {  	[hbm4b:s23+s3] =	stream.linear.scatter [tilespmem:s22], [sflag:$0x3], $0x80, $0x38;
	[tilespmem:$0x15600] =	vst v63  }
0x30b: {  	s24 =	sadd.s32 $0xF030, s1;
	s29 =	sadd.s32 $0xB0, s13  }
0x30c: {  	[hbm4b:s29+s3] =	stream.linear.scatter [tilespmem:s24], [sflag:$0x3], $0x80, $0x38;
	[tilespmem:$0x15600] =	vst v63  }
0x30d: {  	s30 =	sadd.s32 $0xF0C0, s1;
	s31 =	sadd.s32 $0xC0, s13  }
0x30e: {  	[hbm4b:s31+s3] =	stream.linear.scatter [tilespmem:s30], [sflag:$0x3], $0x80, $0x38;
	[tilespmem:$0x15600] =	vst v63  }
0x30f: {  	s17 =	sadd.s32 $0x1, s17;
	s22 =	sadd.s32 $0xF150, s1;
	s23 =	sadd.s32 $0xD0, s13  }
0x310: {  	[hbm4b:s23+s3] =	stream.linear.scatter [tilespmem:s22], [sflag:$0x3], $0x80, $0x38;
	[tilespmem:$0x15600] =	vst v63  }
0x311: {  	p0 =	sne.s32 s17, $0xC;
	s24 =	sadd.s32 $0xF1E0, s1;
	s29 =	sadd.s32 $0xE0, s13  }
0x312: {  	[hbm4b:s29+s3] =	stream.linear.scatter [tilespmem:s24], [sflag:$0x3], $0x80, $0x38;
	[tilespmem:$0x15600] =	vst v63  }
.Ltmp6:
0x313: {  	s30 =	sadd.s32 $0xF270, s1;
	s31 =	sadd.s32 $0xF0, s13;
	(pc) =	sbr.rel @p0 .LBB2_2-.Ltmp6, $4  }
0x314: {  	[hbm4b:s31+s3] =	stream.linear.scatter [tilespmem:s30], [sflag:$0x3], $0x80, $0x38;
	[tilespmem:$0x15600] =	vst v63  }
0x315: {  	_ =	swait.ge [sflag:s18], $0x6000  }
0x316: {  	[sflag:s18] =	ssyncset.done $0x0  }
0x317: {  	[sflag:s18] =	ssyncadd.s32 $0xFFFFA000  }
0x318: {  	_ =	swait.ge [sflag:s25], $0x2000  }
0x319: {  	[sflag:s25] =	ssyncset.done $0x0  }
0x31a: {  	[sflag:s25] =	ssyncadd.s32 $0xFFFFE000  }
0x31b: {  	s1 =	simm.s32 $0x0;
	_ =	swait.ge [sflag:s26], $0x2000  }
0x31c: {  	v6 =	vmov s1;
	[sflag:s26] =	ssyncset.done $0x0  }
0x31d: {  	v6 =	vmul.u32 $0x480, v6;
	[sflag:s26] =	ssyncadd.s32 $0xFFFFE000  }
0x31e: {  	s24 =	simm.s32 $0x0;
	_ =	swait.ge [sflag:s26], $0x2000  }
0x31f: {  	v7 =	vmov s24;
	v6 =	vbroadcast v6, $0x0;
	[sflag:s26] =	ssyncset.done $0x0  }
0x320: {  	s13 =	simm.s32 $0x610;
	v8 =	vand.u32 $0x78, v7;
	[sflag:s26] =	ssyncadd.s32 $0xFFFFE000  }
0x321: {  	v7 =	vand.u32 $0x7, v7;
	v6 =	vor.u32 v6, v8;
	v9 =	vld [tilespmem:s13+$0xFFFFFFF0]  }
0x322: {  	v6 =	vor.u32 v7, v6  }
0x323: {  	v7 =	vadd.s32 v0, v6;
	_ =	sdelay $0x2  }
0x324: {  	v8 =	vmul.f32 $9.797959320e+00, v9  }
0x325: {  	v9 =	vmul.f32 $5.656854150e+00, v9  }
0x326: {  	[tilespmem:v7+s4+$0x0] =	vst.idx.msk $0xffff, v8  }
0x327: {  	[tilespmem:v7+s12+$0x0] =	vst.idx.msk $0xffff, v9  }
0x328: {  	v7 =	vld [tilespmem:s13+$0x0];
	_ =	sdelay $0x1  }
0x329: {  	v8 =	vadd.s32 v1, v6;
	_ =	sdelay $0x2  }
0x32a: {  	v9 =	vmul.f32 $9.797959320e+00, v7  }
0x32b: {  	v7 =	vmul.f32 $5.656854150e+00, v7  }
0x32c: {  	[tilespmem:v8+s4+$0x0] =	vst.idx.msk $0xffff, v9  }
0x32d: {  	s17 =	simm.s32 $0x4610;
	[tilespmem:v8+s12+$0x0] =	vst.idx.msk $0xffff, v7  }
0x32e: {  	v7 =	vld [tilespmem:s17+$0xFFFFFFF0];
	_ =	sdelay $0x1  }
0x32f: {  	v8 =	vadd.s32 v2, v6;
	_ =	sdelay $0x2  }
0x330: {  	v7 =	vmul.f32 $9.797959320e+00, v7;
	_ =	sdelay $0x1  }
0x331: {  	[tilespmem:v8+s4+$0x0] =	vst.idx.msk $0xffff, v7  }
0x332: {  	v7 =	vld [tilespmem:s17+$0x0];
	_ =	sdelay $0x1  }
0x333: {  	v8 =	vadd.s32 v3, v6;
	_ =	sdelay $0x2  }
0x334: {  	v7 =	vmul.f32 $9.797959320e+00, v7;
	_ =	sdelay $0x1  }
0x335: {  	s29 =	simm.s32 $0x8610;
	[tilespmem:v8+s4+$0x0] =	vst.idx.msk $0xffff, v7  }
0x336: {  	v7 =	vld [tilespmem:s29+$0xFFFFFFF0];
	_ =	sdelay $0x1  }
0x337: {  	v8 =	vadd.s32 v4, v6;
	_ =	sdelay $0x2  }
0x338: {  	v7 =	vmul.f32 $9.797959320e+00, v7;
	_ =	sdelay $0x1  }
0x339: {  	[tilespmem:v8+s4+$0x0] =	vst.idx.msk $0xffff, v7  }
0x33a: {  	s30 =	simm.s32 $0x0;
	v8 =	vld [tilespmem:s29+$0x0]  }
0x33b: {  	v7 =	vmov s30  }
0x33c: {  	v10 =	vmul.u32 $0x480, v7;
	v7 =	vadd.s32 v5, v6;
	_ =	sdelay $0x1  }
0x33d: {  	s31 =	simm.s32 $0x1  }
0x33e: {  	s23 =	simm.s32 $0x2;
	s1 =	simm.s32 $0x8630;
	v6 =	vmov s31;
	v9 =	vmul.f32 $9.797959320e+00, v8;
	v8 =	vbroadcast v10, $0x0  }
.LBB2_16:
0x33f: {  	s13 =	sadd.s32 $0x20, s13  }
0x340: {  	v10 =	vand.u32 $0x78, v6;
	[tilespmem:v7+s4+$0x0] =	vst.idx.msk $0xffff, v9;
	s17 =	sadd.s32 $0x20, s17;
	s22 =	smov.u32 s23;
	s21 =	sadd.s32 $0x1, s23  }
0x341: {  	p0 =	sne.s32 s23, $0xFF;
	v6 =	vand.u32 $0x7, v6;
	v7 =	vld [tilespmem:s13+$0xFFFFFFF0];
	v8 =	vor.u32 v8, v10  }
0x342: {  	v6 =	vor.u32 v6, v8  }
0x343: {  	v8 =	vadd.s32 v0, v6;
	_ =	sdelay $0x2  }
0x344: {  	v9 =	vmul.f32 $9.797959320e+00, v7  }
0x345: {  	v7 =	vmul.f32 $5.656854150e+00, v7  }
0x346: {  	[tilespmem:v8+s4+$0x0] =	vst.idx.msk $0xffff, v9  }
0x347: {  	[tilespmem:v8+s12+$0x0] =	vst.idx.msk $0xffff, v7  }
0x348: {  	v7 =	vld [tilespmem:s13+$0x0];
	_ =	sdelay $0x1  }
0x349: {  	v8 =	vadd.s32 v1, v6;
	_ =	sdelay $0x2  }
0x34a: {  	v9 =	vmul.f32 $9.797959320e+00, v7  }
0x34b: {  	v7 =	vmul.f32 $5.656854150e+00, v7  }
0x34c: {  	[tilespmem:v8+s4+$0x0] =	vst.idx.msk $0xffff, v9  }
0x34d: {  	[tilespmem:v8+s12+$0x0] =	vst.idx.msk $0xffff, v7  }
0x34e: {  	v7 =	vld [tilespmem:s17+$0xFFFFFFF0];
	_ =	sdelay $0x1  }
0x34f: {  	v8 =	vadd.s32 v2, v6;
	_ =	sdelay $0x2  }
0x350: {  	v7 =	vmul.f32 $9.797959320e+00, v7;
	_ =	sdelay $0x1  }
0x351: {  	[tilespmem:v8+s4+$0x0] =	vst.idx.msk $0xffff, v7  }
0x352: {  	v7 =	vld [tilespmem:s17+$0x0];
	_ =	sdelay $0x1  }
0x353: {  	v8 =	vadd.s32 v3, v6;
	_ =	sdelay $0x2  }
0x354: {  	v7 =	vmul.f32 $9.797959320e+00, v7;
	_ =	sdelay $0x1  }
0x355: {  	[tilespmem:v8+s4+$0x0] =	vst.idx.msk $0xffff, v7  }
0x356: {  	v7 =	vld [tilespmem:s1+$0xFFFFFFF0];
	_ =	sdelay $0x1  }
0x357: {  	v8 =	vadd.s32 v4, v6;
	_ =	sdelay $0x2  }
0x358: {  	v7 =	vmul.f32 $9.797959320e+00, v7;
	_ =	sdelay $0x1  }
0x359: {  	[tilespmem:v8+s4+$0x0] =	vst.idx.msk $0xffff, v7  }
0x35a: {  	v8 =	vld [tilespmem:s1+$0x0];
	_ =	sdelay $0x1  }
.Ltmp7:
0x35b: {  	s23 =	sshrl.u32 s22, $0x7;
	v7 =	vadd.s32 v5, v6;
	(pc) =	sbr.rel @p0 .LBB2_16-.Ltmp7, $4  }
0x35c: {  	v6 =	vmov s23  }
0x35d: {  	v10 =	vmul.u32 $0x480, v6  }
0x35e: {  	v9 =	vmul.f32 $9.797959320e+00, v8  }
0x35f: {  	s23 =	smov.u32 s21;
	v6 =	vmov s22;
	s1 =	sadd.s32 $0x20, s1;
	v8 =	vbroadcast v10, $0x0  }
0x360: {  	_ =	sdelay $0x3  }
0x361: {  	v10 =	vand.u32 $0x78, v6;
	[tilespmem:v7+s4+$0x0] =	vst.idx.msk $0xffff, v9;
	s13 =	sadd.s32 $0x20, s13  }
0x362: {  	v6 =	vand.u32 $0x7, v6;
	v7 =	vld [tilespmem:s13+$0xFFFFFFF0];
	v8 =	vor.u32 v8, v10  }
0x363: {  	v6 =	vor.u32 v6, v8  }
0x364: {  	v8 =	vadd.s32 v0, v6;
	_ =	sdelay $0x2  }
0x365: {  	v58 =	vmul.f32 $9.797959320e+00, v7  }
0x366: {  	v7 =	vmul.f32 $5.656854150e+00, v7  }
0x367: {  	[tilespmem:v8+s4+$0x0] =	vst.idx.msk $0xffff, v58  }
0x368: {  	[tilespmem:v8+s12+$0x0] =	vst.idx.msk $0xffff, v7  }
0x369: {  	v7 =	vld [tilespmem:s13+$0x0];
	_ =	sdelay $0x1  }
0x36a: {  	v59 =	vadd.s32 v1, v6;
	_ =	sdelay $0x2  }
0x36b: {  	v60 =	vmul.f32 $9.797959320e+00, v7  }
0x36c: {  	v7 =	vmul.f32 $5.656854150e+00, v7  }
0x36d: {  	[tilespmem:v59+s4+$0x0] =	vst.idx.msk $0xffff, v60  }
0x36e: {  	s22 =	sadd.s32 $0x20, s17;
	[tilespmem:v59+s12+$0x0] =	vst.idx.msk $0xffff, v7  }
0x36f: {  	v7 =	vld [tilespmem:s22+$0xFFFFFFF0];
	_ =	sdelay $0x1  }
0x370: {  	v61 =	vadd.s32 v2, v6;
	_ =	sdelay $0x2  }
0x371: {  	v7 =	vmul.f32 $9.797959320e+00, v7;
	_ =	sdelay $0x1  }
0x372: {  	[tilespmem:v61+s4+$0x0] =	vst.idx.msk $0xffff, v7  }
0x373: {  	v7 =	vld [tilespmem:s22+$0x0];
	_ =	sdelay $0x1  }
0x374: {  	v62 =	vadd.s32 v3, v6;
	_ =	sdelay $0x2  }
0x375: {  	v7 =	vmul.f32 $9.797959320e+00, v7;
	_ =	sdelay $0x1  }
0x376: {  	[tilespmem:v62+s4+$0x0] =	vst.idx.msk $0xffff, v7  }
0x377: {  	v7 =	vld [tilespmem:s1+$0xFFFFFFF0];
	_ =	sdelay $0x1  }
0x378: {  	v63 =	vadd.s32 v4, v6;
	_ =	sdelay $0x2  }
0x379: {  	v7 =	vmul.f32 $9.797959320e+00, v7;
	_ =	sdelay $0x1  }
0x37a: {  	[tilespmem:v63+s4+$0x0] =	vst.idx.msk $0xffff, v7  }
0x37b: {  	v7 =	vld [tilespmem:s1+$0x0];
	_ =	sdelay $0x1  }
0x37c: {  	v6 =	vadd.s32 v5, v6;
	_ =	sdelay $0x2  }
0x37d: {  	v7 =	vmul.f32 $9.797959320e+00, v7;
	_ =	sdelay $0x1  }
0x37e: {  	s23 =	simm.s32 $0xC600;
	[tilespmem:v6+s4+$0x0] =	vst.idx.msk $0xffff, v7  }
0x37f: {  	[hbm4b:s15+s3] =	stream.linear.scatter [tilespmem:s23], [sflag:$0x3], $0x80, $0x38;
	[tilespmem:$0x15600] =	vst v63  }
0x380: {  	s24 =	simm.s32 $0xC690;
	s29 =	sadd.s32 $0x10, s15  }
0x381: {  	[hbm4b:s29+s3] =	stream.linear.scatter [tilespmem:s24], [sflag:$0x3], $0x80, $0x38;
	[tilespmem:$0x15600] =	vst v63  }
0x382: {  	s30 =	simm.s32 $0xC720;
	s31 =	sadd.s32 $0x20, s15  }
0x383: {  	[hbm4b:s31+s3] =	stream.linear.scatter [tilespmem:s30], [sflag:$0x3], $0x80, $0x38;
	[tilespmem:$0x15600] =	vst v63  }
0x384: {  	s17 =	simm.s32 $0xC7B0;
	s21 =	sadd.s32 $0x30, s15  }
0x385: {  	[hbm4b:s21+s3] =	stream.linear.scatter [tilespmem:s17], [sflag:$0x3], $0x80, $0x38;
	[tilespmem:$0x15600] =	vst v63  }
0x386: {  	s22 =	simm.s32 $0xC840;
	s23 =	sadd.s32 $0x40, s15  }
0x387: {  	[hbm4b:s23+s3] =	stream.linear.scatter [tilespmem:s22], [sflag:$0x3], $0x80, $0x38;
	[tilespmem:$0x15600] =	vst v63  }
0x388: {  	s24 =	simm.s32 $0xC8D0;
	s29 =	sadd.s32 $0x50, s15  }
0x389: {  	[hbm4b:s29+s3] =	stream.linear.scatter [tilespmem:s24], [sflag:$0x3], $0x80, $0x38;
	[tilespmem:$0x15600] =	vst v63  }
0x38a: {  	s30 =	simm.s32 $0xC960;
	s31 =	sadd.s32 $0x60, s15  }
0x38b: {  	[hbm4b:s31+s3] =	stream.linear.scatter [tilespmem:s30], [sflag:$0x3], $0x80, $0x38;
	[tilespmem:$0x15600] =	vst v63  }
0x38c: {  	s17 =	simm.s32 $0xC9F0;
	s21 =	sadd.s32 $0x70, s15  }
0x38d: {  	[hbm4b:s21+s3] =	stream.linear.scatter [tilespmem:s17], [sflag:$0x3], $0x80, $0x38;
	[tilespmem:$0x15600] =	vst v63  }
0x38e: {  	s22 =	simm.s32 $0xCA80;
	s23 =	sadd.s32 $0x80, s15  }
0x38f: {  	[hbm4b:s23+s3] =	stream.linear.scatter [tilespmem:s22], [sflag:$0x3], $0x80, $0x38;
	[tilespmem:$0x15600] =	vst v63  }
0x390: {  	s24 =	simm.s32 $0xCB10;
	s29 =	sadd.s32 $0x90, s15  }
0x391: {  	[hbm4b:s29+s3] =	stream.linear.scatter [tilespmem:s24], [sflag:$0x3], $0x80, $0x38;
	[tilespmem:$0x15600] =	vst v63  }
0x392: {  	s13 =	sadd.s32 $0x400, s15;
	s30 =	simm.s32 $0xCBA0;
	s31 =	sadd.s32 $0xA0, s15  }
0x393: {  	[hbm4b:s31+s3] =	stream.linear.scatter [tilespmem:s30], [sflag:$0x3], $0x80, $0x38;
	[tilespmem:$0x15600] =	vst v63  }
0x394: {  	s1 =	simm.s32 $0x900;
	s17 =	simm.s32 $0xCC30;
	s21 =	sadd.s32 $0xB0, s15  }
0x395: {  	[hbm4b:s21+s3] =	stream.linear.scatter [tilespmem:s17], [sflag:$0x3], $0x80, $0x38;
	[tilespmem:$0x15600] =	vst v63  }
0x396: {  	s22 =	simm.s32 $0xCCC0;
	s23 =	sadd.s32 $0xC0, s15;
	s24 =	simm.s32 $0xCD50  }
0x397: {  	[hbm4b:s23+s3] =	stream.linear.scatter [tilespmem:s22], [sflag:$0x3], $0x80, $0x38;
	[tilespmem:$0x15600] =	vst v63  }
0x398: {  	s29 =	sadd.s32 $0xD0, s15;
	s30 =	simm.s32 $0xCDE0;
	s31 =	sadd.s32 $0xE0, s15  }
0x399: {  	[hbm4b:s29+s3] =	stream.linear.scatter [tilespmem:s24], [sflag:$0x3], $0x80, $0x38;
	[tilespmem:$0x15600] =	vst v63  }
0x39a: {  	s17 =	simm.s32 $0xCE70;
	s22 =	simm.s32 $0x4800;
	s23 =	sadd.s32 $0xF0, s15  }
0x39b: {  	[hbm4b:s31+s3] =	stream.linear.scatter [tilespmem:s30], [sflag:$0x3], $0x80, $0x38;
	[tilespmem:$0x15600] =	vst v63  }
.LBB2_18:
0x39c: {  	[hbm4b:s23+s3] =	stream.linear.scatter [tilespmem:s17], [sflag:$0x3], $0x80, $0x38;
	[tilespmem:$0x15600] =	vst v63  }
0x39d: {  	s17 =	smov.u32 s1;
	s1 =	smov.u32 s22  }
0x39e: {  	s21 =	sadd.s32 $0x2400, s22;
	s1 =	sshra.s32 s1, $0x2;
	s23 =	sadd.s32 $0xC600, s17  }
0x39f: {  	[hbm4b:s13+s3] =	stream.linear.scatter [tilespmem:s23], [sflag:$0x3], $0x80, $0x38;
	[tilespmem:$0x15600] =	vst v63  }
0x3a0: {  	p0 =	sne.s32 s22, $0x6C00;
	s22 =	sadd.s32 $0xC690, s17;
	s23 =	sadd.s32 $0x10, s13  }
0x3a1: {  	[hbm4b:s23+s3] =	stream.linear.scatter [tilespmem:s22], [sflag:$0x3], $0x80, $0x38;
	[tilespmem:$0x15600] =	vst v63  }
0x3a2: {  	s22 =	sadd.s32 $0xC720, s17;
	s23 =	sadd.s32 $0x20, s13  }
0x3a3: {  	[hbm4b:s23+s3] =	stream.linear.scatter [tilespmem:s22], [sflag:$0x3], $0x80, $0x38;
	[tilespmem:$0x15600] =	vst v63  }
0x3a4: {  	s22 =	sadd.s32 $0xC7B0, s17;
	s23 =	sadd.s32 $0x30, s13  }
0x3a5: {  	[hbm4b:s23+s3] =	stream.linear.scatter [tilespmem:s22], [sflag:$0x3], $0x80, $0x38;
	[tilespmem:$0x15600] =	vst v63  }
0x3a6: {  	s22 =	sadd.s32 $0xC840, s17;
	s23 =	sadd.s32 $0x40, s13  }
0x3a7: {  	[hbm4b:s23+s3] =	stream.linear.scatter [tilespmem:s22], [sflag:$0x3], $0x80, $0x38;
	[tilespmem:$0x15600] =	vst v63  }
0x3a8: {  	s22 =	sadd.s32 $0xC8D0, s17;
	s23 =	sadd.s32 $0x50, s13  }
0x3a9: {  	[hbm4b:s23+s3] =	stream.linear.scatter [tilespmem:s22], [sflag:$0x3], $0x80, $0x38;
	[tilespmem:$0x15600] =	vst v63  }
0x3aa: {  	s22 =	sadd.s32 $0xC960, s17;
	s23 =	sadd.s32 $0x60, s13  }
0x3ab: {  	[hbm4b:s23+s3] =	stream.linear.scatter [tilespmem:s22], [sflag:$0x3], $0x80, $0x38;
	[tilespmem:$0x15600] =	vst v63  }
0x3ac: {  	s22 =	sadd.s32 $0xC9F0, s17;
	s23 =	sadd.s32 $0x70, s13  }
0x3ad: {  	[hbm4b:s23+s3] =	stream.linear.scatter [tilespmem:s22], [sflag:$0x3], $0x80, $0x38;
	[tilespmem:$0x15600] =	vst v63  }
0x3ae: {  	s22 =	sadd.s32 $0xCA80, s17;
	s23 =	sadd.s32 $0x80, s13  }
0x3af: {  	[hbm4b:s23+s3] =	stream.linear.scatter [tilespmem:s22], [sflag:$0x3], $0x80, $0x38;
	[tilespmem:$0x15600] =	vst v63  }
0x3b0: {  	s22 =	sadd.s32 $0xCB10, s17;
	s23 =	sadd.s32 $0x90, s13  }
0x3b1: {  	[hbm4b:s23+s3] =	stream.linear.scatter [tilespmem:s22], [sflag:$0x3], $0x80, $0x38;
	[tilespmem:$0x15600] =	vst v63  }
0x3b2: {  	s22 =	sadd.s32 $0xCBA0, s17;
	s23 =	sadd.s32 $0xA0, s13  }
0x3b3: {  	[hbm4b:s23+s3] =	stream.linear.scatter [tilespmem:s22], [sflag:$0x3], $0x80, $0x38;
	[tilespmem:$0x15600] =	vst v63  }
0x3b4: {  	s22 =	sadd.s32 $0xCC30, s17;
	s23 =	sadd.s32 $0xB0, s13  }
0x3b5: {  	[hbm4b:s23+s3] =	stream.linear.scatter [tilespmem:s22], [sflag:$0x3], $0x80, $0x38;
	[tilespmem:$0x15600] =	vst v63  }
0x3b6: {  	s22 =	sadd.s32 $0xCCC0, s17;
	s23 =	sadd.s32 $0xC0, s13  }
0x3b7: {  	[hbm4b:s23+s3] =	stream.linear.scatter [tilespmem:s22], [sflag:$0x3], $0x80, $0x38;
	[tilespmem:$0x15600] =	vst v63  }
.Ltmp8:
0x3b8: {  	s22 =	sadd.s32 $0xCD50, s17;
	s23 =	sadd.s32 $0xD0, s13;
	(pc) =	sbr.rel @p0 .LBB2_18-.Ltmp8, $4  }
0x3b9: {  	[hbm4b:s23+s3] =	stream.linear.scatter [tilespmem:s22], [sflag:$0x3], $0x80, $0x38;
	[tilespmem:$0x15600] =	vst v63  }
0x3ba: {  	s22 =	sadd.s32 $0xCDE0, s17;
	s23 =	sadd.s32 $0xE0, s13;
	s17 =	sadd.s32 $0xCE70, s17  }
0x3bb: {  	[hbm4b:s23+s3] =	stream.linear.scatter [tilespmem:s22], [sflag:$0x3], $0x80, $0x38;
	[tilespmem:$0x15600] =	vst v63  }
0x3bc: {  	s23 =	sadd.s32 $0xF0, s13;
	s13 =	sadd.s32 $0x400, s13;
	s22 =	smov.u32 s21  }
0x3bd: {  	[hbm4b:s23+s3] =	stream.linear.scatter [tilespmem:s17], [sflag:$0x3], $0x80, $0x38;
	[tilespmem:$0x15600] =	vst v63  }
0x3be: {  	s24 =	sadd.s32 $0xC600, s1  }
0x3bf: {  	[hbm4b:s13+s3] =	stream.linear.scatter [tilespmem:s24], [sflag:$0x3], $0x80, $0x38;
	[tilespmem:$0x15600] =	vst v63  }
0x3c0: {  	s29 =	sadd.s32 $0xC690, s1;
	s21 =	sadd.s32 $0x10, s13  }
0x3c1: {  	[hbm4b:s21+s3] =	stream.linear.scatter [tilespmem:s29], [sflag:$0x3], $0x80, $0x38;
	[tilespmem:$0x15600] =	vst v63  }
0x3c2: {  	s30 =	sadd.s32 $0xC720, s1;
	s31 =	sadd.s32 $0x20, s13  }
0x3c3: {  	[hbm4b:s31+s3] =	stream.linear.scatter [tilespmem:s30], [sflag:$0x3], $0x80, $0x38;
	[tilespmem:$0x15600] =	vst v63  }
0x3c4: {  	s22 =	sadd.s32 $0xC7B0, s1;
	s23 =	sadd.s32 $0x30, s13  }
0x3c5: {  	[hbm4b:s23+s3] =	stream.linear.scatter [tilespmem:s22], [sflag:$0x3], $0x80, $0x38;
	[tilespmem:$0x15600] =	vst v63  }
0x3c6: {  	s24 =	sadd.s32 $0xC840, s1;
	s29 =	sadd.s32 $0x40, s13  }
0x3c7: {  	[hbm4b:s29+s3] =	stream.linear.scatter [tilespmem:s24], [sflag:$0x3], $0x80, $0x38;
	[tilespmem:$0x15600] =	vst v63  }
0x3c8: {  	s30 =	sadd.s32 $0xC8D0, s1;
	s31 =	sadd.s32 $0x50, s13  }
0x3c9: {  	[hbm4b:s31+s3] =	stream.linear.scatter [tilespmem:s30], [sflag:$0x3], $0x80, $0x38;
	[tilespmem:$0x15600] =	vst v63  }
0x3ca: {  	s22 =	sadd.s32 $0xC960, s1;
	s23 =	sadd.s32 $0x60, s13  }
0x3cb: {  	[hbm4b:s23+s3] =	stream.linear.scatter [tilespmem:s22], [sflag:$0x3], $0x80, $0x38;
	[tilespmem:$0x15600] =	vst v63  }
0x3cc: {  	s24 =	sadd.s32 $0xC9F0, s1;
	s29 =	sadd.s32 $0x70, s13  }
0x3cd: {  	[hbm4b:s29+s3] =	stream.linear.scatter [tilespmem:s24], [sflag:$0x3], $0x80, $0x38;
	[tilespmem:$0x15600] =	vst v63  }
0x3ce: {  	s30 =	sadd.s32 $0xCA80, s1;
	s31 =	sadd.s32 $0x80, s13  }
0x3cf: {  	[hbm4b:s31+s3] =	stream.linear.scatter [tilespmem:s30], [sflag:$0x3], $0x80, $0x38;
	[tilespmem:$0x15600] =	vst v63  }
0x3d0: {  	s22 =	sadd.s32 $0xCB10, s1;
	s23 =	sadd.s32 $0x90, s13  }
0x3d1: {  	[hbm4b:s23+s3] =	stream.linear.scatter [tilespmem:s22], [sflag:$0x3], $0x80, $0x38;
	[tilespmem:$0x15600] =	vst v63  }
0x3d2: {  	s24 =	sadd.s32 $0xCBA0, s1;
	s29 =	sadd.s32 $0xA0, s13  }
0x3d3: {  	[hbm4b:s29+s3] =	stream.linear.scatter [tilespmem:s24], [sflag:$0x3], $0x80, $0x38;
	[tilespmem:$0x15600] =	vst v63  }
0x3d4: {  	s30 =	sadd.s32 $0xCC30, s1;
	s31 =	sadd.s32 $0xB0, s13  }
0x3d5: {  	[hbm4b:s31+s3] =	stream.linear.scatter [tilespmem:s30], [sflag:$0x3], $0x80, $0x38;
	[tilespmem:$0x15600] =	vst v63  }
0x3d6: {  	s22 =	sadd.s32 $0xCCC0, s1;
	s23 =	sadd.s32 $0xC0, s13  }
0x3d7: {  	[hbm4b:s23+s3] =	stream.linear.scatter [tilespmem:s22], [sflag:$0x3], $0x80, $0x38;
	[tilespmem:$0x15600] =	vst v63  }
0x3d8: {  	s24 =	sadd.s32 $0xCD50, s1;
	s29 =	sadd.s32 $0xD0, s13  }
0x3d9: {  	[hbm4b:s29+s3] =	stream.linear.scatter [tilespmem:s24], [sflag:$0x3], $0x80, $0x38;
	[tilespmem:$0x15600] =	vst v63  }
0x3da: {  	s30 =	sadd.s32 $0xCDE0, s1;
	s31 =	sadd.s32 $0xE0, s13  }
0x3db: {  	[hbm4b:s31+s3] =	stream.linear.scatter [tilespmem:s30], [sflag:$0x3], $0x80, $0x38;
	[tilespmem:$0x15600] =	vst v63  }
0x3dc: {  	s21 =	sadd.s32 $0xCE70, s1;
	s22 =	sadd.s32 $0xF0, s13  }
0x3dd: {  	[hbm4b:s22+s3] =	stream.linear.scatter [tilespmem:s21], [sflag:$0x3], $0x80, $0x38;
	[tilespmem:$0x15600] =	vst v63  }
0x3de: {  	_ =	swait.ge [sflag:s18], $0x2000  }
0x3df: {  	[sflag:s18] =	ssyncset.done $0x0  }
0x3e0: {  	s23 =	simm.s32 $0xEA00;
	[sflag:s18] =	ssyncadd.s32 $0xFFFFE000  }
0x3e1: {  	[hbm4b:s16+s3] =	stream.linear.scatter [tilespmem:s23], [sflag:$0x3], $0x80, $0x38;
	[tilespmem:$0x15600] =	vst v63  }
0x3e2: {  	s24 =	simm.s32 $0xEA90;
	s29 =	sadd.s32 $0x10, s16  }
0x3e3: {  	[hbm4b:s29+s3] =	stream.linear.scatter [tilespmem:s24], [sflag:$0x3], $0x80, $0x38;
	[tilespmem:$0x15600] =	vst v63  }
0x3e4: {  	s30 =	simm.s32 $0xEB20;
	s31 =	sadd.s32 $0x20, s16  }
0x3e5: {  	[hbm4b:s31+s3] =	stream.linear.scatter [tilespmem:s30], [sflag:$0x3], $0x80, $0x38;
	[tilespmem:$0x15600] =	vst v63  }
0x3e6: {  	s17 =	simm.s32 $0xEBB0;
	s21 =	sadd.s32 $0x30, s16  }
0x3e7: {  	[hbm4b:s21+s3] =	stream.linear.scatter [tilespmem:s17], [sflag:$0x3], $0x80, $0x38;
	[tilespmem:$0x15600] =	vst v63  }
0x3e8: {  	s22 =	simm.s32 $0xEC40;
	s23 =	sadd.s32 $0x40, s16  }
0x3e9: {  	[hbm4b:s23+s3] =	stream.linear.scatter [tilespmem:s22], [sflag:$0x3], $0x80, $0x38;
	[tilespmem:$0x15600] =	vst v63  }
0x3ea: {  	s24 =	simm.s32 $0xECD0;
	s29 =	sadd.s32 $0x50, s16  }
0x3eb: {  	[hbm4b:s29+s3] =	stream.linear.scatter [tilespmem:s24], [sflag:$0x3], $0x80, $0x38;
	[tilespmem:$0x15600] =	vst v63  }
0x3ec: {  	s30 =	simm.s32 $0xED60;
	s31 =	sadd.s32 $0x60, s16  }
0x3ed: {  	[hbm4b:s31+s3] =	stream.linear.scatter [tilespmem:s30], [sflag:$0x3], $0x80, $0x38;
	[tilespmem:$0x15600] =	vst v63  }
0x3ee: {  	s17 =	simm.s32 $0xEDF0;
	s21 =	sadd.s32 $0x70, s16  }
0x3ef: {  	[hbm4b:s21+s3] =	stream.linear.scatter [tilespmem:s17], [sflag:$0x3], $0x80, $0x38;
	[tilespmem:$0x15600] =	vst v63  }
0x3f0: {  	s22 =	simm.s32 $0xEE80;
	s23 =	sadd.s32 $0x80, s16  }
0x3f1: {  	[hbm4b:s23+s3] =	stream.linear.scatter [tilespmem:s22], [sflag:$0x3], $0x80, $0x38;
	[tilespmem:$0x15600] =	vst v63  }
0x3f2: {  	s24 =	simm.s32 $0xEF10;
	s29 =	sadd.s32 $0x90, s16  }
0x3f3: {  	[hbm4b:s29+s3] =	stream.linear.scatter [tilespmem:s24], [sflag:$0x3], $0x80, $0x38;
	[tilespmem:$0x15600] =	vst v63  }
0x3f4: {  	s1 =	simm.s32 $0x900;
	s30 =	simm.s32 $0xEFA0;
	s31 =	sadd.s32 $0xA0, s16  }
0x3f5: {  	[hbm4b:s31+s3] =	stream.linear.scatter [tilespmem:s30], [sflag:$0x3], $0x80, $0x38;
	[tilespmem:$0x15600] =	vst v63  }
0x3f6: {  	s13 =	sadd.s32 $0x400, s16;
	s17 =	simm.s32 $0xF030;
	s21 =	sadd.s32 $0xB0, s16  }
0x3f7: {  	[hbm4b:s21+s3] =	stream.linear.scatter [tilespmem:s17], [sflag:$0x3], $0x80, $0x38;
	[tilespmem:$0x15600] =	vst v63  }
0x3f8: {  	s22 =	simm.s32 $0xF0C0;
	s23 =	sadd.s32 $0xC0, s16;
	s24 =	simm.s32 $0xF150  }
0x3f9: {  	[hbm4b:s23+s3] =	stream.linear.scatter [tilespmem:s22], [sflag:$0x3], $0x80, $0x38;
	[tilespmem:$0x15600] =	vst v63  }
0x3fa: {  	s29 =	sadd.s32 $0xD0, s16;
	s30 =	simm.s32 $0xF1E0;
	s31 =	sadd.s32 $0xE0, s16  }
0x3fb: {  	[hbm4b:s29+s3] =	stream.linear.scatter [tilespmem:s24], [sflag:$0x3], $0x80, $0x38;
	[tilespmem:$0x15600] =	vst v63  }
0x3fc: {  	s17 =	simm.s32 $0xF270;
	s22 =	simm.s32 $0x4800;
	s23 =	sadd.s32 $0xF0, s16  }
0x3fd: {  	[hbm4b:s31+s3] =	stream.linear.scatter [tilespmem:s30], [sflag:$0x3], $0x80, $0x38;
	[tilespmem:$0x15600] =	vst v63  }
.LBB2_20:
0x3fe: {  	[hbm4b:s23+s3] =	stream.linear.scatter [tilespmem:s17], [sflag:$0x3], $0x80, $0x38;
	[tilespmem:$0x15600] =	vst v63  }
0x3ff: {  	s17 =	smov.u32 s1;
	s1 =	smov.u32 s22  }
0x400: {  	s21 =	sadd.s32 $0x2400, s22;
	s1 =	sshra.s32 s1, $0x2;
	s23 =	sadd.s32 $0xEA00, s17  }
0x401: {  	[hbm4b:s13+s3] =	stream.linear.scatter [tilespmem:s23], [sflag:$0x3], $0x80, $0x38;
	[tilespmem:$0x15600] =	vst v63  }
0x402: {  	p0 =	sne.s32 s22, $0x18C00;
	s22 =	sadd.s32 $0xEA90, s17;
	s23 =	sadd.s32 $0x10, s13  }
0x403: {  	[hbm4b:s23+s3] =	stream.linear.scatter [tilespmem:s22], [sflag:$0x3], $0x80, $0x38;
	[tilespmem:$0x15600] =	vst v63  }
0x404: {  	s22 =	sadd.s32 $0xEB20, s17;
	s23 =	sadd.s32 $0x20, s13  }
0x405: {  	[hbm4b:s23+s3] =	stream.linear.scatter [tilespmem:s22], [sflag:$0x3], $0x80, $0x38;
	[tilespmem:$0x15600] =	vst v63  }
0x406: {  	s22 =	sadd.s32 $0xEBB0, s17;
	s23 =	sadd.s32 $0x30, s13  }
0x407: {  	[hbm4b:s23+s3] =	stream.linear.scatter [tilespmem:s22], [sflag:$0x3], $0x80, $0x38;
	[tilespmem:$0x15600] =	vst v63  }
0x408: {  	s22 =	sadd.s32 $0xEC40, s17;
	s23 =	sadd.s32 $0x40, s13  }
0x409: {  	[hbm4b:s23+s3] =	stream.linear.scatter [tilespmem:s22], [sflag:$0x3], $0x80, $0x38;
	[tilespmem:$0x15600] =	vst v63  }
0x40a: {  	s22 =	sadd.s32 $0xECD0, s17;
	s23 =	sadd.s32 $0x50, s13  }
0x40b: {  	[hbm4b:s23+s3] =	stream.linear.scatter [tilespmem:s22], [sflag:$0x3], $0x80, $0x38;
	[tilespmem:$0x15600] =	vst v63  }
0x40c: {  	s22 =	sadd.s32 $0xED60, s17;
	s23 =	sadd.s32 $0x60, s13  }
0x40d: {  	[hbm4b:s23+s3] =	stream.linear.scatter [tilespmem:s22], [sflag:$0x3], $0x80, $0x38;
	[tilespmem:$0x15600] =	vst v63  }
0x40e: {  	s22 =	sadd.s32 $0xEDF0, s17;
	s23 =	sadd.s32 $0x70, s13  }
0x40f: {  	[hbm4b:s23+s3] =	stream.linear.scatter [tilespmem:s22], [sflag:$0x3], $0x80, $0x38;
	[tilespmem:$0x15600] =	vst v63  }
0x410: {  	s22 =	sadd.s32 $0xEE80, s17;
	s23 =	sadd.s32 $0x80, s13  }
0x411: {  	[hbm4b:s23+s3] =	stream.linear.scatter [tilespmem:s22], [sflag:$0x3], $0x80, $0x38;
	[tilespmem:$0x15600] =	vst v63  }
0x412: {  	s22 =	sadd.s32 $0xEF10, s17;
	s23 =	sadd.s32 $0x90, s13  }
0x413: {  	[hbm4b:s23+s3] =	stream.linear.scatter [tilespmem:s22], [sflag:$0x3], $0x80, $0x38;
	[tilespmem:$0x15600] =	vst v63  }
0x414: {  	s22 =	sadd.s32 $0xEFA0, s17;
	s23 =	sadd.s32 $0xA0, s13  }
0x415: {  	[hbm4b:s23+s3] =	stream.linear.scatter [tilespmem:s22], [sflag:$0x3], $0x80, $0x38;
	[tilespmem:$0x15600] =	vst v63  }
0x416: {  	s22 =	sadd.s32 $0xF030, s17;
	s23 =	sadd.s32 $0xB0, s13  }
0x417: {  	[hbm4b:s23+s3] =	stream.linear.scatter [tilespmem:s22], [sflag:$0x3], $0x80, $0x38;
	[tilespmem:$0x15600] =	vst v63  }
0x418: {  	s22 =	sadd.s32 $0xF0C0, s17;
	s23 =	sadd.s32 $0xC0, s13  }
0x419: {  	[hbm4b:s23+s3] =	stream.linear.scatter [tilespmem:s22], [sflag:$0x3], $0x80, $0x38;
	[tilespmem:$0x15600] =	vst v63  }
.Ltmp9:
0x41a: {  	s22 =	sadd.s32 $0xF150, s17;
	s23 =	sadd.s32 $0xD0, s13;
	(pc) =	sbr.rel @p0 .LBB2_20-.Ltmp9, $4  }
0x41b: {  	[hbm4b:s23+s3] =	stream.linear.scatter [tilespmem:s22], [sflag:$0x3], $0x80, $0x38;
	[tilespmem:$0x15600] =	vst v63  }
0x41c: {  	s22 =	sadd.s32 $0xF1E0, s17;
	s23 =	sadd.s32 $0xE0, s13;
	s17 =	sadd.s32 $0xF270, s17  }
0x41d: {  	[hbm4b:s23+s3] =	stream.linear.scatter [tilespmem:s22], [sflag:$0x3], $0x80, $0x38;
	[tilespmem:$0x15600] =	vst v63  }
0x41e: {  	s23 =	sadd.s32 $0xF0, s13;
	s13 =	sadd.s32 $0x400, s13;
	s22 =	smov.u32 s21  }
0x41f: {  	[hbm4b:s23+s3] =	stream.linear.scatter [tilespmem:s17], [sflag:$0x3], $0x80, $0x38;
	[tilespmem:$0x15600] =	vst v63  }
0x420: {  	s30 =	sadd.s32 $0xEA00, s1  }
0x421: {  	[hbm4b:s13+s3] =	stream.linear.scatter [tilespmem:s30], [sflag:$0x3], $0x80, $0x38;
	[tilespmem:$0x15600] =	vst v63  }
0x422: {  	s31 =	sadd.s32 $0xEA90, s1;
	s21 =	sadd.s32 $0x10, s13  }
0x423: {  	[hbm4b:s21+s3] =	stream.linear.scatter [tilespmem:s31], [sflag:$0x3], $0x80, $0x38;
	[tilespmem:$0x15600] =	vst v63  }
0x424: {  	s22 =	sadd.s32 $0xEB20, s1;
	s23 =	sadd.s32 $0x20, s13  }
0x425: {  	[hbm4b:s23+s3] =	stream.linear.scatter [tilespmem:s22], [sflag:$0x3], $0x80, $0x38;
	[tilespmem:$0x15600] =	vst v63  }
0x426: {  	s24 =	sadd.s32 $0xEBB0, s1;
	s29 =	sadd.s32 $0x30, s13  }
0x427: {  	[hbm4b:s29+s3] =	stream.linear.scatter [tilespmem:s24], [sflag:$0x3], $0x80, $0x38;
	[tilespmem:$0x15600] =	vst v63  }
0x428: {  	s30 =	sadd.s32 $0xEC40, s1;
	s31 =	sadd.s32 $0x40, s13  }
0x429: {  	[hbm4b:s31+s3] =	stream.linear.scatter [tilespmem:s30], [sflag:$0x3], $0x80, $0x38;
	[tilespmem:$0x15600] =	vst v63  }
0x42a: {  	s22 =	sadd.s32 $0xECD0, s1;
	s23 =	sadd.s32 $0x50, s13  }
0x42b: {  	[hbm4b:s23+s3] =	stream.linear.scatter [tilespmem:s22], [sflag:$0x3], $0x80, $0x38;
	[tilespmem:$0x15600] =	vst v63  }
0x42c: {  	s24 =	sadd.s32 $0xED60, s1;
	s29 =	sadd.s32 $0x60, s13  }
0x42d: {  	[hbm4b:s29+s3] =	stream.linear.scatter [tilespmem:s24], [sflag:$0x3], $0x80, $0x38;
	[tilespmem:$0x15600] =	vst v63  }
0x42e: {  	s30 =	sadd.s32 $0xEDF0, s1;
	s31 =	sadd.s32 $0x70, s13  }
0x42f: {  	[hbm4b:s31+s3] =	stream.linear.scatter [tilespmem:s30], [sflag:$0x3], $0x80, $0x38;
	[tilespmem:$0x15600] =	vst v63  }
0x430: {  	s22 =	sadd.s32 $0xEE80, s1;
	s23 =	sadd.s32 $0x80, s13  }
0x431: {  	[hbm4b:s23+s3] =	stream.linear.scatter [tilespmem:s22], [sflag:$0x3], $0x80, $0x38;
	[tilespmem:$0x15600] =	vst v63  }
0x432: {  	s24 =	sadd.s32 $0xEF10, s1;
	s29 =	sadd.s32 $0x90, s13  }
0x433: {  	[hbm4b:s29+s3] =	stream.linear.scatter [tilespmem:s24], [sflag:$0x3], $0x80, $0x38;
	[tilespmem:$0x15600] =	vst v63  }
0x434: {  	s30 =	sadd.s32 $0xEFA0, s1;
	s31 =	sadd.s32 $0xA0, s13  }
0x435: {  	[hbm4b:s31+s3] =	stream.linear.scatter [tilespmem:s30], [sflag:$0x3], $0x80, $0x38;
	[tilespmem:$0x15600] =	vst v63  }
0x436: {  	s22 =	sadd.s32 $0xF030, s1;
	s23 =	sadd.s32 $0xB0, s13  }
0x437: {  	[hbm4b:s23+s3] =	stream.linear.scatter [tilespmem:s22], [sflag:$0x3], $0x80, $0x38;
	[tilespmem:$0x15600] =	vst v63  }
0x438: {  	s24 =	sadd.s32 $0xF0C0, s1;
	s29 =	sadd.s32 $0xC0, s13  }
0x439: {  	[hbm4b:s29+s3] =	stream.linear.scatter [tilespmem:s24], [sflag:$0x3], $0x80, $0x38;
	[tilespmem:$0x15600] =	vst v63  }
0x43a: {  	s30 =	sadd.s32 $0xF150, s1;
	s31 =	sadd.s32 $0xD0, s13  }
0x43b: {  	[hbm4b:s31+s3] =	stream.linear.scatter [tilespmem:s30], [sflag:$0x3], $0x80, $0x38;
	[tilespmem:$0x15600] =	vst v63  }
0x43c: {  	s22 =	sadd.s32 $0xF1E0, s1;
	s23 =	sadd.s32 $0xE0, s13  }
0x43d: {  	[hbm4b:s23+s3] =	stream.linear.scatter [tilespmem:s22], [sflag:$0x3], $0x80, $0x38;
	[tilespmem:$0x15600] =	vst v63  }
0x43e: {  	s24 =	sadd.s32 $0xF270, s1;
	s29 =	sadd.s32 $0xF0, s13  }
0x43f: {  	[hbm4b:s29+s3] =	stream.linear.scatter [tilespmem:s24], [sflag:$0x3], $0x80, $0x38;
	[tilespmem:$0x15600] =	vst v63  }
0x440: {  	_ =	swait.ge [sflag:s18], $0x6000  }
0x441: {  	s30 =	rddreg [dreg:$0x7]  }
0x442: {  	s31 =	rddreg [dreg:$0x6];
	s13 =	sadd.s32 $0x1, s30  }
0x443: {  	p0 =	sne.s32 s13, s31  }
.Ltmp10:
0x444: {  	_ = 	snop;
	(pc) =	sbr.rel @p0 .LBB2_1-.Ltmp10, $3  }
0x445: {  	_ =	sdelay $0x1  }
0x446: {  	[sflag:s18] =	ssyncset.done $0x0  }
0x447: {  	[sflag:s18] =	ssyncadd.s32 $0xFFFFA000  }
0x448: {  	_ =	sfence.sel $0x180000  }
0x449: {  	[bflag:$0x0] =	sbarrier.arrive $0xFFFF  }
0x44a: {  	_ =	strace $0x90000047  }
0x44b: {  	s0 =	stileid.u32;
	[bflag:$0x2] =	sbarrier.arrive $0xFFFF  }
0x44c: {  	p0 =	sne.s32 s0, $0x0;
	s0 =	rddreg [dreg:$0x3]  }
0x44d: {  	s0 =	sadd.s32 @!p0 $0x100000, s0  }
0x44e: {  	[sflag:s0] =	ssyncadd.tile.s32 @!p0 $0x1;
	_ =	shalt  }
.Lfunc_end2:
_tile_overlayer_lowered:
.L_overlay_start_2:
0x44f: {  	(tag) =	ssettag $0x2  }
0x450: {  	s0 =	rddreg [dreg:$0x0];
	s2 =	stileid.u32  }
0x451: {  	s1 =	rddreg [dreg:$0x1];
	p0 =	sne.s32 s2, $0x0  }
0x452: {  	s3 =	rddreg [dreg:$0x2];
	[bflag:$0x3] =	sbarrier.arrive $0xFFFF;
	s2 =	simm.s32 @!p0 $0x1C03  }
0x453: {  	[timem:s3], [sflag:s2] =	dma.local @!p0 [hbm:s0], s1  }
0x454: {  	s0 =	simm.s32 @!p0 $0x3  }
0x455: {  	_ =	swait.ge @!p0 [sflag:s0], s1  }
0x456: {  	s1 =	ssub.s32 @!p0 $0x0, s1;
	[sflag:s0] =	ssyncset.done @!p0 $0x0  }
0x457: {  	[sflag:s0] =	ssyncadd.s32 @!p0 s1  }
0x458: {  	[bflag:$0x3] =	sbarrier.arrive $0xFFFF  }
0x459: {  	_ =	shalt  }

</sc_bundles>
